<compile_context>
chip_gen: v7x
topology: tpu7x:2x2x1
jax: 0.10.2.dev20260603
libtpu: 0.0.44.dev20260713+nightly
codegen_flags: <defaults>
</compile_context>

<pallas_src>
import functools

import jax
import jax.numpy as jnp
from jax import lax
from jax.experimental import pallas as pl
from jax.experimental.pallas import tpu as pltpu
from jax.experimental.pallas import tpu_sc as plsc

B, H, N = 32, 8, 100000
L = 16
NC, NS = 2, 16
TB = 128
CTW = 13
WC = CTW * TB
RING = 6
NCH = 60
NROUND = NCH // RING
XTC = N - NCH * WC
GX = (NCH * WC) // L


@functools.partial(
    pl.kernel,
    mesh=plsc.VectorSubcoreMesh(core_axis_name="c", subcore_axis_name="s"),
    out_type=jax.ShapeDtypeStruct((B * L,), jnp.float32),
    scratch_types=[
        pltpu.VMEM((RING, H, WC), jnp.float32),
        pltpu.VMEM((H, XTC), jnp.float32),
        pltpu.VMEM((H, L), jnp.float32),
        pltpu.VMEM((H, L), jnp.int32),
        pltpu.VMEM((L,), jnp.float32),
        pltpu.SemaphoreType.DMA,
        pltpu.SemaphoreType.DMA,
        pltpu.SemaphoreType.DMA,
        pltpu.SemaphoreType.DMA,
        pltpu.SemaphoreType.DMA,
        pltpu.SemaphoreType.DMA,
        pltpu.SemaphoreType.DMA,
    ],
)
def _argmax_sc(x_hbm, out_hbm, buf, tbuf, mbuf, abuf, res,
               sem0, sem1, sem2, sem3, sem4, sem5, semt):
    c = lax.axis_index("c")
    s = lax.axis_index("s")
    b = s * NC + c
    sems = (sem0, sem1, sem2, sem3, sem4, sem5)
    iota = lax.iota(jnp.int32, L)

    def chunk_copy(ci, slot):
        return pltpu.make_async_copy(
            x_hbm.at[b, :, pl.ds(ci * WC, WC)], buf.at[slot], sems[slot])

    for k in range(RING):
        chunk_copy(k, k).start()
    pltpu.make_async_copy(
        x_hbm.at[b, :, pl.ds(NCH * WC, XTC)], tbuf, semt).start()

    def scan_groups(bufref, gbase, ngroups, ms, aas):
        def body(g, carry):
            mm = list(carry[:H])
            aa = list(carry[H:])
            col = g * L
            gv = jnp.broadcast_to(gbase + g, (L,))
            for r in range(H):
                v = bufref[r, pl.ds(col, L)]
                gt = v > mm[r]
                mm[r] = jnp.where(gt, v, mm[r])
                aa[r] = jnp.where(gt, gv, aa[r])
            return tuple(mm) + tuple(aa)

        carry = lax.fori_loop(0, ngroups, body, tuple(ms) + tuple(aas))
        return list(carry[:H]), list(carry[H:])

    ms = [jnp.full((L,), -jnp.inf, dtype=jnp.float32) for _ in range(H)]
    aas = [jnp.zeros((L,), dtype=jnp.int32) for _ in range(H)]

    def round_body(t, carry):
        ms = list(carry[:H])
        aas = list(carry[H:])
        for k in range(RING):
            ci = t * RING + k
            chunk_copy(ci, k).wait()
            ms, aas = scan_groups(buf.at[k], ci * (WC // L), WC // L, ms, aas)

            @pl.when(ci + RING < NCH)
            def _(ci=ci, k=k):
                chunk_copy(ci + RING, k).start()

        return tuple(ms) + tuple(aas)

    carry = lax.fori_loop(0, NROUND, round_body, tuple(ms) + tuple(aas))
    ms, aas = list(carry[:H]), list(carry[H:])

    pltpu.make_async_copy(
        x_hbm.at[b, :, pl.ds(NCH * WC, XTC)], tbuf, semt).wait()
    ms, aas = scan_groups(tbuf, GX, XTC // L, ms, aas)

    for r in range(H):
        mbuf[r] = ms[r]
        abuf[r] = aas[r]

    def head_body(r, resv):
        rm = mbuf[r]
        ra = (abuf[r] << 4) + iota
        for sh in (8, 4, 2, 1):
            perm = iota ^ sh
            mo = rm.at[perm].get(mode="promise_in_bounds")
            ao = ra.at[perm].get(mode="promise_in_bounds")
            better = (mo > rm) | ((mo == rm) & (ao < ra))
            rm = jnp.where(better, mo, rm)
            ra = jnp.where(better, ao, ra)
        val = ra.astype(jnp.float32) / jnp.float32(N)
        return jnp.where(iota == r, val, resv)

    res[...] = lax.fori_loop(0, H, head_body,
                             jnp.zeros((L,), dtype=jnp.float32))
    off = pl.multiple_of(b * L, 8)
    pltpu.sync_copy(res, out_hbm.at[pl.ds(off, L)])


def kernel(x):
    out = _argmax_sc(x)
    return out.reshape(B, L)[:, :H]

# --- scband reference (transcript-rebuilt; emitter-appended) ---
"""Pipeline reference for scband-argmax-ste-47708496724015 (READ-ONLY COPY).

The authoritative reference and input builder live on the scoring server;
editing this copy changes nothing except your own understanding.
"""

import jax, jax.numpy as jnp
import numpy as np


def setup_inputs(seed: int = 0) -> dict:
    key = jax.random.key(seed)
    x = jax.random.normal(key, (32, 8, 100000), dtype=jnp.float32)
    return {"x": x}


def reference(x):
    # ArgmaxSTE forward: argmax over last dim, cast to float, divide by x.shape[2]
    return jnp.argmax(x, axis=-1).astype(jnp.float32) / x.shape[2]

if __name__ == "__main__":
    import jax
    _d = setup_inputs()
    print(jax.jit(kernel)(*tuple(_d.values())))

</pallas_src>

<mosaic_0001>
#map = affine_map<(d0, d1) -> (0, 0, 0)>
#map1 = affine_map<(d0, d1) -> (0)>
module attributes {stable_mosaic.version = 14 : i64} {
  func.func @_argmax_sc(%arg0: i32, %arg1: i32, %arg2: memref<32x8x100000xf32, #tpu.memory_space<hbm>>, %arg3: memref<512xf32, #tpu.memory_space<hbm>>, %arg4: memref<6x8x1664xf32, #tpu.memory_space<vmem>>, %arg5: memref<8x160xf32, #tpu.memory_space<vmem>>, %arg6: memref<8x16xf32, #tpu.memory_space<vmem>>, %arg7: memref<8x16xi32, #tpu.memory_space<vmem>>, %arg8: memref<16xf32, #tpu.memory_space<vmem>>, %arg9: memref<!tpu.dma_semaphore, #tpu.memory_space<semaphore_mem>>, %arg10: memref<!tpu.dma_semaphore, #tpu.memory_space<semaphore_mem>>, %arg11: memref<!tpu.dma_semaphore, #tpu.memory_space<semaphore_mem>>, %arg12: memref<!tpu.dma_semaphore, #tpu.memory_space<semaphore_mem>>, %arg13: memref<!tpu.dma_semaphore, #tpu.memory_space<semaphore_mem>>, %arg14: memref<!tpu.dma_semaphore, #tpu.memory_space<semaphore_mem>>, %arg15: memref<!tpu.dma_semaphore, #tpu.memory_space<semaphore_mem>>) attributes {dimension_semantics = [#tpu.dimension_semantics<core_parallel>, #tpu.dimension_semantics<subcore_parallel>], iteration_bounds = array<i64: 2, 16>, scalar_prefetch = 0 : i64, scratch_operands = 12 : i64, tpu.core_type = #tpu.core_type<sc_vector_subcore>, window_params = [{transform_indices = #map}, {transform_indices = #map1}]} {
    %mul3A = arith.constant 2 : i32
    %mul3A_0 = arith.muli %arg1, %mul3A : i32
    %add3A = arith.addi %mul3A_0, %arg0 : i32
    %iota3A = tpu.iota {dimensions = array<i32: 0>} : vector<16xi32>
    %dma_start3A = arith.constant 0 : i32
    %dma_start3A_1 = arith.constant 0 : i32
    %dma_start3A_2 = arith.constant 0 : i32
    %dma_start3A_3 = tpu.memref_slice %arg4[%dma_start3A, %dma_start3A_1, %dma_start3A_2] : memref<6x8x1664xf32, #tpu.memory_space<vmem>> -> memref<1x8x1664xf32, #tpu.memory_space<vmem>>
    %dma_start3A_4 = tpu.memref_squeeze %dma_start3A_3 : memref<1x8x1664xf32, #tpu.memory_space<vmem>> -> memref<8x1664xf32, #tpu.memory_space<vmem>>
    %dma_start3A_5 = arith.constant 0 : i32
    %dma_start3A_6 = arith.constant 0 : i32
    %dma_start3A_7 = tpu.memref_slice %arg2[%add3A, %dma_start3A_5, %dma_start3A_6] : memref<32x8x100000xf32, #tpu.memory_space<hbm>> -> memref<1x8x1664xf32, #tpu.memory_space<hbm>>
    %dma_start3A_8 = tpu.memref_squeeze %dma_start3A_7 : memref<1x8x1664xf32, #tpu.memory_space<hbm>> -> memref<8x1664xf32, #tpu.memory_space<hbm>>
    %dma_start3A_9 = arith.constant 0 : i32
    %dma_start3A_10 = arith.constant 0 : i32
    %dma_start3A_11 = tpu.memref_slice %arg4[%dma_start3A, %dma_start3A_9, %dma_start3A_10] : memref<6x8x1664xf32, #tpu.memory_space<vmem>> -> memref<1x8x1664xf32, #tpu.memory_space<vmem>>
    %dma_start3A_12 = tpu.memref_squeeze %dma_start3A_11 : memref<1x8x1664xf32, #tpu.memory_space<vmem>> -> memref<8x1664xf32, #tpu.memory_space<vmem>>
    %dma_start3A_13 = arith.constant 0 : i32
    %dma_start3A_14 = arith.constant 0 : i32
    %dma_start3A_15 = tpu.memref_slice %arg2[%add3A, %dma_start3A_13, %dma_start3A_14] : memref<32x8x100000xf32, #tpu.memory_space<hbm>> -> memref<1x8x1664xf32, #tpu.memory_space<hbm>>
    %dma_start3A_16 = tpu.memref_squeeze %dma_start3A_15 : memref<1x8x1664xf32, #tpu.memory_space<hbm>> -> memref<8x1664xf32, #tpu.memory_space<hbm>>
    tpu.enqueue_dma source(%dma_start3A_16 : memref<8x1664xf32, #tpu.memory_space<hbm>>) target(%dma_start3A_12 : memref<8x1664xf32, #tpu.memory_space<vmem>>) target_semaphore(%arg9 : memref<!tpu.dma_semaphore, #tpu.memory_space<semaphore_mem>>)
    %dma_start3A_17 = arith.constant 1 : i32
    %dma_start3A_18 = arith.constant 0 : i32
    %dma_start3A_19 = arith.constant 0 : i32
    %dma_start3A_20 = tpu.memref_slice %arg4[%dma_start3A_17, %dma_start3A_18, %dma_start3A_19] : memref<6x8x1664xf32, #tpu.memory_space<vmem>> -> memref<1x8x1664xf32, #tpu.memory_space<vmem>>
    %dma_start3A_21 = tpu.memref_squeeze %dma_start3A_20 : memref<1x8x1664xf32, #tpu.memory_space<vmem>> -> memref<8x1664xf32, #tpu.memory_space<vmem>>
    %dma_start3A_22 = arith.constant 0 : i32
    %dma_start3A_23 = arith.constant 1664 : i32
    %dma_start3A_24 = tpu.memref_slice %arg2[%add3A, %dma_start3A_22, %dma_start3A_23] : memref<32x8x100000xf32, #tpu.memory_space<hbm>> -> memref<1x8x1664xf32, #tpu.memory_space<hbm>>
    %dma_start3A_25 = tpu.memref_squeeze %dma_start3A_24 : memref<1x8x1664xf32, #tpu.memory_space<hbm>> -> memref<8x1664xf32, #tpu.memory_space<hbm>>
    %dma_start3A_26 = arith.constant 0 : i32
    %dma_start3A_27 = arith.constant 0 : i32
    %dma_start3A_28 = tpu.memref_slice %arg4[%dma_start3A_17, %dma_start3A_26, %dma_start3A_27] : memref<6x8x1664xf32, #tpu.memory_space<vmem>> -> memref<1x8x1664xf32, #tpu.memory_space<vmem>>
    %dma_start3A_29 = tpu.memref_squeeze %dma_start3A_28 : memref<1x8x1664xf32, #tpu.memory_space<vmem>> -> memref<8x1664xf32, #tpu.memory_space<vmem>>
    %dma_start3A_30 = arith.constant 0 : i32
    %dma_start3A_31 = arith.constant 1664 : i32
    %dma_start3A_32 = tpu.memref_slice %arg2[%add3A, %dma_start3A_30, %dma_start3A_31] : memref<32x8x100000xf32, #tpu.memory_space<hbm>> -> memref<1x8x1664xf32, #tpu.memory_space<hbm>>
    %dma_start3A_33 = tpu.memref_squeeze %dma_start3A_32 : memref<1x8x1664xf32, #tpu.memory_space<hbm>> -> memref<8x1664xf32, #tpu.memory_space<hbm>>
    tpu.enqueue_dma source(%dma_start3A_33 : memref<8x1664xf32, #tpu.memory_space<hbm>>) target(%dma_start3A_29 : memref<8x1664xf32, #tpu.memory_space<vmem>>) target_semaphore(%arg10 : memref<!tpu.dma_semaphore, #tpu.memory_space<semaphore_mem>>)
    %dma_start3A_34 = arith.constant 2 : i32
    %dma_start3A_35 = arith.constant 0 : i32
    %dma_start3A_36 = arith.constant 0 : i32
    %dma_start3A_37 = tpu.memref_slice %arg4[%dma_start3A_34, %dma_start3A_35, %dma_start3A_36] : memref<6x8x1664xf32, #tpu.memory_space<vmem>> -> memref<1x8x1664xf32, #tpu.memory_space<vmem>>
    %dma_start3A_38 = tpu.memref_squeeze %dma_start3A_37 : memref<1x8x1664xf32, #tpu.memory_space<vmem>> -> memref<8x1664xf32, #tpu.memory_space<vmem>>
    %dma_start3A_39 = arith.constant 0 : i32
    %dma_start3A_40 = arith.constant 3328 : i32
    %dma_start3A_41 = tpu.memref_slice %arg2[%add3A, %dma_start3A_39, %dma_start3A_40] : memref<32x8x100000xf32, #tpu.memory_space<hbm>> -> memref<1x8x1664xf32, #tpu.memory_space<hbm>>
    %dma_start3A_42 = tpu.memref_squeeze %dma_start3A_41 : memref<1x8x1664xf32, #tpu.memory_space<hbm>> -> memref<8x1664xf32, #tpu.memory_space<hbm>>
    %dma_start3A_43 = arith.constant 0 : i32
    %dma_start3A_44 = arith.constant 0 : i32
    %dma_start3A_45 = tpu.memref_slice %arg4[%dma_start3A_34, %dma_start3A_43, %dma_start3A_44] : memref<6x8x1664xf32, #tpu.memory_space<vmem>> -> memref<1x8x1664xf32, #tpu.memory_space<vmem>>
    %dma_start3A_46 = tpu.memref_squeeze %dma_start3A_45 : memref<1x8x1664xf32, #tpu.memory_space<vmem>> -> memref<8x1664xf32, #tpu.memory_space<vmem>>
    %dma_start3A_47 = arith.constant 0 : i32
    %dma_start3A_48 = arith.constant 3328 : i32
    %dma_start3A_49 = tpu.memref_slice %arg2[%add3A, %dma_start3A_47, %dma_start3A_48] : memref<32x8x100000xf32, #tpu.memory_space<hbm>> -> memref<1x8x1664xf32, #tpu.memory_space<hbm>>
    %dma_start3A_50 = tpu.memref_squeeze %dma_start3A_49 : memref<1x8x1664xf32, #tpu.memory_space<hbm>> -> memref<8x1664xf32, #tpu.memory_space<hbm>>
    tpu.enqueue_dma source(%dma_start3A_50 : memref<8x1664xf32, #tpu.memory_space<hbm>>) target(%dma_start3A_46 : memref<8x1664xf32, #tpu.memory_space<vmem>>) target_semaphore(%arg11 : memref<!tpu.dma_semaphore, #tpu.memory_space<semaphore_mem>>)
    %dma_start3A_51 = arith.constant 3 : i32
    %dma_start3A_52 = arith.constant 0 : i32
    %dma_start3A_53 = arith.constant 0 : i32
    %dma_start3A_54 = tpu.memref_slice %arg4[%dma_start3A_51, %dma_start3A_52, %dma_start3A_53] : memref<6x8x1664xf32, #tpu.memory_space<vmem>> -> memref<1x8x1664xf32, #tpu.memory_space<vmem>>
    %dma_start3A_55 = tpu.memref_squeeze %dma_start3A_54 : memref<1x8x1664xf32, #tpu.memory_space<vmem>> -> memref<8x1664xf32, #tpu.memory_space<vmem>>
    %dma_start3A_56 = arith.constant 0 : i32
    %dma_start3A_57 = arith.constant 4992 : i32
    %dma_start3A_58 = tpu.memref_slice %arg2[%add3A, %dma_start3A_56, %dma_start3A_57] : memref<32x8x100000xf32, #tpu.memory_space<hbm>> -> memref<1x8x1664xf32, #tpu.memory_space<hbm>>
    %dma_start3A_59 = tpu.memref_squeeze %dma_start3A_58 : memref<1x8x1664xf32, #tpu.memory_space<hbm>> -> memref<8x1664xf32, #tpu.memory_space<hbm>>
    %dma_start3A_60 = arith.constant 0 : i32
    %dma_start3A_61 = arith.constant 0 : i32
    %dma_start3A_62 = tpu.memref_slice %arg4[%dma_start3A_51, %dma_start3A_60, %dma_start3A_61] : memref<6x8x1664xf32, #tpu.memory_space<vmem>> -> memref<1x8x1664xf32, #tpu.memory_space<vmem>>
    %dma_start3A_63 = tpu.memref_squeeze %dma_start3A_62 : memref<1x8x1664xf32, #tpu.memory_space<vmem>> -> memref<8x1664xf32, #tpu.memory_space<vmem>>
    %dma_start3A_64 = arith.constant 0 : i32
    %dma_start3A_65 = arith.constant 4992 : i32
    %dma_start3A_66 = tpu.memref_slice %arg2[%add3A, %dma_start3A_64, %dma_start3A_65] : memref<32x8x100000xf32, #tpu.memory_space<hbm>> -> memref<1x8x1664xf32, #tpu.memory_space<hbm>>
    %dma_start3A_67 = tpu.memref_squeeze %dma_start3A_66 : memref<1x8x1664xf32, #tpu.memory_space<hbm>> -> memref<8x1664xf32, #tpu.memory_space<hbm>>
    tpu.enqueue_dma source(%dma_start3A_67 : memref<8x1664xf32, #tpu.memory_space<hbm>>) target(%dma_start3A_63 : memref<8x1664xf32, #tpu.memory_space<vmem>>) target_semaphore(%arg12 : memref<!tpu.dma_semaphore, #tpu.memory_space<semaphore_mem>>)
    %dma_start3A_68 = arith.constant 4 : i32
    %dma_start3A_69 = arith.constant 0 : i32
    %dma_start3A_70 = arith.constant 0 : i32
    %dma_start3A_71 = tpu.memref_slice %arg4[%dma_start3A_68, %dma_start3A_69, %dma_start3A_70] : memref<6x8x1664xf32, #tpu.memory_space<vmem>> -> memref<1x8x1664xf32, #tpu.memory_space<vmem>>
    %dma_start3A_72 = tpu.memref_squeeze %dma_start3A_71 : memref<1x8x1664xf32, #tpu.memory_space<vmem>> -> memref<8x1664xf32, #tpu.memory_space<vmem>>
    %dma_start3A_73 = arith.constant 0 : i32
    %dma_start3A_74 = arith.constant 6656 : i32
    %dma_start3A_75 = tpu.memref_slice %arg2[%add3A, %dma_start3A_73, %dma_start3A_74] : memref<32x8x100000xf32, #tpu.memory_space<hbm>> -> memref<1x8x1664xf32, #tpu.memory_space<hbm>>
    %dma_start3A_76 = tpu.memref_squeeze %dma_start3A_75 : memref<1x8x1664xf32, #tpu.memory_space<hbm>> -> memref<8x1664xf32, #tpu.memory_space<hbm>>
    %dma_start3A_77 = arith.constant 0 : i32
    %dma_start3A_78 = arith.constant 0 : i32
    %dma_start3A_79 = tpu.memref_slice %arg4[%dma_start3A_68, %dma_start3A_77, %dma_start3A_78] : memref<6x8x1664xf32, #tpu.memory_space<vmem>> -> memref<1x8x1664xf32, #tpu.memory_space<vmem>>
    %dma_start3A_80 = tpu.memref_squeeze %dma_start3A_79 : memref<1x8x1664xf32, #tpu.memory_space<vmem>> -> memref<8x1664xf32, #tpu.memory_space<vmem>>
    %dma_start3A_81 = arith.constant 0 : i32
    %dma_start3A_82 = arith.constant 6656 : i32
    %dma_start3A_83 = tpu.memref_slice %arg2[%add3A, %dma_start3A_81, %dma_start3A_82] : memref<32x8x100000xf32, #tpu.memory_space<hbm>> -> memref<1x8x1664xf32, #tpu.memory_space<hbm>>
    %dma_start3A_84 = tpu.memref_squeeze %dma_start3A_83 : memref<1x8x1664xf32, #tpu.memory_space<hbm>> -> memref<8x1664xf32, #tpu.memory_space<hbm>>
    tpu.enqueue_dma source(%dma_start3A_84 : memref<8x1664xf32, #tpu.memory_space<hbm>>) target(%dma_start3A_80 : memref<8x1664xf32, #tpu.memory_space<vmem>>) target_semaphore(%arg13 : memref<!tpu.dma_semaphore, #tpu.memory_space<semaphore_mem>>)
    %dma_start3A_85 = arith.constant 5 : i32
    %dma_start3A_86 = arith.constant 0 : i32
    %dma_start3A_87 = arith.constant 0 : i32
    %dma_start3A_88 = tpu.memref_slice %arg4[%dma_start3A_85, %dma_start3A_86, %dma_start3A_87] : memref<6x8x1664xf32, #tpu.memory_space<vmem>> -> memref<1x8x1664xf32, #tpu.memory_space<vmem>>
    %dma_start3A_89 = tpu.memref_squeeze %dma_start3A_88 : memref<1x8x1664xf32, #tpu.memory_space<vmem>> -> memref<8x1664xf32, #tpu.memory_space<vmem>>
    %dma_start3A_90 = arith.constant 0 : i32
    %dma_start3A_91 = arith.constant 8320 : i32
    %dma_start3A_92 = tpu.memref_slice %arg2[%add3A, %dma_start3A_90, %dma_start3A_91] : memref<32x8x100000xf32, #tpu.memory_space<hbm>> -> memref<1x8x1664xf32, #tpu.memory_space<hbm>>
    %dma_start3A_93 = tpu.memref_squeeze %dma_start3A_92 : memref<1x8x1664xf32, #tpu.memory_space<hbm>> -> memref<8x1664xf32, #tpu.memory_space<hbm>>
    %dma_start3A_94 = arith.constant 0 : i32
    %dma_start3A_95 = arith.constant 0 : i32
    %dma_start3A_96 = tpu.memref_slice %arg4[%dma_start3A_85, %dma_start3A_94, %dma_start3A_95] : memref<6x8x1664xf32, #tpu.memory_space<vmem>> -> memref<1x8x1664xf32, #tpu.memory_space<vmem>>
    %dma_start3A_97 = tpu.memref_squeeze %dma_start3A_96 : memref<1x8x1664xf32, #tpu.memory_space<vmem>> -> memref<8x1664xf32, #tpu.memory_space<vmem>>
    %dma_start3A_98 = arith.constant 0 : i32
    %dma_start3A_99 = arith.constant 8320 : i32
    %dma_start3A_100 = tpu.memref_slice %arg2[%add3A, %dma_start3A_98, %dma_start3A_99] : memref<32x8x100000xf32, #tpu.memory_space<hbm>> -> memref<1x8x1664xf32, #tpu.memory_space<hbm>>
    %dma_start3A_101 = tpu.memref_squeeze %dma_start3A_100 : memref<1x8x1664xf32, #tpu.memory_space<hbm>> -> memref<8x1664xf32, #tpu.memory_space<hbm>>
    tpu.enqueue_dma source(%dma_start3A_101 : memref<8x1664xf32, #tpu.memory_space<hbm>>) target(%dma_start3A_97 : memref<8x1664xf32, #tpu.memory_space<vmem>>) target_semaphore(%arg14 : memref<!tpu.dma_semaphore, #tpu.memory_space<semaphore_mem>>)
    %dma_start3A_102 = arith.constant 0 : i32
    %dma_start3A_103 = arith.constant 99840 : i32
    %dma_start3A_104 = tpu.memref_slice %arg2[%add3A, %dma_start3A_102, %dma_start3A_103] : memref<32x8x100000xf32, #tpu.memory_space<hbm>> -> memref<1x8x160xf32, #tpu.memory_space<hbm>>
    %dma_start3A_105 = tpu.memref_squeeze %dma_start3A_104 : memref<1x8x160xf32, #tpu.memory_space<hbm>> -> memref<8x160xf32, #tpu.memory_space<hbm>>
    %dma_start3A_106 = arith.constant 0 : i32
    %dma_start3A_107 = arith.constant 99840 : i32
    %dma_start3A_108 = tpu.memref_slice %arg2[%add3A, %dma_start3A_106, %dma_start3A_107] : memref<32x8x100000xf32, #tpu.memory_space<hbm>> -> memref<1x8x160xf32, #tpu.memory_space<hbm>>
    %dma_start3A_109 = tpu.memref_squeeze %dma_start3A_108 : memref<1x8x160xf32, #tpu.memory_space<hbm>> -> memref<8x160xf32, #tpu.memory_space<hbm>>
    tpu.enqueue_dma source(%dma_start3A_109 : memref<8x160xf32, #tpu.memory_space<hbm>>) target(%arg5 : memref<8x160xf32, #tpu.memory_space<vmem>>) target_semaphore(%arg15 : memref<!tpu.dma_semaphore, #tpu.memory_space<semaphore_mem>>)
    %broadcast_in_dim3A = arith.constant 0xFF800000 : f32
    %broadcast_in_dim3A_110 = vector.broadcast %broadcast_in_dim3A : f32 to vector<16xf32>
    %broadcast_in_dim3A_111 = arith.constant 0xFF800000 : f32
    %broadcast_in_dim3A_112 = vector.broadcast %broadcast_in_dim3A_111 : f32 to vector<16xf32>
    %broadcast_in_dim3A_113 = arith.constant 0xFF800000 : f32
    %broadcast_in_dim3A_114 = vector.broadcast %broadcast_in_dim3A_113 : f32 to vector<16xf32>
    %broadcast_in_dim3A_115 = arith.constant 0xFF800000 : f32
    %broadcast_in_dim3A_116 = vector.broadcast %broadcast_in_dim3A_115 : f32 to vector<16xf32>
    %broadcast_in_dim3A_117 = arith.constant 0xFF800000 : f32
    %broadcast_in_dim3A_118 = vector.broadcast %broadcast_in_dim3A_117 : f32 to vector<16xf32>
    %broadcast_in_dim3A_119 = arith.constant 0xFF800000 : f32
    %broadcast_in_dim3A_120 = vector.broadcast %broadcast_in_dim3A_119 : f32 to vector<16xf32>
    %broadcast_in_dim3A_121 = arith.constant 0xFF800000 : f32
    %broadcast_in_dim3A_122 = vector.broadcast %broadcast_in_dim3A_121 : f32 to vector<16xf32>
    %broadcast_in_dim3A_123 = arith.constant 0xFF800000 : f32
    %broadcast_in_dim3A_124 = vector.broadcast %broadcast_in_dim3A_123 : f32 to vector<16xf32>
    %broadcast_in_dim3A_125 = arith.constant 0 : i32
    %broadcast_in_dim3A_126 = vector.broadcast %broadcast_in_dim3A_125 : i32 to vector<16xi32>
    %broadcast_in_dim3A_127 = arith.constant 0 : i32
    %broadcast_in_dim3A_128 = vector.broadcast %broadcast_in_dim3A_127 : i32 to vector<16xi32>
    %broadcast_in_dim3A_129 = arith.constant 0 : i32
    %broadcast_in_dim3A_130 = vector.broadcast %broadcast_in_dim3A_129 : i32 to vector<16xi32>
    %broadcast_in_dim3A_131 = arith.constant 0 : i32
    %broadcast_in_dim3A_132 = vector.broadcast %broadcast_in_dim3A_131 : i32 to vector<16xi32>
    %broadcast_in_dim3A_133 = arith.constant 0 : i32
    %broadcast_in_dim3A_134 = vector.broadcast %broadcast_in_dim3A_133 : i32 to vector<16xi32>
    %broadcast_in_dim3A_135 = arith.constant 0 : i32
    %broadcast_in_dim3A_136 = vector.broadcast %broadcast_in_dim3A_135 : i32 to vector<16xi32>
    %broadcast_in_dim3A_137 = arith.constant 0 : i32
    %broadcast_in_dim3A_138 = vector.broadcast %broadcast_in_dim3A_137 : i32 to vector<16xi32>
    %broadcast_in_dim3A_139 = arith.constant 0 : i32
    %broadcast_in_dim3A_140 = vector.broadcast %broadcast_in_dim3A_139 : i32 to vector<16xi32>
    %scan3A = arith.constant 0 : i32
    %scan3A_141 = arith.constant 10 : i32
    %scan3A_142 = arith.addi %scan3A, %scan3A_141 : i32
    %scan3A_143 = arith.constant 1 : i32
    %scan3A_144:16 = scf.for %scan3A_268 = %scan3A to %scan3A_142 step %scan3A_143 iter_args(%scan3A_269 = %broadcast_in_dim3A_110, %scan3A_270 = %broadcast_in_dim3A_112, %scan3A_271 = %broadcast_in_dim3A_114, %scan3A_272 = %broadcast_in_dim3A_116, %scan3A_273 = %broadcast_in_dim3A_118, %scan3A_274 = %broadcast_in_dim3A_120, %scan3A_275 = %broadcast_in_dim3A_122, %scan3A_276 = %broadcast_in_dim3A_124, %scan3A_277 = %broadcast_in_dim3A_126, %scan3A_278 = %broadcast_in_dim3A_128, %scan3A_279 = %broadcast_in_dim3A_130, %scan3A_280 = %broadcast_in_dim3A_132, %scan3A_281 = %broadcast_in_dim3A_134, %scan3A_282 = %broadcast_in_dim3A_136, %scan3A_283 = %broadcast_in_dim3A_138, %scan3A_284 = %broadcast_in_dim3A_140) -> (vector<16xf32>, vector<16xf32>, vector<16xf32>, vector<16xf32>, vector<16xf32>, vector<16xf32>, vector<16xf32>, vector<16xf32>, vector<16xi32>, vector<16xi32>, vector<16xi32>, vector<16xi32>, vector<16xi32>, vector<16xi32>, vector<16xi32>, vector<16xi32>)  : i32 {
      %mul3A_285 = arith.constant 6 : i32
      %mul3A_286 = arith.muli %scan3A_268, %mul3A_285 : i32
      %add3A_287 = arith.constant 0 : i32
      %add3A_288 = arith.addi %mul3A_286, %add3A_287 : i32
      %mul3A_289 = arith.constant 1664 : i32
      %mul3A_290 = arith.muli %add3A_288, %mul3A_289 : i32
      %dma_wait3A_291 = arith.constant 0 : i32
      %dma_wait3A_292 = arith.constant 0 : i32
      %dma_wait3A_293 = arith.constant 0 : i32
      %dma_wait3A_294 = tpu.memref_slice %arg4[%dma_wait3A_291, %dma_wait3A_292, %dma_wait3A_293] : memref<6x8x1664xf32, #tpu.memory_space<vmem>> -> memref<1x8x1664xf32, #tpu.memory_space<vmem>>
      %dma_wait3A_295 = tpu.memref_squeeze %dma_wait3A_294 : memref<1x8x1664xf32, #tpu.memory_space<vmem>> -> memref<8x1664xf32, #tpu.memory_space<vmem>>
      %dma_wait3A_296 = arith.constant 0 : i32
      %dma_wait3A_297 = tpu.memref_slice %arg2[%add3A, %dma_wait3A_296, %mul3A_290] : memref<32x8x100000xf32, #tpu.memory_space<hbm>> -> memref<1x8x1664xf32, #tpu.memory_space<hbm>>
      %dma_wait3A_298 = tpu.memref_squeeze %dma_wait3A_297 : memref<1x8x1664xf32, #tpu.memory_space<hbm>> -> memref<8x1664xf32, #tpu.memory_space<hbm>>
      %dma_wait3A_299 = arith.constant 0 : i32
      %dma_wait3A_300 = arith.constant 0 : i32
      %dma_wait3A_301 = tpu.memref_slice %arg4[%dma_wait3A_291, %dma_wait3A_299, %dma_wait3A_300] : memref<6x8x1664xf32, #tpu.memory_space<vmem>> -> memref<1x8x1664xf32, #tpu.memory_space<vmem>>
      %dma_wait3A_302 = tpu.memref_squeeze %dma_wait3A_301 : memref<1x8x1664xf32, #tpu.memory_space<vmem>> -> memref<8x1664xf32, #tpu.memory_space<vmem>>
      %dma_wait3A_303 = arith.constant 0 : i32
      %dma_wait3A_304 = tpu.memref_slice %arg2[%add3A, %dma_wait3A_303, %mul3A_290] : memref<32x8x100000xf32, #tpu.memory_space<hbm>> -> memref<1x8x1664xf32, #tpu.memory_space<hbm>>
      %dma_wait3A_305 = tpu.memref_squeeze %dma_wait3A_304 : memref<1x8x1664xf32, #tpu.memory_space<hbm>> -> memref<8x1664xf32, #tpu.memory_space<hbm>>
      tpu.wait_dma2 semaphore(%arg9 : memref<!tpu.dma_semaphore, #tpu.memory_space<semaphore_mem>>) src(%dma_wait3A_305 : memref<8x1664xf32, #tpu.memory_space<hbm>>) dst(%dma_wait3A_302 : memref<8x1664xf32, #tpu.memory_space<vmem>>)
      %mul3A_306 = arith.constant 104 : i32
      %mul3A_307 = arith.muli %add3A_288, %mul3A_306 : i32
      %scan3A_308 = arith.constant 0 : i32
      %scan3A_309 = arith.constant 0 : i32
      %scan3A_310 = arith.constant 104 : i32
      %scan3A_311 = arith.addi %scan3A_309, %scan3A_310 : i32
      %scan3A_312 = arith.constant 1 : i32
      %scan3A_313:16 = scf.for %scan3A_504 = %scan3A_309 to %scan3A_311 step %scan3A_312 iter_args(%scan3A_505 = %scan3A_269, %scan3A_506 = %scan3A_270, %scan3A_507 = %scan3A_271, %scan3A_508 = %scan3A_272, %scan3A_509 = %scan3A_273, %scan3A_510 = %scan3A_274, %scan3A_511 = %scan3A_275, %scan3A_512 = %scan3A_276, %scan3A_513 = %scan3A_277, %scan3A_514 = %scan3A_278, %scan3A_515 = %scan3A_279, %scan3A_516 = %scan3A_280, %scan3A_517 = %scan3A_281, %scan3A_518 = %scan3A_282, %scan3A_519 = %scan3A_283, %scan3A_520 = %scan3A_284) -> (vector<16xf32>, vector<16xf32>, vector<16xf32>, vector<16xf32>, vector<16xf32>, vector<16xf32>, vector<16xf32>, vector<16xf32>, vector<16xi32>, vector<16xi32>, vector<16xi32>, vector<16xi32>, vector<16xi32>, vector<16xi32>, vector<16xi32>, vector<16xi32>)  : i32 {
        %mul3A_521 = arith.constant 16 : i32
        %mul3A_522 = arith.muli %scan3A_504, %mul3A_521 : i32
        %add3A_523 = arith.addi %mul3A_307, %scan3A_504 : i32
        %broadcast_in_dim3A_524 = vector.broadcast %add3A_523 : i32 to vector<16xi32>
        %get3A = arith.constant 0 : i32
        %get3A_525 = arith.constant 0 : i32
        %get3A_526 = arith.constant 0 : i32
        %get3A_527 = tpu.memref_slice %arg4[%scan3A_308, %get3A_525, %get3A_526] : memref<6x8x1664xf32, #tpu.memory_space<vmem>> -> memref<1x8x1664xf32, #tpu.memory_space<vmem>>
        %get3A_528 = tpu.memref_squeeze %get3A_527 : memref<1x8x1664xf32, #tpu.memory_space<vmem>> -> memref<8x1664xf32, #tpu.memory_space<vmem>>
        %get3A_529 = arith.index_cast %get3A : i32 to index
        %get3A_530 = arith.index_cast %mul3A_522 : i32 to index
        %get3A_531 = tpu.vector_load %get3A_528[%get3A_529, %get3A_530] {strides = array<i32>} : memref<8x1664xf32, #tpu.memory_space<vmem>>, vector<1x16xf32>,
        %get3A_532 = vector.shape_cast %get3A_531 : vector<1x16xf32> to vector<16xf32>
        %gt3A = arith.cmpf ogt, %get3A_532, %scan3A_505 : vector<16xf32>
        %select_n3A = arith.select %gt3A, %get3A_532, %scan3A_505 : vector<16xi1>, vector<16xf32>
        %select_n3A_533 = arith.select %gt3A, %broadcast_in_dim3A_524, %scan3A_513 : vector<16xi1>, vector<16xi32>
        %get3A_534 = arith.constant 1 : i32
        %get3A_535 = arith.constant 0 : i32
        %get3A_536 = arith.constant 0 : i32
        %get3A_537 = tpu.memref_slice %arg4[%scan3A_308, %get3A_535, %get3A_536] : memref<6x8x1664xf32, #tpu.memory_space<vmem>> -> memref<1x8x1664xf32, #tpu.memory_space<vmem>>
        %get3A_538 = tpu.memref_squeeze %get3A_537 : memref<1x8x1664xf32, #tpu.memory_space<vmem>> -> memref<8x1664xf32, #tpu.memory_space<vmem>>
        %get3A_539 = arith.index_cast %get3A_534 : i32 to index
        %get3A_540 = arith.index_cast %mul3A_522 : i32 to index
        %get3A_541 = tpu.vector_load %get3A_538[%get3A_539, %get3A_540] {strides = array<i32>} : memref<8x1664xf32, #tpu.memory_space<vmem>>, vector<1x16xf32>,
        %get3A_542 = vector.shape_cast %get3A_541 : vector<1x16xf32> to vector<16xf32>
        %gt3A_543 = arith.cmpf ogt, %get3A_542, %scan3A_506 : vector<16xf32>
        %select_n3A_544 = arith.select %gt3A_543, %get3A_542, %scan3A_506 : vector<16xi1>, vector<16xf32>
        %select_n3A_545 = arith.select %gt3A_543, %broadcast_in_dim3A_524, %scan3A_514 : vector<16xi1>, vector<16xi32>
        %get3A_546 = arith.constant 2 : i32
        %get3A_547 = arith.constant 0 : i32
        %get3A_548 = arith.constant 0 : i32
        %get3A_549 = tpu.memref_slice %arg4[%scan3A_308, %get3A_547, %get3A_548] : memref<6x8x1664xf32, #tpu.memory_space<vmem>> -> memref<1x8x1664xf32, #tpu.memory_space<vmem>>
        %get3A_550 = tpu.memref_squeeze %get3A_549 : memref<1x8x1664xf32, #tpu.memory_space<vmem>> -> memref<8x1664xf32, #tpu.memory_space<vmem>>
        %get3A_551 = arith.index_cast %get3A_546 : i32 to index
        %get3A_552 = arith.index_cast %mul3A_522 : i32 to index
        %get3A_553 = tpu.vector_load %get3A_550[%get3A_551, %get3A_552] {strides = array<i32>} : memref<8x1664xf32, #tpu.memory_space<vmem>>, vector<1x16xf32>,
        %get3A_554 = vector.shape_cast %get3A_553 : vector<1x16xf32> to vector<16xf32>
        %gt3A_555 = arith.cmpf ogt, %get3A_554, %scan3A_507 : vector<16xf32>
        %select_n3A_556 = arith.select %gt3A_555, %get3A_554, %scan3A_507 : vector<16xi1>, vector<16xf32>
        %select_n3A_557 = arith.select %gt3A_555, %broadcast_in_dim3A_524, %scan3A_515 : vector<16xi1>, vector<16xi32>
        %get3A_558 = arith.constant 3 : i32
        %get3A_559 = arith.constant 0 : i32
        %get3A_560 = arith.constant 0 : i32
        %get3A_561 = tpu.memref_slice %arg4[%scan3A_308, %get3A_559, %get3A_560] : memref<6x8x1664xf32, #tpu.memory_space<vmem>> -> memref<1x8x1664xf32, #tpu.memory_space<vmem>>
        %get3A_562 = tpu.memref_squeeze %get3A_561 : memref<1x8x1664xf32, #tpu.memory_space<vmem>> -> memref<8x1664xf32, #tpu.memory_space<vmem>>
        %get3A_563 = arith.index_cast %get3A_558 : i32 to index
        %get3A_564 = arith.index_cast %mul3A_522 : i32 to index
        %get3A_565 = tpu.vector_load %get3A_562[%get3A_563, %get3A_564] {strides = array<i32>} : memref<8x1664xf32, #tpu.memory_space<vmem>>, vector<1x16xf32>,
        %get3A_566 = vector.shape_cast %get3A_565 : vector<1x16xf32> to vector<16xf32>
        %gt3A_567 = arith.cmpf ogt, %get3A_566, %scan3A_508 : vector<16xf32>
        %select_n3A_568 = arith.select %gt3A_567, %get3A_566, %scan3A_508 : vector<16xi1>, vector<16xf32>
        %select_n3A_569 = arith.select %gt3A_567, %broadcast_in_dim3A_524, %scan3A_516 : vector<16xi1>, vector<16xi32>
        %get3A_570 = arith.constant 4 : i32
        %get3A_571 = arith.constant 0 : i32
        %get3A_572 = arith.constant 0 : i32
        %get3A_573 = tpu.memref_slice %arg4[%scan3A_308, %get3A_571, %get3A_572] : memref<6x8x1664xf32, #tpu.memory_space<vmem>> -> memref<1x8x1664xf32, #tpu.memory_space<vmem>>
        %get3A_574 = tpu.memref_squeeze %get3A_573 : memref<1x8x1664xf32, #tpu.memory_space<vmem>> -> memref<8x1664xf32, #tpu.memory_space<vmem>>
        %get3A_575 = arith.index_cast %get3A_570 : i32 to index
        %get3A_576 = arith.index_cast %mul3A_522 : i32 to index
        %get3A_577 = tpu.vector_load %get3A_574[%get3A_575, %get3A_576] {strides = array<i32>} : memref<8x1664xf32, #tpu.memory_space<vmem>>, vector<1x16xf32>,
        %get3A_578 = vector.shape_cast %get3A_577 : vector<1x16xf32> to vector<16xf32>
        %gt3A_579 = arith.cmpf ogt, %get3A_578, %scan3A_509 : vector<16xf32>
        %select_n3A_580 = arith.select %gt3A_579, %get3A_578, %scan3A_509 : vector<16xi1>, vector<16xf32>
        %select_n3A_581 = arith.select %gt3A_579, %broadcast_in_dim3A_524, %scan3A_517 : vector<16xi1>, vector<16xi32>
        %get3A_582 = arith.constant 5 : i32
        %get3A_583 = arith.constant 0 : i32
        %get3A_584 = arith.constant 0 : i32
        %get3A_585 = tpu.memref_slice %arg4[%scan3A_308, %get3A_583, %get3A_584] : memref<6x8x1664xf32, #tpu.memory_space<vmem>> -> memref<1x8x1664xf32, #tpu.memory_space<vmem>>
        %get3A_586 = tpu.memref_squeeze %get3A_585 : memref<1x8x1664xf32, #tpu.memory_space<vmem>> -> memref<8x1664xf32, #tpu.memory_space<vmem>>
        %get3A_587 = arith.index_cast %get3A_582 : i32 to index
        %get3A_588 = arith.index_cast %mul3A_522 : i32 to index
        %get3A_589 = tpu.vector_load %get3A_586[%get3A_587, %get3A_588] {strides = array<i32>} : memref<8x1664xf32, #tpu.memory_space<vmem>>, vector<1x16xf32>,
        %get3A_590 = vector.shape_cast %get3A_589 : vector<1x16xf32> to vector<16xf32>
        %gt3A_591 = arith.cmpf ogt, %get3A_590, %scan3A_510 : vector<16xf32>
        %select_n3A_592 = arith.select %gt3A_591, %get3A_590, %scan3A_510 : vector<16xi1>, vector<16xf32>
        %select_n3A_593 = arith.select %gt3A_591, %broadcast_in_dim3A_524, %scan3A_518 : vector<16xi1>, vector<16xi32>
        %get3A_594 = arith.constant 6 : i32
        %get3A_595 = arith.constant 0 : i32
        %get3A_596 = arith.constant 0 : i32
        %get3A_597 = tpu.memref_slice %arg4[%scan3A_308, %get3A_595, %get3A_596] : memref<6x8x1664xf32, #tpu.memory_space<vmem>> -> memref<1x8x1664xf32, #tpu.memory_space<vmem>>
        %get3A_598 = tpu.memref_squeeze %get3A_597 : memref<1x8x1664xf32, #tpu.memory_space<vmem>> -> memref<8x1664xf32, #tpu.memory_space<vmem>>
        %get3A_599 = arith.index_cast %get3A_594 : i32 to index
        %get3A_600 = arith.index_cast %mul3A_522 : i32 to index
        %get3A_601 = tpu.vector_load %get3A_598[%get3A_599, %get3A_600] {strides = array<i32>} : memref<8x1664xf32, #tpu.memory_space<vmem>>, vector<1x16xf32>,
        %get3A_602 = vector.shape_cast %get3A_601 : vector<1x16xf32> to vector<16xf32>
        %gt3A_603 = arith.cmpf ogt, %get3A_602, %scan3A_511 : vector<16xf32>
        %select_n3A_604 = arith.select %gt3A_603, %get3A_602, %scan3A_511 : vector<16xi1>, vector<16xf32>
        %select_n3A_605 = arith.select %gt3A_603, %broadcast_in_dim3A_524, %scan3A_519 : vector<16xi1>, vector<16xi32>
        %get3A_606 = arith.constant 7 : i32
        %get3A_607 = arith.constant 0 : i32
        %get3A_608 = arith.constant 0 : i32
        %get3A_609 = tpu.memref_slice %arg4[%scan3A_308, %get3A_607, %get3A_608] : memref<6x8x1664xf32, #tpu.memory_space<vmem>> -> memref<1x8x1664xf32, #tpu.memory_space<vmem>>
        %get3A_610 = tpu.memref_squeeze %get3A_609 : memref<1x8x1664xf32, #tpu.memory_space<vmem>> -> memref<8x1664xf32, #tpu.memory_space<vmem>>
        %get3A_611 = arith.index_cast %get3A_606 : i32 to index
        %get3A_612 = arith.index_cast %mul3A_522 : i32 to index
        %get3A_613 = tpu.vector_load %get3A_610[%get3A_611, %get3A_612] {strides = array<i32>} : memref<8x1664xf32, #tpu.memory_space<vmem>>, vector<1x16xf32>,
        %get3A_614 = vector.shape_cast %get3A_613 : vector<1x16xf32> to vector<16xf32>
        %gt3A_615 = arith.cmpf ogt, %get3A_614, %scan3A_512 : vector<16xf32>
        %select_n3A_616 = arith.select %gt3A_615, %get3A_614, %scan3A_512 : vector<16xi1>, vector<16xf32>
        %select_n3A_617 = arith.select %gt3A_615, %broadcast_in_dim3A_524, %scan3A_520 : vector<16xi1>, vector<16xi32>
        scf.yield %select_n3A, %select_n3A_544, %select_n3A_556, %select_n3A_568, %select_n3A_580, %select_n3A_592, %select_n3A_604, %select_n3A_616, %select_n3A_533, %select_n3A_545, %select_n3A_557, %select_n3A_569, %select_n3A_581, %select_n3A_593, %select_n3A_605, %select_n3A_617 : vector<16xf32>, vector<16xf32>, vector<16xf32>, vector<16xf32>, vector<16xf32>, vector<16xf32>, vector<16xf32>, vector<16xf32>, vector<16xi32>, vector<16xi32>, vector<16xi32>, vector<16xi32>, vector<16xi32>, vector<16xi32>, vector<16xi32>, vector<16xi32>
      }
      %scan3A_314 = arith.constant 104 : i32
      %add3A_315 = arith.constant 6 : i32
      %add3A_316 = arith.addi %add3A_288, %add3A_315 : i32
      %lt3A = arith.constant 60 : i32
      %lt3A_317 = arith.cmpi slt, %add3A_316, %lt3A : i32
      %convert_element_type3A = arith.extui %lt3A_317 : i1 to i32
      %cond3A = arith.constant 0 : i32
      %cond3A_318 = arith.cmpi ne, %convert_element_type3A, %cond3A : i32
      scf.if %cond3A_318 {
        %add3A_504 = arith.constant 6 : i32
        %add3A_505 = arith.addi %add3A_288, %add3A_504 : i32
        %mul3A_506 = arith.constant 1664 : i32
        %mul3A_507 = arith.muli %add3A_505, %mul3A_506 : i32
        %dma_start3A_508 = arith.constant 0 : i32
        %dma_start3A_509 = arith.constant 0 : i32
        %dma_start3A_510 = arith.constant 0 : i32
        %dma_start3A_511 = tpu.memref_slice %arg4[%dma_start3A_508, %dma_start3A_509, %dma_start3A_510] : memref<6x8x1664xf32, #tpu.memory_space<vmem>> -> memref<1x8x1664xf32, #tpu.memory_space<vmem>>
        %dma_start3A_512 = tpu.memref_squeeze %dma_start3A_511 : memref<1x8x1664xf32, #tpu.memory_space<vmem>> -> memref<8x1664xf32, #tpu.memory_space<vmem>>
        %dma_start3A_513 = arith.constant 0 : i32
        %dma_start3A_514 = tpu.memref_slice %arg2[%add3A, %dma_start3A_513, %mul3A_507] : memref<32x8x100000xf32, #tpu.memory_space<hbm>> -> memref<1x8x1664xf32, #tpu.memory_space<hbm>>
        %dma_start3A_515 = tpu.memref_squeeze %dma_start3A_514 : memref<1x8x1664xf32, #tpu.memory_space<hbm>> -> memref<8x1664xf32, #tpu.memory_space<hbm>>
        %dma_start3A_516 = arith.constant 0 : i32
        %dma_start3A_517 = arith.constant 0 : i32
        %dma_start3A_518 = tpu.memref_slice %arg4[%dma_start3A_508, %dma_start3A_516, %dma_start3A_517] : memref<6x8x1664xf32, #tpu.memory_space<vmem>> -> memref<1x8x1664xf32, #tpu.memory_space<vmem>>
        %dma_start3A_519 = tpu.memref_squeeze %dma_start3A_518 : memref<1x8x1664xf32, #tpu.memory_space<vmem>> -> memref<8x1664xf32, #tpu.memory_space<vmem>>
        %dma_start3A_520 = arith.constant 0 : i32
        %dma_start3A_521 = tpu.memref_slice %arg2[%add3A, %dma_start3A_520, %mul3A_507] : memref<32x8x100000xf32, #tpu.memory_space<hbm>> -> memref<1x8x1664xf32, #tpu.memory_space<hbm>>
        %dma_start3A_522 = tpu.memref_squeeze %dma_start3A_521 : memref<1x8x1664xf32, #tpu.memory_space<hbm>> -> memref<8x1664xf32, #tpu.memory_space<hbm>>
        tpu.enqueue_dma source(%dma_start3A_522 : memref<8x1664xf32, #tpu.memory_space<hbm>>) target(%dma_start3A_519 : memref<8x1664xf32, #tpu.memory_space<vmem>>) target_semaphore(%arg9 : memref<!tpu.dma_semaphore, #tpu.memory_space<semaphore_mem>>)
      } else {
      }
      %mul3A_319 = arith.constant 6 : i32
      %mul3A_320 = arith.muli %scan3A_268, %mul3A_319 : i32
      %add3A_321 = arith.constant 1 : i32
      %add3A_322 = arith.addi %mul3A_320, %add3A_321 : i32
      %mul3A_323 = arith.constant 1664 : i32
      %mul3A_324 = arith.muli %add3A_322, %mul3A_323 : i32
      %dma_wait3A_325 = arith.constant 1 : i32
      %dma_wait3A_326 = arith.constant 0 : i32
      %dma_wait3A_327 = arith.constant 0 : i32
      %dma_wait3A_328 = tpu.memref_slice %arg4[%dma_wait3A_325, %dma_wait3A_326, %dma_wait3A_327] : memref<6x8x1664xf32, #tpu.memory_space<vmem>> -> memref<1x8x1664xf32, #tpu.memory_space<vmem>>
      %dma_wait3A_329 = tpu.memref_squeeze %dma_wait3A_328 : memref<1x8x1664xf32, #tpu.memory_space<vmem>> -> memref<8x1664xf32, #tpu.memory_space<vmem>>
      %dma_wait3A_330 = arith.constant 0 : i32
      %dma_wait3A_331 = tpu.memref_slice %arg2[%add3A, %dma_wait3A_330, %mul3A_324] : memref<32x8x100000xf32, #tpu.memory_space<hbm>> -> memref<1x8x1664xf32, #tpu.memory_space<hbm>>
      %dma_wait3A_332 = tpu.memref_squeeze %dma_wait3A_331 : memref<1x8x1664xf32, #tpu.memory_space<hbm>> -> memref<8x1664xf32, #tpu.memory_space<hbm>>
      %dma_wait3A_333 = arith.constant 0 : i32
      %dma_wait3A_334 = arith.constant 0 : i32
      %dma_wait3A_335 = tpu.memref_slice %arg4[%dma_wait3A_325, %dma_wait3A_333, %dma_wait3A_334] : memref<6x8x1664xf32, #tpu.memory_space<vmem>> -> memref<1x8x1664xf32, #tpu.memory_space<vmem>>
      %dma_wait3A_336 = tpu.memref_squeeze %dma_wait3A_335 : memref<1x8x1664xf32, #tpu.memory_space<vmem>> -> memref<8x1664xf32, #tpu.memory_space<vmem>>
      %dma_wait3A_337 = arith.constant 0 : i32
      %dma_wait3A_338 = tpu.memref_slice %arg2[%add3A, %dma_wait3A_337, %mul3A_324] : memref<32x8x100000xf32, #tpu.memory_space<hbm>> -> memref<1x8x1664xf32, #tpu.memory_space<hbm>>
      %dma_wait3A_339 = tpu.memref_squeeze %dma_wait3A_338 : memref<1x8x1664xf32, #tpu.memory_space<hbm>> -> memref<8x1664xf32, #tpu.memory_space<hbm>>
      tpu.wait_dma2 semaphore(%arg10 : memref<!tpu.dma_semaphore, #tpu.memory_space<semaphore_mem>>) src(%dma_wait3A_339 : memref<8x1664xf32, #tpu.memory_space<hbm>>) dst(%dma_wait3A_336 : memref<8x1664xf32, #tpu.memory_space<vmem>>)
      %mul3A_340 = arith.constant 104 : i32
      %mul3A_341 = arith.muli %add3A_322, %mul3A_340 : i32
      %scan3A_342 = arith.constant 1 : i32
      %scan3A_343 = arith.constant 0 : i32
      %scan3A_344 = arith.constant 104 : i32
      %scan3A_345 = arith.addi %scan3A_343, %scan3A_344 : i32
      %scan3A_346 = arith.constant 1 : i32
      %scan3A_347:16 = scf.for %scan3A_504 = %scan3A_343 to %scan3A_345 step %scan3A_346 iter_args(%scan3A_505 = %scan3A_313#0, %scan3A_506 = %scan3A_313#1, %scan3A_507 = %scan3A_313#2, %scan3A_508 = %scan3A_313#3, %scan3A_509 = %scan3A_313#4, %scan3A_510 = %scan3A_313#5, %scan3A_511 = %scan3A_313#6, %scan3A_512 = %scan3A_313#7, %scan3A_513 = %scan3A_313#8, %scan3A_514 = %scan3A_313#9, %scan3A_515 = %scan3A_313#10, %scan3A_516 = %scan3A_313#11, %scan3A_517 = %scan3A_313#12, %scan3A_518 = %scan3A_313#13, %scan3A_519 = %scan3A_313#14, %scan3A_520 = %scan3A_313#15) -> (vector<16xf32>, vector<16xf32>, vector<16xf32>, vector<16xf32>, vector<16xf32>, vector<16xf32>, vector<16xf32>, vector<16xf32>, vector<16xi32>, vector<16xi32>, vector<16xi32>, vector<16xi32>, vector<16xi32>, vector<16xi32>, vector<16xi32>, vector<16xi32>)  : i32 {
        %mul3A_521 = arith.constant 16 : i32
        %mul3A_522 = arith.muli %scan3A_504, %mul3A_521 : i32
        %add3A_523 = arith.addi %mul3A_341, %scan3A_504 : i32
        %broadcast_in_dim3A_524 = vector.broadcast %add3A_523 : i32 to vector<16xi32>
        %get3A = arith.constant 0 : i32
        %get3A_525 = arith.constant 0 : i32
        %get3A_526 = arith.constant 0 : i32
        %get3A_527 = tpu.memref_slice %arg4[%scan3A_342, %get3A_525, %get3A_526] : memref<6x8x1664xf32, #tpu.memory_space<vmem>> -> memref<1x8x1664xf32, #tpu.memory_space<vmem>>
        %get3A_528 = tpu.memref_squeeze %get3A_527 : memref<1x8x1664xf32, #tpu.memory_space<vmem>> -> memref<8x1664xf32, #tpu.memory_space<vmem>>
        %get3A_529 = arith.index_cast %get3A : i32 to index
        %get3A_530 = arith.index_cast %mul3A_522 : i32 to index
        %get3A_531 = tpu.vector_load %get3A_528[%get3A_529, %get3A_530] {strides = array<i32>} : memref<8x1664xf32, #tpu.memory_space<vmem>>, vector<1x16xf32>,
        %get3A_532 = vector.shape_cast %get3A_531 : vector<1x16xf32> to vector<16xf32>
        %gt3A = arith.cmpf ogt, %get3A_532, %scan3A_505 : vector<16xf32>
        %select_n3A = arith.select %gt3A, %get3A_532, %scan3A_505 : vector<16xi1>, vector<16xf32>
        %select_n3A_533 = arith.select %gt3A, %broadcast_in_dim3A_524, %scan3A_513 : vector<16xi1>, vector<16xi32>
        %get3A_534 = arith.constant 1 : i32
        %get3A_535 = arith.constant 0 : i32
        %get3A_536 = arith.constant 0 : i32
        %get3A_537 = tpu.memref_slice %arg4[%scan3A_342, %get3A_535, %get3A_536] : memref<6x8x1664xf32, #tpu.memory_space<vmem>> -> memref<1x8x1664xf32, #tpu.memory_space<vmem>>
        %get3A_538 = tpu.memref_squeeze %get3A_537 : memref<1x8x1664xf32, #tpu.memory_space<vmem>> -> memref<8x1664xf32, #tpu.memory_space<vmem>>
        %get3A_539 = arith.index_cast %get3A_534 : i32 to index
        %get3A_540 = arith.index_cast %mul3A_522 : i32 to index
        %get3A_541 = tpu.vector_load %get3A_538[%get3A_539, %get3A_540] {strides = array<i32>} : memref<8x1664xf32, #tpu.memory_space<vmem>>, vector<1x16xf32>,
        %get3A_542 = vector.shape_cast %get3A_541 : vector<1x16xf32> to vector<16xf32>
        %gt3A_543 = arith.cmpf ogt, %get3A_542, %scan3A_506 : vector<16xf32>
        %select_n3A_544 = arith.select %gt3A_543, %get3A_542, %scan3A_506 : vector<16xi1>, vector<16xf32>
        %select_n3A_545 = arith.select %gt3A_543, %broadcast_in_dim3A_524, %scan3A_514 : vector<16xi1>, vector<16xi32>
        %get3A_546 = arith.constant 2 : i32
        %get3A_547 = arith.constant 0 : i32
        %get3A_548 = arith.constant 0 : i32
        %get3A_549 = tpu.memref_slice %arg4[%scan3A_342, %get3A_547, %get3A_548] : memref<6x8x1664xf32, #tpu.memory_space<vmem>> -> memref<1x8x1664xf32, #tpu.memory_space<vmem>>
        %get3A_550 = tpu.memref_squeeze %get3A_549 : memref<1x8x1664xf32, #tpu.memory_space<vmem>> -> memref<8x1664xf32, #tpu.memory_space<vmem>>
        %get3A_551 = arith.index_cast %get3A_546 : i32 to index
        %get3A_552 = arith.index_cast %mul3A_522 : i32 to index
        %get3A_553 = tpu.vector_load %get3A_550[%get3A_551, %get3A_552] {strides = array<i32>} : memref<8x1664xf32, #tpu.memory_space<vmem>>, vector<1x16xf32>,
        %get3A_554 = vector.shape_cast %get3A_553 : vector<1x16xf32> to vector<16xf32>
        %gt3A_555 = arith.cmpf ogt, %get3A_554, %scan3A_507 : vector<16xf32>
        %select_n3A_556 = arith.select %gt3A_555, %get3A_554, %scan3A_507 : vector<16xi1>, vector<16xf32>
        %select_n3A_557 = arith.select %gt3A_555, %broadcast_in_dim3A_524, %scan3A_515 : vector<16xi1>, vector<16xi32>
        %get3A_558 = arith.constant 3 : i32
        %get3A_559 = arith.constant 0 : i32
        %get3A_560 = arith.constant 0 : i32
        %get3A_561 = tpu.memref_slice %arg4[%scan3A_342, %get3A_559, %get3A_560] : memref<6x8x1664xf32, #tpu.memory_space<vmem>> -> memref<1x8x1664xf32, #tpu.memory_space<vmem>>
        %get3A_562 = tpu.memref_squeeze %get3A_561 : memref<1x8x1664xf32, #tpu.memory_space<vmem>> -> memref<8x1664xf32, #tpu.memory_space<vmem>>
        %get3A_563 = arith.index_cast %get3A_558 : i32 to index
        %get3A_564 = arith.index_cast %mul3A_522 : i32 to index
        %get3A_565 = tpu.vector_load %get3A_562[%get3A_563, %get3A_564] {strides = array<i32>} : memref<8x1664xf32, #tpu.memory_space<vmem>>, vector<1x16xf32>,
        %get3A_566 = vector.shape_cast %get3A_565 : vector<1x16xf32> to vector<16xf32>
        %gt3A_567 = arith.cmpf ogt, %get3A_566, %scan3A_508 : vector<16xf32>
        %select_n3A_568 = arith.select %gt3A_567, %get3A_566, %scan3A_508 : vector<16xi1>, vector<16xf32>
        %select_n3A_569 = arith.select %gt3A_567, %broadcast_in_dim3A_524, %scan3A_516 : vector<16xi1>, vector<16xi32>
        %get3A_570 = arith.constant 4 : i32
        %get3A_571 = arith.constant 0 : i32
        %get3A_572 = arith.constant 0 : i32
        %get3A_573 = tpu.memref_slice %arg4[%scan3A_342, %get3A_571, %get3A_572] : memref<6x8x1664xf32, #tpu.memory_space<vmem>> -> memref<1x8x1664xf32, #tpu.memory_space<vmem>>
        %get3A_574 = tpu.memref_squeeze %get3A_573 : memref<1x8x1664xf32, #tpu.memory_space<vmem>> -> memref<8x1664xf32, #tpu.memory_space<vmem>>
        %get3A_575 = arith.index_cast %get3A_570 : i32 to index
        %get3A_576 = arith.index_cast %mul3A_522 : i32 to index
        %get3A_577 = tpu.vector_load %get3A_574[%get3A_575, %get3A_576] {strides = array<i32>} : memref<8x1664xf32, #tpu.memory_space<vmem>>, vector<1x16xf32>,
        %get3A_578 = vector.shape_cast %get3A_577 : vector<1x16xf32> to vector<16xf32>
        %gt3A_579 = arith.cmpf ogt, %get3A_578, %scan3A_509 : vector<16xf32>
        %select_n3A_580 = arith.select %gt3A_579, %get3A_578, %scan3A_509 : vector<16xi1>, vector<16xf32>
        %select_n3A_581 = arith.select %gt3A_579, %broadcast_in_dim3A_524, %scan3A_517 : vector<16xi1>, vector<16xi32>
        %get3A_582 = arith.constant 5 : i32
        %get3A_583 = arith.constant 0 : i32
        %get3A_584 = arith.constant 0 : i32
        %get3A_585 = tpu.memref_slice %arg4[%scan3A_342, %get3A_583, %get3A_584] : memref<6x8x1664xf32, #tpu.memory_space<vmem>> -> memref<1x8x1664xf32, #tpu.memory_space<vmem>>
        %get3A_586 = tpu.memref_squeeze %get3A_585 : memref<1x8x1664xf32, #tpu.memory_space<vmem>> -> memref<8x1664xf32, #tpu.memory_space<vmem>>
        %get3A_587 = arith.index_cast %get3A_582 : i32 to index
        %get3A_588 = arith.index_cast %mul3A_522 : i32 to index
        %get3A_589 = tpu.vector_load %get3A_586[%get3A_587, %get3A_588] {strides = array<i32>} : memref<8x1664xf32, #tpu.memory_space<vmem>>, vector<1x16xf32>,
        %get3A_590 = vector.shape_cast %get3A_589 : vector<1x16xf32> to vector<16xf32>
        %gt3A_591 = arith.cmpf ogt, %get3A_590, %scan3A_510 : vector<16xf32>
        %select_n3A_592 = arith.select %gt3A_591, %get3A_590, %scan3A_510 : vector<16xi1>, vector<16xf32>
        %select_n3A_593 = arith.select %gt3A_591, %broadcast_in_dim3A_524, %scan3A_518 : vector<16xi1>, vector<16xi32>
        %get3A_594 = arith.constant 6 : i32
        %get3A_595 = arith.constant 0 : i32
        %get3A_596 = arith.constant 0 : i32
        %get3A_597 = tpu.memref_slice %arg4[%scan3A_342, %get3A_595, %get3A_596] : memref<6x8x1664xf32, #tpu.memory_space<vmem>> -> memref<1x8x1664xf32, #tpu.memory_space<vmem>>
        %get3A_598 = tpu.memref_squeeze %get3A_597 : memref<1x8x1664xf32, #tpu.memory_space<vmem>> -> memref<8x1664xf32, #tpu.memory_space<vmem>>
        %get3A_599 = arith.index_cast %get3A_594 : i32 to index
        %get3A_600 = arith.index_cast %mul3A_522 : i32 to index
        %get3A_601 = tpu.vector_load %get3A_598[%get3A_599, %get3A_600] {strides = array<i32>} : memref<8x1664xf32, #tpu.memory_space<vmem>>, vector<1x16xf32>,
        %get3A_602 = vector.shape_cast %get3A_601 : vector<1x16xf32> to vector<16xf32>
        %gt3A_603 = arith.cmpf ogt, %get3A_602, %scan3A_511 : vector<16xf32>
        %select_n3A_604 = arith.select %gt3A_603, %get3A_602, %scan3A_511 : vector<16xi1>, vector<16xf32>
        %select_n3A_605 = arith.select %gt3A_603, %broadcast_in_dim3A_524, %scan3A_519 : vector<16xi1>, vector<16xi32>
        %get3A_606 = arith.constant 7 : i32
        %get3A_607 = arith.constant 0 : i32
        %get3A_608 = arith.constant 0 : i32
        %get3A_609 = tpu.memref_slice %arg4[%scan3A_342, %get3A_607, %get3A_608] : memref<6x8x1664xf32, #tpu.memory_space<vmem>> -> memref<1x8x1664xf32, #tpu.memory_space<vmem>>
        %get3A_610 = tpu.memref_squeeze %get3A_609 : memref<1x8x1664xf32, #tpu.memory_space<vmem>> -> memref<8x1664xf32, #tpu.memory_space<vmem>>
        %get3A_611 = arith.index_cast %get3A_606 : i32 to index
        %get3A_612 = arith.index_cast %mul3A_522 : i32 to index
        %get3A_613 = tpu.vector_load %get3A_610[%get3A_611, %get3A_612] {strides = array<i32>} : memref<8x1664xf32, #tpu.memory_space<vmem>>, vector<1x16xf32>,
        %get3A_614 = vector.shape_cast %get3A_613 : vector<1x16xf32> to vector<16xf32>
        %gt3A_615 = arith.cmpf ogt, %get3A_614, %scan3A_512 : vector<16xf32>
        %select_n3A_616 = arith.select %gt3A_615, %get3A_614, %scan3A_512 : vector<16xi1>, vector<16xf32>
        %select_n3A_617 = arith.select %gt3A_615, %broadcast_in_dim3A_524, %scan3A_520 : vector<16xi1>, vector<16xi32>
        scf.yield %select_n3A, %select_n3A_544, %select_n3A_556, %select_n3A_568, %select_n3A_580, %select_n3A_592, %select_n3A_604, %select_n3A_616, %select_n3A_533, %select_n3A_545, %select_n3A_557, %select_n3A_569, %select_n3A_581, %select_n3A_593, %select_n3A_605, %select_n3A_617 : vector<16xf32>, vector<16xf32>, vector<16xf32>, vector<16xf32>, vector<16xf32>, vector<16xf32>, vector<16xf32>, vector<16xf32>, vector<16xi32>, vector<16xi32>, vector<16xi32>, vector<16xi32>, vector<16xi32>, vector<16xi32>, vector<16xi32>, vector<16xi32>
      }
      %scan3A_348 = arith.constant 104 : i32
      %add3A_349 = arith.constant 6 : i32
      %add3A_350 = arith.addi %add3A_322, %add3A_349 : i32
      %lt3A_351 = arith.constant 60 : i32
      %lt3A_352 = arith.cmpi slt, %add3A_350, %lt3A_351 : i32
      %convert_element_type3A_353 = arith.extui %lt3A_352 : i1 to i32
      %cond3A_354 = arith.constant 0 : i32
      %cond3A_355 = arith.cmpi ne, %convert_element_type3A_353, %cond3A_354 : i32
      scf.if %cond3A_355 {
        %add3A_504 = arith.constant 6 : i32
        %add3A_505 = arith.addi %add3A_322, %add3A_504 : i32
        %mul3A_506 = arith.constant 1664 : i32
        %mul3A_507 = arith.muli %add3A_505, %mul3A_506 : i32
        %dma_start3A_508 = arith.constant 1 : i32
        %dma_start3A_509 = arith.constant 0 : i32
        %dma_start3A_510 = arith.constant 0 : i32
        %dma_start3A_511 = tpu.memref_slice %arg4[%dma_start3A_508, %dma_start3A_509, %dma_start3A_510] : memref<6x8x1664xf32, #tpu.memory_space<vmem>> -> memref<1x8x1664xf32, #tpu.memory_space<vmem>>
        %dma_start3A_512 = tpu.memref_squeeze %dma_start3A_511 : memref<1x8x1664xf32, #tpu.memory_space<vmem>> -> memref<8x1664xf32, #tpu.memory_space<vmem>>
        %dma_start3A_513 = arith.constant 0 : i32
        %dma_start3A_514 = tpu.memref_slice %arg2[%add3A, %dma_start3A_513, %mul3A_507] : memref<32x8x100000xf32, #tpu.memory_space<hbm>> -> memref<1x8x1664xf32, #tpu.memory_space<hbm>>
        %dma_start3A_515 = tpu.memref_squeeze %dma_start3A_514 : memref<1x8x1664xf32, #tpu.memory_space<hbm>> -> memref<8x1664xf32, #tpu.memory_space<hbm>>
        %dma_start3A_516 = arith.constant 0 : i32
        %dma_start3A_517 = arith.constant 0 : i32
        %dma_start3A_518 = tpu.memref_slice %arg4[%dma_start3A_508, %dma_start3A_516, %dma_start3A_517] : memref<6x8x1664xf32, #tpu.memory_space<vmem>> -> memref<1x8x1664xf32, #tpu.memory_space<vmem>>
        %dma_start3A_519 = tpu.memref_squeeze %dma_start3A_518 : memref<1x8x1664xf32, #tpu.memory_space<vmem>> -> memref<8x1664xf32, #tpu.memory_space<vmem>>
        %dma_start3A_520 = arith.constant 0 : i32
        %dma_start3A_521 = tpu.memref_slice %arg2[%add3A, %dma_start3A_520, %mul3A_507] : memref<32x8x100000xf32, #tpu.memory_space<hbm>> -> memref<1x8x1664xf32, #tpu.memory_space<hbm>>
        %dma_start3A_522 = tpu.memref_squeeze %dma_start3A_521 : memref<1x8x1664xf32, #tpu.memory_space<hbm>> -> memref<8x1664xf32, #tpu.memory_space<hbm>>
        tpu.enqueue_dma source(%dma_start3A_522 : memref<8x1664xf32, #tpu.memory_space<hbm>>) target(%dma_start3A_519 : memref<8x1664xf32, #tpu.memory_space<vmem>>) target_semaphore(%arg10 : memref<!tpu.dma_semaphore, #tpu.memory_space<semaphore_mem>>)
      } else {
      }
      %mul3A_356 = arith.constant 6 : i32
      %mul3A_357 = arith.muli %scan3A_268, %mul3A_356 : i32
      %add3A_358 = arith.constant 2 : i32
      %add3A_359 = arith.addi %mul3A_357, %add3A_358 : i32
      %mul3A_360 = arith.constant 1664 : i32
      %mul3A_361 = arith.muli %add3A_359, %mul3A_360 : i32
      %dma_wait3A_362 = arith.constant 2 : i32
      %dma_wait3A_363 = arith.constant 0 : i32
      %dma_wait3A_364 = arith.constant 0 : i32
      %dma_wait3A_365 = tpu.memref_slice %arg4[%dma_wait3A_362, %dma_wait3A_363, %dma_wait3A_364] : memref<6x8x1664xf32, #tpu.memory_space<vmem>> -> memref<1x8x1664xf32, #tpu.memory_space<vmem>>
      %dma_wait3A_366 = tpu.memref_squeeze %dma_wait3A_365 : memref<1x8x1664xf32, #tpu.memory_space<vmem>> -> memref<8x1664xf32, #tpu.memory_space<vmem>>
      %dma_wait3A_367 = arith.constant 0 : i32
      %dma_wait3A_368 = tpu.memref_slice %arg2[%add3A, %dma_wait3A_367, %mul3A_361] : memref<32x8x100000xf32, #tpu.memory_space<hbm>> -> memref<1x8x1664xf32, #tpu.memory_space<hbm>>
      %dma_wait3A_369 = tpu.memref_squeeze %dma_wait3A_368 : memref<1x8x1664xf32, #tpu.memory_space<hbm>> -> memref<8x1664xf32, #tpu.memory_space<hbm>>
      %dma_wait3A_370 = arith.constant 0 : i32
      %dma_wait3A_371 = arith.constant 0 : i32
      %dma_wait3A_372 = tpu.memref_slice %arg4[%dma_wait3A_362, %dma_wait3A_370, %dma_wait3A_371] : memref<6x8x1664xf32, #tpu.memory_space<vmem>> -> memref<1x8x1664xf32, #tpu.memory_space<vmem>>
      %dma_wait3A_373 = tpu.memref_squeeze %dma_wait3A_372 : memref<1x8x1664xf32, #tpu.memory_space<vmem>> -> memref<8x1664xf32, #tpu.memory_space<vmem>>
      %dma_wait3A_374 = arith.constant 0 : i32
      %dma_wait3A_375 = tpu.memref_slice %arg2[%add3A, %dma_wait3A_374, %mul3A_361] : memref<32x8x100000xf32, #tpu.memory_space<hbm>> -> memref<1x8x1664xf32, #tpu.memory_space<hbm>>
      %dma_wait3A_376 = tpu.memref_squeeze %dma_wait3A_375 : memref<1x8x1664xf32, #tpu.memory_space<hbm>> -> memref<8x1664xf32, #tpu.memory_space<hbm>>
      tpu.wait_dma2 semaphore(%arg11 : memref<!tpu.dma_semaphore, #tpu.memory_space<semaphore_mem>>) src(%dma_wait3A_376 : memref<8x1664xf32, #tpu.memory_space<hbm>>) dst(%dma_wait3A_373 : memref<8x1664xf32, #tpu.memory_space<vmem>>)
      %mul3A_377 = arith.constant 104 : i32
      %mul3A_378 = arith.muli %add3A_359, %mul3A_377 : i32
      %scan3A_379 = arith.constant 2 : i32
      %scan3A_380 = arith.constant 0 : i32
      %scan3A_381 = arith.constant 104 : i32
      %scan3A_382 = arith.addi %scan3A_380, %scan3A_381 : i32
      %scan3A_383 = arith.constant 1 : i32
      %scan3A_384:16 = scf.for %scan3A_504 = %scan3A_380 to %scan3A_382 step %scan3A_383 iter_args(%scan3A_505 = %scan3A_347#0, %scan3A_506 = %scan3A_347#1, %scan3A_507 = %scan3A_347#2, %scan3A_508 = %scan3A_347#3, %scan3A_509 = %scan3A_347#4, %scan3A_510 = %scan3A_347#5, %scan3A_511 = %scan3A_347#6, %scan3A_512 = %scan3A_347#7, %scan3A_513 = %scan3A_347#8, %scan3A_514 = %scan3A_347#9, %scan3A_515 = %scan3A_347#10, %scan3A_516 = %scan3A_347#11, %scan3A_517 = %scan3A_347#12, %scan3A_518 = %scan3A_347#13, %scan3A_519 = %scan3A_347#14, %scan3A_520 = %scan3A_347#15) -> (vector<16xf32>, vector<16xf32>, vector<16xf32>, vector<16xf32>, vector<16xf32>, vector<16xf32>, vector<16xf32>, vector<16xf32>, vector<16xi32>, vector<16xi32>, vector<16xi32>, vector<16xi32>, vector<16xi32>, vector<16xi32>, vector<16xi32>, vector<16xi32>)  : i32 {
        %mul3A_521 = arith.constant 16 : i32
        %mul3A_522 = arith.muli %scan3A_504, %mul3A_521 : i32
        %add3A_523 = arith.addi %mul3A_378, %scan3A_504 : i32
        %broadcast_in_dim3A_524 = vector.broadcast %add3A_523 : i32 to vector<16xi32>
        %get3A = arith.constant 0 : i32
        %get3A_525 = arith.constant 0 : i32
        %get3A_526 = arith.constant 0 : i32
        %get3A_527 = tpu.memref_slice %arg4[%scan3A_379, %get3A_525, %get3A_526] : memref<6x8x1664xf32, #tpu.memory_space<vmem>> -> memref<1x8x1664xf32, #tpu.memory_space<vmem>>
        %get3A_528 = tpu.memref_squeeze %get3A_527 : memref<1x8x1664xf32, #tpu.memory_space<vmem>> -> memref<8x1664xf32, #tpu.memory_space<vmem>>
        %get3A_529 = arith.index_cast %get3A : i32 to index
        %get3A_530 = arith.index_cast %mul3A_522 : i32 to index
        %get3A_531 = tpu.vector_load %get3A_528[%get3A_529, %get3A_530] {strides = array<i32>} : memref<8x1664xf32, #tpu.memory_space<vmem>>, vector<1x16xf32>,
        %get3A_532 = vector.shape_cast %get3A_531 : vector<1x16xf32> to vector<16xf32>
        %gt3A = arith.cmpf ogt, %get3A_532, %scan3A_505 : vector<16xf32>
        %select_n3A = arith.select %gt3A, %get3A_532, %scan3A_505 : vector<16xi1>, vector<16xf32>
        %select_n3A_533 = arith.select %gt3A, %broadcast_in_dim3A_524, %scan3A_513 : vector<16xi1>, vector<16xi32>
        %get3A_534 = arith.constant 1 : i32
        %get3A_535 = arith.constant 0 : i32
        %get3A_536 = arith.constant 0 : i32
        %get3A_537 = tpu.memref_slice %arg4[%scan3A_379, %get3A_535, %get3A_536] : memref<6x8x1664xf32, #tpu.memory_space<vmem>> -> memref<1x8x1664xf32, #tpu.memory_space<vmem>>
        %get3A_538 = tpu.memref_squeeze %get3A_537 : memref<1x8x1664xf32, #tpu.memory_space<vmem>> -> memref<8x1664xf32, #tpu.memory_space<vmem>>
        %get3A_539 = arith.index_cast %get3A_534 : i32 to index
        %get3A_540 = arith.index_cast %mul3A_522 : i32 to index
        %get3A_541 = tpu.vector_load %get3A_538[%get3A_539, %get3A_540] {strides = array<i32>} : memref<8x1664xf32, #tpu.memory_space<vmem>>, vector<1x16xf32>,
        %get3A_542 = vector.shape_cast %get3A_541 : vector<1x16xf32> to vector<16xf32>
        %gt3A_543 = arith.cmpf ogt, %get3A_542, %scan3A_506 : vector<16xf32>
        %select_n3A_544 = arith.select %gt3A_543, %get3A_542, %scan3A_506 : vector<16xi1>, vector<16xf32>
        %select_n3A_545 = arith.select %gt3A_543, %broadcast_in_dim3A_524, %scan3A_514 : vector<16xi1>, vector<16xi32>
        %get3A_546 = arith.constant 2 : i32
        %get3A_547 = arith.constant 0 : i32
        %get3A_548 = arith.constant 0 : i32
        %get3A_549 = tpu.memref_slice %arg4[%scan3A_379, %get3A_547, %get3A_548] : memref<6x8x1664xf32, #tpu.memory_space<vmem>> -> memref<1x8x1664xf32, #tpu.memory_space<vmem>>
        %get3A_550 = tpu.memref_squeeze %get3A_549 : memref<1x8x1664xf32, #tpu.memory_space<vmem>> -> memref<8x1664xf32, #tpu.memory_space<vmem>>
        %get3A_551 = arith.index_cast %get3A_546 : i32 to index
        %get3A_552 = arith.index_cast %mul3A_522 : i32 to index
        %get3A_553 = tpu.vector_load %get3A_550[%get3A_551, %get3A_552] {strides = array<i32>} : memref<8x1664xf32, #tpu.memory_space<vmem>>, vector<1x16xf32>,
        %get3A_554 = vector.shape_cast %get3A_553 : vector<1x16xf32> to vector<16xf32>
        %gt3A_555 = arith.cmpf ogt, %get3A_554, %scan3A_507 : vector<16xf32>
        %select_n3A_556 = arith.select %gt3A_555, %get3A_554, %scan3A_507 : vector<16xi1>, vector<16xf32>
        %select_n3A_557 = arith.select %gt3A_555, %broadcast_in_dim3A_524, %scan3A_515 : vector<16xi1>, vector<16xi32>
        %get3A_558 = arith.constant 3 : i32
        %get3A_559 = arith.constant 0 : i32
        %get3A_560 = arith.constant 0 : i32
        %get3A_561 = tpu.memref_slice %arg4[%scan3A_379, %get3A_559, %get3A_560] : memref<6x8x1664xf32, #tpu.memory_space<vmem>> -> memref<1x8x1664xf32, #tpu.memory_space<vmem>>
        %get3A_562 = tpu.memref_squeeze %get3A_561 : memref<1x8x1664xf32, #tpu.memory_space<vmem>> -> memref<8x1664xf32, #tpu.memory_space<vmem>>
        %get3A_563 = arith.index_cast %get3A_558 : i32 to index
        %get3A_564 = arith.index_cast %mul3A_522 : i32 to index
        %get3A_565 = tpu.vector_load %get3A_562[%get3A_563, %get3A_564] {strides = array<i32>} : memref<8x1664xf32, #tpu.memory_space<vmem>>, vector<1x16xf32>,
        %get3A_566 = vector.shape_cast %get3A_565 : vector<1x16xf32> to vector<16xf32>
        %gt3A_567 = arith.cmpf ogt, %get3A_566, %scan3A_508 : vector<16xf32>
        %select_n3A_568 = arith.select %gt3A_567, %get3A_566, %scan3A_508 : vector<16xi1>, vector<16xf32>
        %select_n3A_569 = arith.select %gt3A_567, %broadcast_in_dim3A_524, %scan3A_516 : vector<16xi1>, vector<16xi32>
        %get3A_570 = arith.constant 4 : i32
        %get3A_571 = arith.constant 0 : i32
        %get3A_572 = arith.constant 0 : i32
        %get3A_573 = tpu.memref_slice %arg4[%scan3A_379, %get3A_571, %get3A_572] : memref<6x8x1664xf32, #tpu.memory_space<vmem>> -> memref<1x8x1664xf32, #tpu.memory_space<vmem>>
        %get3A_574 = tpu.memref_squeeze %get3A_573 : memref<1x8x1664xf32, #tpu.memory_space<vmem>> -> memref<8x1664xf32, #tpu.memory_space<vmem>>
        %get3A_575 = arith.index_cast %get3A_570 : i32 to index
        %get3A_576 = arith.index_cast %mul3A_522 : i32 to index
        %get3A_577 = tpu.vector_load %get3A_574[%get3A_575, %get3A_576] {strides = array<i32>} : memref<8x1664xf32, #tpu.memory_space<vmem>>, vector<1x16xf32>,
        %get3A_578 = vector.shape_cast %get3A_577 : vector<1x16xf32> to vector<16xf32>
        %gt3A_579 = arith.cmpf ogt, %get3A_578, %scan3A_509 : vector<16xf32>
        %select_n3A_580 = arith.select %gt3A_579, %get3A_578, %scan3A_509 : vector<16xi1>, vector<16xf32>
        %select_n3A_581 = arith.select %gt3A_579, %broadcast_in_dim3A_524, %scan3A_517 : vector<16xi1>, vector<16xi32>
        %get3A_582 = arith.constant 5 : i32
        %get3A_583 = arith.constant 0 : i32
        %get3A_584 = arith.constant 0 : i32
        %get3A_585 = tpu.memref_slice %arg4[%scan3A_379, %get3A_583, %get3A_584] : memref<6x8x1664xf32, #tpu.memory_space<vmem>> -> memref<1x8x1664xf32, #tpu.memory_space<vmem>>
        %get3A_586 = tpu.memref_squeeze %get3A_585 : memref<1x8x1664xf32, #tpu.memory_space<vmem>> -> memref<8x1664xf32, #tpu.memory_space<vmem>>
        %get3A_587 = arith.index_cast %get3A_582 : i32 to index
        %get3A_588 = arith.index_cast %mul3A_522 : i32 to index
        %get3A_589 = tpu.vector_load %get3A_586[%get3A_587, %get3A_588] {strides = array<i32>} : memref<8x1664xf32, #tpu.memory_space<vmem>>, vector<1x16xf32>,
        %get3A_590 = vector.shape_cast %get3A_589 : vector<1x16xf32> to vector<16xf32>
        %gt3A_591 = arith.cmpf ogt, %get3A_590, %scan3A_510 : vector<16xf32>
        %select_n3A_592 = arith.select %gt3A_591, %get3A_590, %scan3A_510 : vector<16xi1>, vector<16xf32>
        %select_n3A_593 = arith.select %gt3A_591, %broadcast_in_dim3A_524, %scan3A_518 : vector<16xi1>, vector<16xi32>
        %get3A_594 = arith.constant 6 : i32
        %get3A_595 = arith.constant 0 : i32
        %get3A_596 = arith.constant 0 : i32
        %get3A_597 = tpu.memref_slice %arg4[%scan3A_379, %get3A_595, %get3A_596] : memref<6x8x1664xf32, #tpu.memory_space<vmem>> -> memref<1x8x1664xf32, #tpu.memory_space<vmem>>
        %get3A_598 = tpu.memref_squeeze %get3A_597 : memref<1x8x1664xf32, #tpu.memory_space<vmem>> -> memref<8x1664xf32, #tpu.memory_space<vmem>>
        %get3A_599 = arith.index_cast %get3A_594 : i32 to index
        %get3A_600 = arith.index_cast %mul3A_522 : i32 to index
        %get3A_601 = tpu.vector_load %get3A_598[%get3A_599, %get3A_600] {strides = array<i32>} : memref<8x1664xf32, #tpu.memory_space<vmem>>, vector<1x16xf32>,
        %get3A_602 = vector.shape_cast %get3A_601 : vector<1x16xf32> to vector<16xf32>
        %gt3A_603 = arith.cmpf ogt, %get3A_602, %scan3A_511 : vector<16xf32>
        %select_n3A_604 = arith.select %gt3A_603, %get3A_602, %scan3A_511 : vector<16xi1>, vector<16xf32>
        %select_n3A_605 = arith.select %gt3A_603, %broadcast_in_dim3A_524, %scan3A_519 : vector<16xi1>, vector<16xi32>
        %get3A_606 = arith.constant 7 : i32
        %get3A_607 = arith.constant 0 : i32
        %get3A_608 = arith.constant 0 : i32
        %get3A_609 = tpu.memref_slice %arg4[%scan3A_379, %get3A_607, %get3A_608] : memref<6x8x1664xf32, #tpu.memory_space<vmem>> -> memref<1x8x1664xf32, #tpu.memory_space<vmem>>
        %get3A_610 = tpu.memref_squeeze %get3A_609 : memref<1x8x1664xf32, #tpu.memory_space<vmem>> -> memref<8x1664xf32, #tpu.memory_space<vmem>>
        %get3A_611 = arith.index_cast %get3A_606 : i32 to index
        %get3A_612 = arith.index_cast %mul3A_522 : i32 to index
        %get3A_613 = tpu.vector_load %get3A_610[%get3A_611, %get3A_612] {strides = array<i32>} : memref<8x1664xf32, #tpu.memory_space<vmem>>, vector<1x16xf32>,
        %get3A_614 = vector.shape_cast %get3A_613 : vector<1x16xf32> to vector<16xf32>
        %gt3A_615 = arith.cmpf ogt, %get3A_614, %scan3A_512 : vector<16xf32>
        %select_n3A_616 = arith.select %gt3A_615, %get3A_614, %scan3A_512 : vector<16xi1>, vector<16xf32>
        %select_n3A_617 = arith.select %gt3A_615, %broadcast_in_dim3A_524, %scan3A_520 : vector<16xi1>, vector<16xi32>
        scf.yield %select_n3A, %select_n3A_544, %select_n3A_556, %select_n3A_568, %select_n3A_580, %select_n3A_592, %select_n3A_604, %select_n3A_616, %select_n3A_533, %select_n3A_545, %select_n3A_557, %select_n3A_569, %select_n3A_581, %select_n3A_593, %select_n3A_605, %select_n3A_617 : vector<16xf32>, vector<16xf32>, vector<16xf32>, vector<16xf32>, vector<16xf32>, vector<16xf32>, vector<16xf32>, vector<16xf32>, vector<16xi32>, vector<16xi32>, vector<16xi32>, vector<16xi32>, vector<16xi32>, vector<16xi32>, vector<16xi32>, vector<16xi32>
      }
      %scan3A_385 = arith.constant 104 : i32
      %add3A_386 = arith.constant 6 : i32
      %add3A_387 = arith.addi %add3A_359, %add3A_386 : i32
      %lt3A_388 = arith.constant 60 : i32
      %lt3A_389 = arith.cmpi slt, %add3A_387, %lt3A_388 : i32
      %convert_element_type3A_390 = arith.extui %lt3A_389 : i1 to i32
      %cond3A_391 = arith.constant 0 : i32
      %cond3A_392 = arith.cmpi ne, %convert_element_type3A_390, %cond3A_391 : i32
      scf.if %cond3A_392 {
        %add3A_504 = arith.constant 6 : i32
        %add3A_505 = arith.addi %add3A_359, %add3A_504 : i32
        %mul3A_506 = arith.constant 1664 : i32
        %mul3A_507 = arith.muli %add3A_505, %mul3A_506 : i32
        %dma_start3A_508 = arith.constant 2 : i32
        %dma_start3A_509 = arith.constant 0 : i32
        %dma_start3A_510 = arith.constant 0 : i32
        %dma_start3A_511 = tpu.memref_slice %arg4[%dma_start3A_508, %dma_start3A_509, %dma_start3A_510] : memref<6x8x1664xf32, #tpu.memory_space<vmem>> -> memref<1x8x1664xf32, #tpu.memory_space<vmem>>
        %dma_start3A_512 = tpu.memref_squeeze %dma_start3A_511 : memref<1x8x1664xf32, #tpu.memory_space<vmem>> -> memref<8x1664xf32, #tpu.memory_space<vmem>>
        %dma_start3A_513 = arith.constant 0 : i32
        %dma_start3A_514 = tpu.memref_slice %arg2[%add3A, %dma_start3A_513, %mul3A_507] : memref<32x8x100000xf32, #tpu.memory_space<hbm>> -> memref<1x8x1664xf32, #tpu.memory_space<hbm>>
        %dma_start3A_515 = tpu.memref_squeeze %dma_start3A_514 : memref<1x8x1664xf32, #tpu.memory_space<hbm>> -> memref<8x1664xf32, #tpu.memory_space<hbm>>
        %dma_start3A_516 = arith.constant 0 : i32
        %dma_start3A_517 = arith.constant 0 : i32
        %dma_start3A_518 = tpu.memref_slice %arg4[%dma_start3A_508, %dma_start3A_516, %dma_start3A_517] : memref<6x8x1664xf32, #tpu.memory_space<vmem>> -> memref<1x8x1664xf32, #tpu.memory_space<vmem>>
        %dma_start3A_519 = tpu.memref_squeeze %dma_start3A_518 : memref<1x8x1664xf32, #tpu.memory_space<vmem>> -> memref<8x1664xf32, #tpu.memory_space<vmem>>
        %dma_start3A_520 = arith.constant 0 : i32
        %dma_start3A_521 = tpu.memref_slice %arg2[%add3A, %dma_start3A_520, %mul3A_507] : memref<32x8x100000xf32, #tpu.memory_space<hbm>> -> memref<1x8x1664xf32, #tpu.memory_space<hbm>>
        %dma_start3A_522 = tpu.memref_squeeze %dma_start3A_521 : memref<1x8x1664xf32, #tpu.memory_space<hbm>> -> memref<8x1664xf32, #tpu.memory_space<hbm>>
        tpu.enqueue_dma source(%dma_start3A_522 : memref<8x1664xf32, #tpu.memory_space<hbm>>) target(%dma_start3A_519 : memref<8x1664xf32, #tpu.memory_space<vmem>>) target_semaphore(%arg11 : memref<!tpu.dma_semaphore, #tpu.memory_space<semaphore_mem>>)
      } else {
      }
      %mul3A_393 = arith.constant 6 : i32
      %mul3A_394 = arith.muli %scan3A_268, %mul3A_393 : i32
      %add3A_395 = arith.constant 3 : i32
      %add3A_396 = arith.addi %mul3A_394, %add3A_395 : i32
      %mul3A_397 = arith.constant 1664 : i32
      %mul3A_398 = arith.muli %add3A_396, %mul3A_397 : i32
      %dma_wait3A_399 = arith.constant 3 : i32
      %dma_wait3A_400 = arith.constant 0 : i32
      %dma_wait3A_401 = arith.constant 0 : i32
      %dma_wait3A_402 = tpu.memref_slice %arg4[%dma_wait3A_399, %dma_wait3A_400, %dma_wait3A_401] : memref<6x8x1664xf32, #tpu.memory_space<vmem>> -> memref<1x8x1664xf32, #tpu.memory_space<vmem>>
      %dma_wait3A_403 = tpu.memref_squeeze %dma_wait3A_402 : memref<1x8x1664xf32, #tpu.memory_space<vmem>> -> memref<8x1664xf32, #tpu.memory_space<vmem>>
      %dma_wait3A_404 = arith.constant 0 : i32
      %dma_wait3A_405 = tpu.memref_slice %arg2[%add3A, %dma_wait3A_404, %mul3A_398] : memref<32x8x100000xf32, #tpu.memory_space<hbm>> -> memref<1x8x1664xf32, #tpu.memory_space<hbm>>
      %dma_wait3A_406 = tpu.memref_squeeze %dma_wait3A_405 : memref<1x8x1664xf32, #tpu.memory_space<hbm>> -> memref<8x1664xf32, #tpu.memory_space<hbm>>
      %dma_wait3A_407 = arith.constant 0 : i32
      %dma_wait3A_408 = arith.constant 0 : i32
      %dma_wait3A_409 = tpu.memref_slice %arg4[%dma_wait3A_399, %dma_wait3A_407, %dma_wait3A_408] : memref<6x8x1664xf32, #tpu.memory_space<vmem>> -> memref<1x8x1664xf32, #tpu.memory_space<vmem>>
      %dma_wait3A_410 = tpu.memref_squeeze %dma_wait3A_409 : memref<1x8x1664xf32, #tpu.memory_space<vmem>> -> memref<8x1664xf32, #tpu.memory_space<vmem>>
      %dma_wait3A_411 = arith.constant 0 : i32
      %dma_wait3A_412 = tpu.memref_slice %arg2[%add3A, %dma_wait3A_411, %mul3A_398] : memref<32x8x100000xf32, #tpu.memory_space<hbm>> -> memref<1x8x1664xf32, #tpu.memory_space<hbm>>
      %dma_wait3A_413 = tpu.memref_squeeze %dma_wait3A_412 : memref<1x8x1664xf32, #tpu.memory_space<hbm>> -> memref<8x1664xf32, #tpu.memory_space<hbm>>
      tpu.wait_dma2 semaphore(%arg12 : memref<!tpu.dma_semaphore, #tpu.memory_space<semaphore_mem>>) src(%dma_wait3A_413 : memref<8x1664xf32, #tpu.memory_space<hbm>>) dst(%dma_wait3A_410 : memref<8x1664xf32, #tpu.memory_space<vmem>>)
      %mul3A_414 = arith.constant 104 : i32
      %mul3A_415 = arith.muli %add3A_396, %mul3A_414 : i32
      %scan3A_416 = arith.constant 3 : i32
      %scan3A_417 = arith.constant 0 : i32
      %scan3A_418 = arith.constant 104 : i32
      %scan3A_419 = arith.addi %scan3A_417, %scan3A_418 : i32
      %scan3A_420 = arith.constant 1 : i32
      %scan3A_421:16 = scf.for %scan3A_504 = %scan3A_417 to %scan3A_419 step %scan3A_420 iter_args(%scan3A_505 = %scan3A_384#0, %scan3A_506 = %scan3A_384#1, %scan3A_507 = %scan3A_384#2, %scan3A_508 = %scan3A_384#3, %scan3A_509 = %scan3A_384#4, %scan3A_510 = %scan3A_384#5, %scan3A_511 = %scan3A_384#6, %scan3A_512 = %scan3A_384#7, %scan3A_513 = %scan3A_384#8, %scan3A_514 = %scan3A_384#9, %scan3A_515 = %scan3A_384#10, %scan3A_516 = %scan3A_384#11, %scan3A_517 = %scan3A_384#12, %scan3A_518 = %scan3A_384#13, %scan3A_519 = %scan3A_384#14, %scan3A_520 = %scan3A_384#15) -> (vector<16xf32>, vector<16xf32>, vector<16xf32>, vector<16xf32>, vector<16xf32>, vector<16xf32>, vector<16xf32>, vector<16xf32>, vector<16xi32>, vector<16xi32>, vector<16xi32>, vector<16xi32>, vector<16xi32>, vector<16xi32>, vector<16xi32>, vector<16xi32>)  : i32 {
        %mul3A_521 = arith.constant 16 : i32
        %mul3A_522 = arith.muli %scan3A_504, %mul3A_521 : i32
        %add3A_523 = arith.addi %mul3A_415, %scan3A_504 : i32
        %broadcast_in_dim3A_524 = vector.broadcast %add3A_523 : i32 to vector<16xi32>
        %get3A = arith.constant 0 : i32
        %get3A_525 = arith.constant 0 : i32
        %get3A_526 = arith.constant 0 : i32
        %get3A_527 = tpu.memref_slice %arg4[%scan3A_416, %get3A_525, %get3A_526] : memref<6x8x1664xf32, #tpu.memory_space<vmem>> -> memref<1x8x1664xf32, #tpu.memory_space<vmem>>
        %get3A_528 = tpu.memref_squeeze %get3A_527 : memref<1x8x1664xf32, #tpu.memory_space<vmem>> -> memref<8x1664xf32, #tpu.memory_space<vmem>>
        %get3A_529 = arith.index_cast %get3A : i32 to index
        %get3A_530 = arith.index_cast %mul3A_522 : i32 to index
        %get3A_531 = tpu.vector_load %get3A_528[%get3A_529, %get3A_530] {strides = array<i32>} : memref<8x1664xf32, #tpu.memory_space<vmem>>, vector<1x16xf32>,
        %get3A_532 = vector.shape_cast %get3A_531 : vector<1x16xf32> to vector<16xf32>
        %gt3A = arith.cmpf ogt, %get3A_532, %scan3A_505 : vector<16xf32>
        %select_n3A = arith.select %gt3A, %get3A_532, %scan3A_505 : vector<16xi1>, vector<16xf32>
        %select_n3A_533 = arith.select %gt3A, %broadcast_in_dim3A_524, %scan3A_513 : vector<16xi1>, vector<16xi32>
        %get3A_534 = arith.constant 1 : i32
        %get3A_535 = arith.constant 0 : i32
        %get3A_536 = arith.constant 0 : i32
        %get3A_537 = tpu.memref_slice %arg4[%scan3A_416, %get3A_535, %get3A_536] : memref<6x8x1664xf32, #tpu.memory_space<vmem>> -> memref<1x8x1664xf32, #tpu.memory_space<vmem>>
        %get3A_538 = tpu.memref_squeeze %get3A_537 : memref<1x8x1664xf32, #tpu.memory_space<vmem>> -> memref<8x1664xf32, #tpu.memory_space<vmem>>
        %get3A_539 = arith.index_cast %get3A_534 : i32 to index
        %get3A_540 = arith.index_cast %mul3A_522 : i32 to index
        %get3A_541 = tpu.vector_load %get3A_538[%get3A_539, %get3A_540] {strides = array<i32>} : memref<8x1664xf32, #tpu.memory_space<vmem>>, vector<1x16xf32>,
        %get3A_542 = vector.shape_cast %get3A_541 : vector<1x16xf32> to vector<16xf32>
        %gt3A_543 = arith.cmpf ogt, %get3A_542, %scan3A_506 : vector<16xf32>
        %select_n3A_544 = arith.select %gt3A_543, %get3A_542, %scan3A_506 : vector<16xi1>, vector<16xf32>
        %select_n3A_545 = arith.select %gt3A_543, %broadcast_in_dim3A_524, %scan3A_514 : vector<16xi1>, vector<16xi32>
        %get3A_546 = arith.constant 2 : i32
        %get3A_547 = arith.constant 0 : i32
        %get3A_548 = arith.constant 0 : i32
        %get3A_549 = tpu.memref_slice %arg4[%scan3A_416, %get3A_547, %get3A_548] : memref<6x8x1664xf32, #tpu.memory_space<vmem>> -> memref<1x8x1664xf32, #tpu.memory_space<vmem>>
        %get3A_550 = tpu.memref_squeeze %get3A_549 : memref<1x8x1664xf32, #tpu.memory_space<vmem>> -> memref<8x1664xf32, #tpu.memory_space<vmem>>
        %get3A_551 = arith.index_cast %get3A_546 : i32 to index
        %get3A_552 = arith.index_cast %mul3A_522 : i32 to index
        %get3A_553 = tpu.vector_load %get3A_550[%get3A_551, %get3A_552] {strides = array<i32>} : memref<8x1664xf32, #tpu.memory_space<vmem>>, vector<1x16xf32>,
        %get3A_554 = vector.shape_cast %get3A_553 : vector<1x16xf32> to vector<16xf32>
        %gt3A_555 = arith.cmpf ogt, %get3A_554, %scan3A_507 : vector<16xf32>
        %select_n3A_556 = arith.select %gt3A_555, %get3A_554, %scan3A_507 : vector<16xi1>, vector<16xf32>
        %select_n3A_557 = arith.select %gt3A_555, %broadcast_in_dim3A_524, %scan3A_515 : vector<16xi1>, vector<16xi32>
        %get3A_558 = arith.constant 3 : i32
        %get3A_559 = arith.constant 0 : i32
        %get3A_560 = arith.constant 0 : i32
        %get3A_561 = tpu.memref_slice %arg4[%scan3A_416, %get3A_559, %get3A_560] : memref<6x8x1664xf32, #tpu.memory_space<vmem>> -> memref<1x8x1664xf32, #tpu.memory_space<vmem>>
        %get3A_562 = tpu.memref_squeeze %get3A_561 : memref<1x8x1664xf32, #tpu.memory_space<vmem>> -> memref<8x1664xf32, #tpu.memory_space<vmem>>
        %get3A_563 = arith.index_cast %get3A_558 : i32 to index
        %get3A_564 = arith.index_cast %mul3A_522 : i32 to index
        %get3A_565 = tpu.vector_load %get3A_562[%get3A_563, %get3A_564] {strides = array<i32>} : memref<8x1664xf32, #tpu.memory_space<vmem>>, vector<1x16xf32>,
        %get3A_566 = vector.shape_cast %get3A_565 : vector<1x16xf32> to vector<16xf32>
        %gt3A_567 = arith.cmpf ogt, %get3A_566, %scan3A_508 : vector<16xf32>
        %select_n3A_568 = arith.select %gt3A_567, %get3A_566, %scan3A_508 : vector<16xi1>, vector<16xf32>
        %select_n3A_569 = arith.select %gt3A_567, %broadcast_in_dim3A_524, %scan3A_516 : vector<16xi1>, vector<16xi32>
        %get3A_570 = arith.constant 4 : i32
        %get3A_571 = arith.constant 0 : i32
        %get3A_572 = arith.constant 0 : i32
        %get3A_573 = tpu.memref_slice %arg4[%scan3A_416, %get3A_571, %get3A_572] : memref<6x8x1664xf32, #tpu.memory_space<vmem>> -> memref<1x8x1664xf32, #tpu.memory_space<vmem>>
        %get3A_574 = tpu.memref_squeeze %get3A_573 : memref<1x8x1664xf32, #tpu.memory_space<vmem>> -> memref<8x1664xf32, #tpu.memory_space<vmem>>
        %get3A_575 = arith.index_cast %get3A_570 : i32 to index
        %get3A_576 = arith.index_cast %mul3A_522 : i32 to index
        %get3A_577 = tpu.vector_load %get3A_574[%get3A_575, %get3A_576] {strides = array<i32>} : memref<8x1664xf32, #tpu.memory_space<vmem>>, vector<1x16xf32>,
        %get3A_578 = vector.shape_cast %get3A_577 : vector<1x16xf32> to vector<16xf32>
        %gt3A_579 = arith.cmpf ogt, %get3A_578, %scan3A_509 : vector<16xf32>
        %select_n3A_580 = arith.select %gt3A_579, %get3A_578, %scan3A_509 : vector<16xi1>, vector<16xf32>
        %select_n3A_581 = arith.select %gt3A_579, %broadcast_in_dim3A_524, %scan3A_517 : vector<16xi1>, vector<16xi32>
        %get3A_582 = arith.constant 5 : i32
        %get3A_583 = arith.constant 0 : i32
        %get3A_584 = arith.constant 0 : i32
        %get3A_585 = tpu.memref_slice %arg4[%scan3A_416, %get3A_583, %get3A_584] : memref<6x8x1664xf32, #tpu.memory_space<vmem>> -> memref<1x8x1664xf32, #tpu.memory_space<vmem>>
        %get3A_586 = tpu.memref_squeeze %get3A_585 : memref<1x8x1664xf32, #tpu.memory_space<vmem>> -> memref<8x1664xf32, #tpu.memory_space<vmem>>
        %get3A_587 = arith.index_cast %get3A_582 : i32 to index
        %get3A_588 = arith.index_cast %mul3A_522 : i32 to index
        %get3A_589 = tpu.vector_load %get3A_586[%get3A_587, %get3A_588] {strides = array<i32>} : memref<8x1664xf32, #tpu.memory_space<vmem>>, vector<1x16xf32>,
        %get3A_590 = vector.shape_cast %get3A_589 : vector<1x16xf32> to vector<16xf32>
        %gt3A_591 = arith.cmpf ogt, %get3A_590, %scan3A_510 : vector<16xf32>
        %select_n3A_592 = arith.select %gt3A_591, %get3A_590, %scan3A_510 : vector<16xi1>, vector<16xf32>
        %select_n3A_593 = arith.select %gt3A_591, %broadcast_in_dim3A_524, %scan3A_518 : vector<16xi1>, vector<16xi32>
        %get3A_594 = arith.constant 6 : i32
        %get3A_595 = arith.constant 0 : i32
        %get3A_596 = arith.constant 0 : i32
        %get3A_597 = tpu.memref_slice %arg4[%scan3A_416, %get3A_595, %get3A_596] : memref<6x8x1664xf32, #tpu.memory_space<vmem>> -> memref<1x8x1664xf32, #tpu.memory_space<vmem>>
        %get3A_598 = tpu.memref_squeeze %get3A_597 : memref<1x8x1664xf32, #tpu.memory_space<vmem>> -> memref<8x1664xf32, #tpu.memory_space<vmem>>
        %get3A_599 = arith.index_cast %get3A_594 : i32 to index
        %get3A_600 = arith.index_cast %mul3A_522 : i32 to index
        %get3A_601 = tpu.vector_load %get3A_598[%get3A_599, %get3A_600] {strides = array<i32>} : memref<8x1664xf32, #tpu.memory_space<vmem>>, vector<1x16xf32>,
        %get3A_602 = vector.shape_cast %get3A_601 : vector<1x16xf32> to vector<16xf32>
        %gt3A_603 = arith.cmpf ogt, %get3A_602, %scan3A_511 : vector<16xf32>
        %select_n3A_604 = arith.select %gt3A_603, %get3A_602, %scan3A_511 : vector<16xi1>, vector<16xf32>
        %select_n3A_605 = arith.select %gt3A_603, %broadcast_in_dim3A_524, %scan3A_519 : vector<16xi1>, vector<16xi32>
        %get3A_606 = arith.constant 7 : i32
        %get3A_607 = arith.constant 0 : i32
        %get3A_608 = arith.constant 0 : i32
        %get3A_609 = tpu.memref_slice %arg4[%scan3A_416, %get3A_607, %get3A_608] : memref<6x8x1664xf32, #tpu.memory_space<vmem>> -> memref<1x8x1664xf32, #tpu.memory_space<vmem>>
        %get3A_610 = tpu.memref_squeeze %get3A_609 : memref<1x8x1664xf32, #tpu.memory_space<vmem>> -> memref<8x1664xf32, #tpu.memory_space<vmem>>
        %get3A_611 = arith.index_cast %get3A_606 : i32 to index
        %get3A_612 = arith.index_cast %mul3A_522 : i32 to index
        %get3A_613 = tpu.vector_load %get3A_610[%get3A_611, %get3A_612] {strides = array<i32>} : memref<8x1664xf32, #tpu.memory_space<vmem>>, vector<1x16xf32>,
        %get3A_614 = vector.shape_cast %get3A_613 : vector<1x16xf32> to vector<16xf32>
        %gt3A_615 = arith.cmpf ogt, %get3A_614, %scan3A_512 : vector<16xf32>
        %select_n3A_616 = arith.select %gt3A_615, %get3A_614, %scan3A_512 : vector<16xi1>, vector<16xf32>
        %select_n3A_617 = arith.select %gt3A_615, %broadcast_in_dim3A_524, %scan3A_520 : vector<16xi1>, vector<16xi32>
        scf.yield %select_n3A, %select_n3A_544, %select_n3A_556, %select_n3A_568, %select_n3A_580, %select_n3A_592, %select_n3A_604, %select_n3A_616, %select_n3A_533, %select_n3A_545, %select_n3A_557, %select_n3A_569, %select_n3A_581, %select_n3A_593, %select_n3A_605, %select_n3A_617 : vector<16xf32>, vector<16xf32>, vector<16xf32>, vector<16xf32>, vector<16xf32>, vector<16xf32>, vector<16xf32>, vector<16xf32>, vector<16xi32>, vector<16xi32>, vector<16xi32>, vector<16xi32>, vector<16xi32>, vector<16xi32>, vector<16xi32>, vector<16xi32>
      }
      %scan3A_422 = arith.constant 104 : i32
      %add3A_423 = arith.constant 6 : i32
      %add3A_424 = arith.addi %add3A_396, %add3A_423 : i32
      %lt3A_425 = arith.constant 60 : i32
      %lt3A_426 = arith.cmpi slt, %add3A_424, %lt3A_425 : i32
      %convert_element_type3A_427 = arith.extui %lt3A_426 : i1 to i32
      %cond3A_428 = arith.constant 0 : i32
      %cond3A_429 = arith.cmpi ne, %convert_element_type3A_427, %cond3A_428 : i32
      scf.if %cond3A_429 {
        %add3A_504 = arith.constant 6 : i32
        %add3A_505 = arith.addi %add3A_396, %add3A_504 : i32
        %mul3A_506 = arith.constant 1664 : i32
        %mul3A_507 = arith.muli %add3A_505, %mul3A_506 : i32
        %dma_start3A_508 = arith.constant 3 : i32
        %dma_start3A_509 = arith.constant 0 : i32
        %dma_start3A_510 = arith.constant 0 : i32
        %dma_start3A_511 = tpu.memref_slice %arg4[%dma_start3A_508, %dma_start3A_509, %dma_start3A_510] : memref<6x8x1664xf32, #tpu.memory_space<vmem>> -> memref<1x8x1664xf32, #tpu.memory_space<vmem>>
        %dma_start3A_512 = tpu.memref_squeeze %dma_start3A_511 : memref<1x8x1664xf32, #tpu.memory_space<vmem>> -> memref<8x1664xf32, #tpu.memory_space<vmem>>
        %dma_start3A_513 = arith.constant 0 : i32
        %dma_start3A_514 = tpu.memref_slice %arg2[%add3A, %dma_start3A_513, %mul3A_507] : memref<32x8x100000xf32, #tpu.memory_space<hbm>> -> memref<1x8x1664xf32, #tpu.memory_space<hbm>>
        %dma_start3A_515 = tpu.memref_squeeze %dma_start3A_514 : memref<1x8x1664xf32, #tpu.memory_space<hbm>> -> memref<8x1664xf32, #tpu.memory_space<hbm>>
        %dma_start3A_516 = arith.constant 0 : i32
        %dma_start3A_517 = arith.constant 0 : i32
        %dma_start3A_518 = tpu.memref_slice %arg4[%dma_start3A_508, %dma_start3A_516, %dma_start3A_517] : memref<6x8x1664xf32, #tpu.memory_space<vmem>> -> memref<1x8x1664xf32, #tpu.memory_space<vmem>>
        %dma_start3A_519 = tpu.memref_squeeze %dma_start3A_518 : memref<1x8x1664xf32, #tpu.memory_space<vmem>> -> memref<8x1664xf32, #tpu.memory_space<vmem>>
        %dma_start3A_520 = arith.constant 0 : i32
        %dma_start3A_521 = tpu.memref_slice %arg2[%add3A, %dma_start3A_520, %mul3A_507] : memref<32x8x100000xf32, #tpu.memory_space<hbm>> -> memref<1x8x1664xf32, #tpu.memory_space<hbm>>
        %dma_start3A_522 = tpu.memref_squeeze %dma_start3A_521 : memref<1x8x1664xf32, #tpu.memory_space<hbm>> -> memref<8x1664xf32, #tpu.memory_space<hbm>>
        tpu.enqueue_dma source(%dma_start3A_522 : memref<8x1664xf32, #tpu.memory_space<hbm>>) target(%dma_start3A_519 : memref<8x1664xf32, #tpu.memory_space<vmem>>) target_semaphore(%arg12 : memref<!tpu.dma_semaphore, #tpu.memory_space<semaphore_mem>>)
      } else {
      }
      %mul3A_430 = arith.constant 6 : i32
      %mul3A_431 = arith.muli %scan3A_268, %mul3A_430 : i32
      %add3A_432 = arith.constant 4 : i32
      %add3A_433 = arith.addi %mul3A_431, %add3A_432 : i32
      %mul3A_434 = arith.constant 1664 : i32
      %mul3A_435 = arith.muli %add3A_433, %mul3A_434 : i32
      %dma_wait3A_436 = arith.constant 4 : i32
      %dma_wait3A_437 = arith.constant 0 : i32
      %dma_wait3A_438 = arith.constant 0 : i32
      %dma_wait3A_439 = tpu.memref_slice %arg4[%dma_wait3A_436, %dma_wait3A_437, %dma_wait3A_438] : memref<6x8x1664xf32, #tpu.memory_space<vmem>> -> memref<1x8x1664xf32, #tpu.memory_space<vmem>>
      %dma_wait3A_440 = tpu.memref_squeeze %dma_wait3A_439 : memref<1x8x1664xf32, #tpu.memory_space<vmem>> -> memref<8x1664xf32, #tpu.memory_space<vmem>>
      %dma_wait3A_441 = arith.constant 0 : i32
      %dma_wait3A_442 = tpu.memref_slice %arg2[%add3A, %dma_wait3A_441, %mul3A_435] : memref<32x8x100000xf32, #tpu.memory_space<hbm>> -> memref<1x8x1664xf32, #tpu.memory_space<hbm>>
      %dma_wait3A_443 = tpu.memref_squeeze %dma_wait3A_442 : memref<1x8x1664xf32, #tpu.memory_space<hbm>> -> memref<8x1664xf32, #tpu.memory_space<hbm>>
      %dma_wait3A_444 = arith.constant 0 : i32
      %dma_wait3A_445 = arith.constant 0 : i32
      %dma_wait3A_446 = tpu.memref_slice %arg4[%dma_wait3A_436, %dma_wait3A_444, %dma_wait3A_445] : memref<6x8x1664xf32, #tpu.memory_space<vmem>> -> memref<1x8x1664xf32, #tpu.memory_space<vmem>>
      %dma_wait3A_447 = tpu.memref_squeeze %dma_wait3A_446 : memref<1x8x1664xf32, #tpu.memory_space<vmem>> -> memref<8x1664xf32, #tpu.memory_space<vmem>>
      %dma_wait3A_448 = arith.constant 0 : i32
      %dma_wait3A_449 = tpu.memref_slice %arg2[%add3A, %dma_wait3A_448, %mul3A_435] : memref<32x8x100000xf32, #tpu.memory_space<hbm>> -> memref<1x8x1664xf32, #tpu.memory_space<hbm>>
      %dma_wait3A_450 = tpu.memref_squeeze %dma_wait3A_449 : memref<1x8x1664xf32, #tpu.memory_space<hbm>> -> memref<8x1664xf32, #tpu.memory_space<hbm>>
      tpu.wait_dma2 semaphore(%arg13 : memref<!tpu.dma_semaphore, #tpu.memory_space<semaphore_mem>>) src(%dma_wait3A_450 : memref<8x1664xf32, #tpu.memory_space<hbm>>) dst(%dma_wait3A_447 : memref<8x1664xf32, #tpu.memory_space<vmem>>)
      %mul3A_451 = arith.constant 104 : i32
      %mul3A_452 = arith.muli %add3A_433, %mul3A_451 : i32
      %scan3A_453 = arith.constant 4 : i32
      %scan3A_454 = arith.constant 0 : i32
      %scan3A_455 = arith.constant 104 : i32
      %scan3A_456 = arith.addi %scan3A_454, %scan3A_455 : i32
      %scan3A_457 = arith.constant 1 : i32
      %scan3A_458:16 = scf.for %scan3A_504 = %scan3A_454 to %scan3A_456 step %scan3A_457 iter_args(%scan3A_505 = %scan3A_421#0, %scan3A_506 = %scan3A_421#1, %scan3A_507 = %scan3A_421#2, %scan3A_508 = %scan3A_421#3, %scan3A_509 = %scan3A_421#4, %scan3A_510 = %scan3A_421#5, %scan3A_511 = %scan3A_421#6, %scan3A_512 = %scan3A_421#7, %scan3A_513 = %scan3A_421#8, %scan3A_514 = %scan3A_421#9, %scan3A_515 = %scan3A_421#10, %scan3A_516 = %scan3A_421#11, %scan3A_517 = %scan3A_421#12, %scan3A_518 = %scan3A_421#13, %scan3A_519 = %scan3A_421#14, %scan3A_520 = %scan3A_421#15) -> (vector<16xf32>, vector<16xf32>, vector<16xf32>, vector<16xf32>, vector<16xf32>, vector<16xf32>, vector<16xf32>, vector<16xf32>, vector<16xi32>, vector<16xi32>, vector<16xi32>, vector<16xi32>, vector<16xi32>, vector<16xi32>, vector<16xi32>, vector<16xi32>)  : i32 {
        %mul3A_521 = arith.constant 16 : i32
        %mul3A_522 = arith.muli %scan3A_504, %mul3A_521 : i32
        %add3A_523 = arith.addi %mul3A_452, %scan3A_504 : i32
        %broadcast_in_dim3A_524 = vector.broadcast %add3A_523 : i32 to vector<16xi32>
        %get3A = arith.constant 0 : i32
        %get3A_525 = arith.constant 0 : i32
        %get3A_526 = arith.constant 0 : i32
        %get3A_527 = tpu.memref_slice %arg4[%scan3A_453, %get3A_525, %get3A_526] : memref<6x8x1664xf32, #tpu.memory_space<vmem>> -> memref<1x8x1664xf32, #tpu.memory_space<vmem>>
        %get3A_528 = tpu.memref_squeeze %get3A_527 : memref<1x8x1664xf32, #tpu.memory_space<vmem>> -> memref<8x1664xf32, #tpu.memory_space<vmem>>
        %get3A_529 = arith.index_cast %get3A : i32 to index
        %get3A_530 = arith.index_cast %mul3A_522 : i32 to index
        %get3A_531 = tpu.vector_load %get3A_528[%get3A_529, %get3A_530] {strides = array<i32>} : memref<8x1664xf32, #tpu.memory_space<vmem>>, vector<1x16xf32>,
        %get3A_532 = vector.shape_cast %get3A_531 : vector<1x16xf32> to vector<16xf32>
        %gt3A = arith.cmpf ogt, %get3A_532, %scan3A_505 : vector<16xf32>
        %select_n3A = arith.select %gt3A, %get3A_532, %scan3A_505 : vector<16xi1>, vector<16xf32>
        %select_n3A_533 = arith.select %gt3A, %broadcast_in_dim3A_524, %scan3A_513 : vector<16xi1>, vector<16xi32>
        %get3A_534 = arith.constant 1 : i32
        %get3A_535 = arith.constant 0 : i32
        %get3A_536 = arith.constant 0 : i32
        %get3A_537 = tpu.memref_slice %arg4[%scan3A_453, %get3A_535, %get3A_536] : memref<6x8x1664xf32, #tpu.memory_space<vmem>> -> memref<1x8x1664xf32, #tpu.memory_space<vmem>>
        %get3A_538 = tpu.memref_squeeze %get3A_537 : memref<1x8x1664xf32, #tpu.memory_space<vmem>> -> memref<8x1664xf32, #tpu.memory_space<vmem>>
        %get3A_539 = arith.index_cast %get3A_534 : i32 to index
        %get3A_540 = arith.index_cast %mul3A_522 : i32 to index
        %get3A_541 = tpu.vector_load %get3A_538[%get3A_539, %get3A_540] {strides = array<i32>} : memref<8x1664xf32, #tpu.memory_space<vmem>>, vector<1x16xf32>,
        %get3A_542 = vector.shape_cast %get3A_541 : vector<1x16xf32> to vector<16xf32>
        %gt3A_543 = arith.cmpf ogt, %get3A_542, %scan3A_506 : vector<16xf32>
        %select_n3A_544 = arith.select %gt3A_543, %get3A_542, %scan3A_506 : vector<16xi1>, vector<16xf32>
        %select_n3A_545 = arith.select %gt3A_543, %broadcast_in_dim3A_524, %scan3A_514 : vector<16xi1>, vector<16xi32>
        %get3A_546 = arith.constant 2 : i32
        %get3A_547 = arith.constant 0 : i32
        %get3A_548 = arith.constant 0 : i32
        %get3A_549 = tpu.memref_slice %arg4[%scan3A_453, %get3A_547, %get3A_548] : memref<6x8x1664xf32, #tpu.memory_space<vmem>> -> memref<1x8x1664xf32, #tpu.memory_space<vmem>>
        %get3A_550 = tpu.memref_squeeze %get3A_549 : memref<1x8x1664xf32, #tpu.memory_space<vmem>> -> memref<8x1664xf32, #tpu.memory_space<vmem>>
        %get3A_551 = arith.index_cast %get3A_546 : i32 to index
        %get3A_552 = arith.index_cast %mul3A_522 : i32 to index
        %get3A_553 = tpu.vector_load %get3A_550[%get3A_551, %get3A_552] {strides = array<i32>} : memref<8x1664xf32, #tpu.memory_space<vmem>>, vector<1x16xf32>,
        %get3A_554 = vector.shape_cast %get3A_553 : vector<1x16xf32> to vector<16xf32>
        %gt3A_555 = arith.cmpf ogt, %get3A_554, %scan3A_507 : vector<16xf32>
        %select_n3A_556 = arith.select %gt3A_555, %get3A_554, %scan3A_507 : vector<16xi1>, vector<16xf32>
        %select_n3A_557 = arith.select %gt3A_555, %broadcast_in_dim3A_524, %scan3A_515 : vector<16xi1>, vector<16xi32>
        %get3A_558 = arith.constant 3 : i32
        %get3A_559 = arith.constant 0 : i32
        %get3A_560 = arith.constant 0 : i32
        %get3A_561 = tpu.memref_slice %arg4[%scan3A_453, %get3A_559, %get3A_560] : memref<6x8x1664xf32, #tpu.memory_space<vmem>> -> memref<1x8x1664xf32, #tpu.memory_space<vmem>>
        %get3A_562 = tpu.memref_squeeze %get3A_561 : memref<1x8x1664xf32, #tpu.memory_space<vmem>> -> memref<8x1664xf32, #tpu.memory_space<vmem>>
        %get3A_563 = arith.index_cast %get3A_558 : i32 to index
        %get3A_564 = arith.index_cast %mul3A_522 : i32 to index
        %get3A_565 = tpu.vector_load %get3A_562[%get3A_563, %get3A_564] {strides = array<i32>} : memref<8x1664xf32, #tpu.memory_space<vmem>>, vector<1x16xf32>,
        %get3A_566 = vector.shape_cast %get3A_565 : vector<1x16xf32> to vector<16xf32>
        %gt3A_567 = arith.cmpf ogt, %get3A_566, %scan3A_508 : vector<16xf32>
        %select_n3A_568 = arith.select %gt3A_567, %get3A_566, %scan3A_508 : vector<16xi1>, vector<16xf32>
        %select_n3A_569 = arith.select %gt3A_567, %broadcast_in_dim3A_524, %scan3A_516 : vector<16xi1>, vector<16xi32>
        %get3A_570 = arith.constant 4 : i32
        %get3A_571 = arith.constant 0 : i32
        %get3A_572 = arith.constant 0 : i32
        %get3A_573 = tpu.memref_slice %arg4[%scan3A_453, %get3A_571, %get3A_572] : memref<6x8x1664xf32, #tpu.memory_space<vmem>> -> memref<1x8x1664xf32, #tpu.memory_space<vmem>>
        %get3A_574 = tpu.memref_squeeze %get3A_573 : memref<1x8x1664xf32, #tpu.memory_space<vmem>> -> memref<8x1664xf32, #tpu.memory_space<vmem>>
        %get3A_575 = arith.index_cast %get3A_570 : i32 to index
        %get3A_576 = arith.index_cast %mul3A_522 : i32 to index
        %get3A_577 = tpu.vector_load %get3A_574[%get3A_575, %get3A_576] {strides = array<i32>} : memref<8x1664xf32, #tpu.memory_space<vmem>>, vector<1x16xf32>,
        %get3A_578 = vector.shape_cast %get3A_577 : vector<1x16xf32> to vector<16xf32>
        %gt3A_579 = arith.cmpf ogt, %get3A_578, %scan3A_509 : vector<16xf32>
        %select_n3A_580 = arith.select %gt3A_579, %get3A_578, %scan3A_509 : vector<16xi1>, vector<16xf32>
        %select_n3A_581 = arith.select %gt3A_579, %broadcast_in_dim3A_524, %scan3A_517 : vector<16xi1>, vector<16xi32>
        %get3A_582 = arith.constant 5 : i32
        %get3A_583 = arith.constant 0 : i32
        %get3A_584 = arith.constant 0 : i32
        %get3A_585 = tpu.memref_slice %arg4[%scan3A_453, %get3A_583, %get3A_584] : memref<6x8x1664xf32, #tpu.memory_space<vmem>> -> memref<1x8x1664xf32, #tpu.memory_space<vmem>>
        %get3A_586 = tpu.memref_squeeze %get3A_585 : memref<1x8x1664xf32, #tpu.memory_space<vmem>> -> memref<8x1664xf32, #tpu.memory_space<vmem>>
        %get3A_587 = arith.index_cast %get3A_582 : i32 to index
        %get3A_588 = arith.index_cast %mul3A_522 : i32 to index
        %get3A_589 = tpu.vector_load %get3A_586[%get3A_587, %get3A_588] {strides = array<i32>} : memref<8x1664xf32, #tpu.memory_space<vmem>>, vector<1x16xf32>,
        %get3A_590 = vector.shape_cast %get3A_589 : vector<1x16xf32> to vector<16xf32>
        %gt3A_591 = arith.cmpf ogt, %get3A_590, %scan3A_510 : vector<16xf32>
        %select_n3A_592 = arith.select %gt3A_591, %get3A_590, %scan3A_510 : vector<16xi1>, vector<16xf32>
        %select_n3A_593 = arith.select %gt3A_591, %broadcast_in_dim3A_524, %scan3A_518 : vector<16xi1>, vector<16xi32>
        %get3A_594 = arith.constant 6 : i32
        %get3A_595 = arith.constant 0 : i32
        %get3A_596 = arith.constant 0 : i32
        %get3A_597 = tpu.memref_slice %arg4[%scan3A_453, %get3A_595, %get3A_596] : memref<6x8x1664xf32, #tpu.memory_space<vmem>> -> memref<1x8x1664xf32, #tpu.memory_space<vmem>>
        %get3A_598 = tpu.memref_squeeze %get3A_597 : memref<1x8x1664xf32, #tpu.memory_space<vmem>> -> memref<8x1664xf32, #tpu.memory_space<vmem>>
        %get3A_599 = arith.index_cast %get3A_594 : i32 to index
        %get3A_600 = arith.index_cast %mul3A_522 : i32 to index
        %get3A_601 = tpu.vector_load %get3A_598[%get3A_599, %get3A_600] {strides = array<i32>} : memref<8x1664xf32, #tpu.memory_space<vmem>>, vector<1x16xf32>,
        %get3A_602 = vector.shape_cast %get3A_601 : vector<1x16xf32> to vector<16xf32>
        %gt3A_603 = arith.cmpf ogt, %get3A_602, %scan3A_511 : vector<16xf32>
        %select_n3A_604 = arith.select %gt3A_603, %get3A_602, %scan3A_511 : vector<16xi1>, vector<16xf32>
        %select_n3A_605 = arith.select %gt3A_603, %broadcast_in_dim3A_524, %scan3A_519 : vector<16xi1>, vector<16xi32>
        %get3A_606 = arith.constant 7 : i32
        %get3A_607 = arith.constant 0 : i32
        %get3A_608 = arith.constant 0 : i32
        %get3A_609 = tpu.memref_slice %arg4[%scan3A_453, %get3A_607, %get3A_608] : memref<6x8x1664xf32, #tpu.memory_space<vmem>> -> memref<1x8x1664xf32, #tpu.memory_space<vmem>>
        %get3A_610 = tpu.memref_squeeze %get3A_609 : memref<1x8x1664xf32, #tpu.memory_space<vmem>> -> memref<8x1664xf32, #tpu.memory_space<vmem>>
        %get3A_611 = arith.index_cast %get3A_606 : i32 to index
        %get3A_612 = arith.index_cast %mul3A_522 : i32 to index
        %get3A_613 = tpu.vector_load %get3A_610[%get3A_611, %get3A_612] {strides = array<i32>} : memref<8x1664xf32, #tpu.memory_space<vmem>>, vector<1x16xf32>,
        %get3A_614 = vector.shape_cast %get3A_613 : vector<1x16xf32> to vector<16xf32>
        %gt3A_615 = arith.cmpf ogt, %get3A_614, %scan3A_512 : vector<16xf32>
        %select_n3A_616 = arith.select %gt3A_615, %get3A_614, %scan3A_512 : vector<16xi1>, vector<16xf32>
        %select_n3A_617 = arith.select %gt3A_615, %broadcast_in_dim3A_524, %scan3A_520 : vector<16xi1>, vector<16xi32>
        scf.yield %select_n3A, %select_n3A_544, %select_n3A_556, %select_n3A_568, %select_n3A_580, %select_n3A_592, %select_n3A_604, %select_n3A_616, %select_n3A_533, %select_n3A_545, %select_n3A_557, %select_n3A_569, %select_n3A_581, %select_n3A_593, %select_n3A_605, %select_n3A_617 : vector<16xf32>, vector<16xf32>, vector<16xf32>, vector<16xf32>, vector<16xf32>, vector<16xf32>, vector<16xf32>, vector<16xf32>, vector<16xi32>, vector<16xi32>, vector<16xi32>, vector<16xi32>, vector<16xi32>, vector<16xi32>, vector<16xi32>, vector<16xi32>
      }
      %scan3A_459 = arith.constant 104 : i32
      %add3A_460 = arith.constant 6 : i32
      %add3A_461 = arith.addi %add3A_433, %add3A_460 : i32
      %lt3A_462 = arith.constant 60 : i32
      %lt3A_463 = arith.cmpi slt, %add3A_461, %lt3A_462 : i32
      %convert_element_type3A_464 = arith.extui %lt3A_463 : i1 to i32
      %cond3A_465 = arith.constant 0 : i32
      %cond3A_466 = arith.cmpi ne, %convert_element_type3A_464, %cond3A_465 : i32
      scf.if %cond3A_466 {
        %add3A_504 = arith.constant 6 : i32
        %add3A_505 = arith.addi %add3A_433, %add3A_504 : i32
        %mul3A_506 = arith.constant 1664 : i32
        %mul3A_507 = arith.muli %add3A_505, %mul3A_506 : i32
        %dma_start3A_508 = arith.constant 4 : i32
        %dma_start3A_509 = arith.constant 0 : i32
        %dma_start3A_510 = arith.constant 0 : i32
        %dma_start3A_511 = tpu.memref_slice %arg4[%dma_start3A_508, %dma_start3A_509, %dma_start3A_510] : memref<6x8x1664xf32, #tpu.memory_space<vmem>> -> memref<1x8x1664xf32, #tpu.memory_space<vmem>>
        %dma_start3A_512 = tpu.memref_squeeze %dma_start3A_511 : memref<1x8x1664xf32, #tpu.memory_space<vmem>> -> memref<8x1664xf32, #tpu.memory_space<vmem>>
        %dma_start3A_513 = arith.constant 0 : i32
        %dma_start3A_514 = tpu.memref_slice %arg2[%add3A, %dma_start3A_513, %mul3A_507] : memref<32x8x100000xf32, #tpu.memory_space<hbm>> -> memref<1x8x1664xf32, #tpu.memory_space<hbm>>
        %dma_start3A_515 = tpu.memref_squeeze %dma_start3A_514 : memref<1x8x1664xf32, #tpu.memory_space<hbm>> -> memref<8x1664xf32, #tpu.memory_space<hbm>>
        %dma_start3A_516 = arith.constant 0 : i32
        %dma_start3A_517 = arith.constant 0 : i32
        %dma_start3A_518 = tpu.memref_slice %arg4[%dma_start3A_508, %dma_start3A_516, %dma_start3A_517] : memref<6x8x1664xf32, #tpu.memory_space<vmem>> -> memref<1x8x1664xf32, #tpu.memory_space<vmem>>
        %dma_start3A_519 = tpu.memref_squeeze %dma_start3A_518 : memref<1x8x1664xf32, #tpu.memory_space<vmem>> -> memref<8x1664xf32, #tpu.memory_space<vmem>>
        %dma_start3A_520 = arith.constant 0 : i32
        %dma_start3A_521 = tpu.memref_slice %arg2[%add3A, %dma_start3A_520, %mul3A_507] : memref<32x8x100000xf32, #tpu.memory_space<hbm>> -> memref<1x8x1664xf32, #tpu.memory_space<hbm>>
        %dma_start3A_522 = tpu.memref_squeeze %dma_start3A_521 : memref<1x8x1664xf32, #tpu.memory_space<hbm>> -> memref<8x1664xf32, #tpu.memory_space<hbm>>
        tpu.enqueue_dma source(%dma_start3A_522 : memref<8x1664xf32, #tpu.memory_space<hbm>>) target(%dma_start3A_519 : memref<8x1664xf32, #tpu.memory_space<vmem>>) target_semaphore(%arg13 : memref<!tpu.dma_semaphore, #tpu.memory_space<semaphore_mem>>)
      } else {
      }
      %mul3A_467 = arith.constant 6 : i32
      %mul3A_468 = arith.muli %scan3A_268, %mul3A_467 : i32
      %add3A_469 = arith.constant 5 : i32
      %add3A_470 = arith.addi %mul3A_468, %add3A_469 : i32
      %mul3A_471 = arith.constant 1664 : i32
      %mul3A_472 = arith.muli %add3A_470, %mul3A_471 : i32
      %dma_wait3A_473 = arith.constant 5 : i32
      %dma_wait3A_474 = arith.constant 0 : i32
      %dma_wait3A_475 = arith.constant 0 : i32
      %dma_wait3A_476 = tpu.memref_slice %arg4[%dma_wait3A_473, %dma_wait3A_474, %dma_wait3A_475] : memref<6x8x1664xf32, #tpu.memory_space<vmem>> -> memref<1x8x1664xf32, #tpu.memory_space<vmem>>
      %dma_wait3A_477 = tpu.memref_squeeze %dma_wait3A_476 : memref<1x8x1664xf32, #tpu.memory_space<vmem>> -> memref<8x1664xf32, #tpu.memory_space<vmem>>
      %dma_wait3A_478 = arith.constant 0 : i32
      %dma_wait3A_479 = tpu.memref_slice %arg2[%add3A, %dma_wait3A_478, %mul3A_472] : memref<32x8x100000xf32, #tpu.memory_space<hbm>> -> memref<1x8x1664xf32, #tpu.memory_space<hbm>>
      %dma_wait3A_480 = tpu.memref_squeeze %dma_wait3A_479 : memref<1x8x1664xf32, #tpu.memory_space<hbm>> -> memref<8x1664xf32, #tpu.memory_space<hbm>>
      %dma_wait3A_481 = arith.constant 0 : i32
      %dma_wait3A_482 = arith.constant 0 : i32
      %dma_wait3A_483 = tpu.memref_slice %arg4[%dma_wait3A_473, %dma_wait3A_481, %dma_wait3A_482] : memref<6x8x1664xf32, #tpu.memory_space<vmem>> -> memref<1x8x1664xf32, #tpu.memory_space<vmem>>
      %dma_wait3A_484 = tpu.memref_squeeze %dma_wait3A_483 : memref<1x8x1664xf32, #tpu.memory_space<vmem>> -> memref<8x1664xf32, #tpu.memory_space<vmem>>
      %dma_wait3A_485 = arith.constant 0 : i32
      %dma_wait3A_486 = tpu.memref_slice %arg2[%add3A, %dma_wait3A_485, %mul3A_472] : memref<32x8x100000xf32, #tpu.memory_space<hbm>> -> memref<1x8x1664xf32, #tpu.memory_space<hbm>>
      %dma_wait3A_487 = tpu.memref_squeeze %dma_wait3A_486 : memref<1x8x1664xf32, #tpu.memory_space<hbm>> -> memref<8x1664xf32, #tpu.memory_space<hbm>>
      tpu.wait_dma2 semaphore(%arg14 : memref<!tpu.dma_semaphore, #tpu.memory_space<semaphore_mem>>) src(%dma_wait3A_487 : memref<8x1664xf32, #tpu.memory_space<hbm>>) dst(%dma_wait3A_484 : memref<8x1664xf32, #tpu.memory_space<vmem>>)
      %mul3A_488 = arith.constant 104 : i32
      %mul3A_489 = arith.muli %add3A_470, %mul3A_488 : i32
      %scan3A_490 = arith.constant 5 : i32
      %scan3A_491 = arith.constant 0 : i32
      %scan3A_492 = arith.constant 104 : i32
      %scan3A_493 = arith.addi %scan3A_491, %scan3A_492 : i32
      %scan3A_494 = arith.constant 1 : i32
      %scan3A_495:16 = scf.for %scan3A_504 = %scan3A_491 to %scan3A_493 step %scan3A_494 iter_args(%scan3A_505 = %scan3A_458#0, %scan3A_506 = %scan3A_458#1, %scan3A_507 = %scan3A_458#2, %scan3A_508 = %scan3A_458#3, %scan3A_509 = %scan3A_458#4, %scan3A_510 = %scan3A_458#5, %scan3A_511 = %scan3A_458#6, %scan3A_512 = %scan3A_458#7, %scan3A_513 = %scan3A_458#8, %scan3A_514 = %scan3A_458#9, %scan3A_515 = %scan3A_458#10, %scan3A_516 = %scan3A_458#11, %scan3A_517 = %scan3A_458#12, %scan3A_518 = %scan3A_458#13, %scan3A_519 = %scan3A_458#14, %scan3A_520 = %scan3A_458#15) -> (vector<16xf32>, vector<16xf32>, vector<16xf32>, vector<16xf32>, vector<16xf32>, vector<16xf32>, vector<16xf32>, vector<16xf32>, vector<16xi32>, vector<16xi32>, vector<16xi32>, vector<16xi32>, vector<16xi32>, vector<16xi32>, vector<16xi32>, vector<16xi32>)  : i32 {
        %mul3A_521 = arith.constant 16 : i32
        %mul3A_522 = arith.muli %scan3A_504, %mul3A_521 : i32
        %add3A_523 = arith.addi %mul3A_489, %scan3A_504 : i32
        %broadcast_in_dim3A_524 = vector.broadcast %add3A_523 : i32 to vector<16xi32>
        %get3A = arith.constant 0 : i32
        %get3A_525 = arith.constant 0 : i32
        %get3A_526 = arith.constant 0 : i32
        %get3A_527 = tpu.memref_slice %arg4[%scan3A_490, %get3A_525, %get3A_526] : memref<6x8x1664xf32, #tpu.memory_space<vmem>> -> memref<1x8x1664xf32, #tpu.memory_space<vmem>>
        %get3A_528 = tpu.memref_squeeze %get3A_527 : memref<1x8x1664xf32, #tpu.memory_space<vmem>> -> memref<8x1664xf32, #tpu.memory_space<vmem>>
        %get3A_529 = arith.index_cast %get3A : i32 to index
        %get3A_530 = arith.index_cast %mul3A_522 : i32 to index
        %get3A_531 = tpu.vector_load %get3A_528[%get3A_529, %get3A_530] {strides = array<i32>} : memref<8x1664xf32, #tpu.memory_space<vmem>>, vector<1x16xf32>,
        %get3A_532 = vector.shape_cast %get3A_531 : vector<1x16xf32> to vector<16xf32>
        %gt3A = arith.cmpf ogt, %get3A_532, %scan3A_505 : vector<16xf32>
        %select_n3A = arith.select %gt3A, %get3A_532, %scan3A_505 : vector<16xi1>, vector<16xf32>
        %select_n3A_533 = arith.select %gt3A, %broadcast_in_dim3A_524, %scan3A_513 : vector<16xi1>, vector<16xi32>
        %get3A_534 = arith.constant 1 : i32
        %get3A_535 = arith.constant 0 : i32
        %get3A_536 = arith.constant 0 : i32
        %get3A_537 = tpu.memref_slice %arg4[%scan3A_490, %get3A_535, %get3A_536] : memref<6x8x1664xf32, #tpu.memory_space<vmem>> -> memref<1x8x1664xf32, #tpu.memory_space<vmem>>
        %get3A_538 = tpu.memref_squeeze %get3A_537 : memref<1x8x1664xf32, #tpu.memory_space<vmem>> -> memref<8x1664xf32, #tpu.memory_space<vmem>>
        %get3A_539 = arith.index_cast %get3A_534 : i32 to index
        %get3A_540 = arith.index_cast %mul3A_522 : i32 to index
        %get3A_541 = tpu.vector_load %get3A_538[%get3A_539, %get3A_540] {strides = array<i32>} : memref<8x1664xf32, #tpu.memory_space<vmem>>, vector<1x16xf32>,
        %get3A_542 = vector.shape_cast %get3A_541 : vector<1x16xf32> to vector<16xf32>
        %gt3A_543 = arith.cmpf ogt, %get3A_542, %scan3A_506 : vector<16xf32>
        %select_n3A_544 = arith.select %gt3A_543, %get3A_542, %scan3A_506 : vector<16xi1>, vector<16xf32>
        %select_n3A_545 = arith.select %gt3A_543, %broadcast_in_dim3A_524, %scan3A_514 : vector<16xi1>, vector<16xi32>
        %get3A_546 = arith.constant 2 : i32
        %get3A_547 = arith.constant 0 : i32
        %get3A_548 = arith.constant 0 : i32
        %get3A_549 = tpu.memref_slice %arg4[%scan3A_490, %get3A_547, %get3A_548] : memref<6x8x1664xf32, #tpu.memory_space<vmem>> -> memref<1x8x1664xf32, #tpu.memory_space<vmem>>
        %get3A_550 = tpu.memref_squeeze %get3A_549 : memref<1x8x1664xf32, #tpu.memory_space<vmem>> -> memref<8x1664xf32, #tpu.memory_space<vmem>>
        %get3A_551 = arith.index_cast %get3A_546 : i32 to index
        %get3A_552 = arith.index_cast %mul3A_522 : i32 to index
        %get3A_553 = tpu.vector_load %get3A_550[%get3A_551, %get3A_552] {strides = array<i32>} : memref<8x1664xf32, #tpu.memory_space<vmem>>, vector<1x16xf32>,
        %get3A_554 = vector.shape_cast %get3A_553 : vector<1x16xf32> to vector<16xf32>
        %gt3A_555 = arith.cmpf ogt, %get3A_554, %scan3A_507 : vector<16xf32>
        %select_n3A_556 = arith.select %gt3A_555, %get3A_554, %scan3A_507 : vector<16xi1>, vector<16xf32>
        %select_n3A_557 = arith.select %gt3A_555, %broadcast_in_dim3A_524, %scan3A_515 : vector<16xi1>, vector<16xi32>
        %get3A_558 = arith.constant 3 : i32
        %get3A_559 = arith.constant 0 : i32
        %get3A_560 = arith.constant 0 : i32
        %get3A_561 = tpu.memref_slice %arg4[%scan3A_490, %get3A_559, %get3A_560] : memref<6x8x1664xf32, #tpu.memory_space<vmem>> -> memref<1x8x1664xf32, #tpu.memory_space<vmem>>
        %get3A_562 = tpu.memref_squeeze %get3A_561 : memref<1x8x1664xf32, #tpu.memory_space<vmem>> -> memref<8x1664xf32, #tpu.memory_space<vmem>>
        %get3A_563 = arith.index_cast %get3A_558 : i32 to index
        %get3A_564 = arith.index_cast %mul3A_522 : i32 to index
        %get3A_565 = tpu.vector_load %get3A_562[%get3A_563, %get3A_564] {strides = array<i32>} : memref<8x1664xf32, #tpu.memory_space<vmem>>, vector<1x16xf32>,
        %get3A_566 = vector.shape_cast %get3A_565 : vector<1x16xf32> to vector<16xf32>
        %gt3A_567 = arith.cmpf ogt, %get3A_566, %scan3A_508 : vector<16xf32>
        %select_n3A_568 = arith.select %gt3A_567, %get3A_566, %scan3A_508 : vector<16xi1>, vector<16xf32>
        %select_n3A_569 = arith.select %gt3A_567, %broadcast_in_dim3A_524, %scan3A_516 : vector<16xi1>, vector<16xi32>
        %get3A_570 = arith.constant 4 : i32
        %get3A_571 = arith.constant 0 : i32
        %get3A_572 = arith.constant 0 : i32
        %get3A_573 = tpu.memref_slice %arg4[%scan3A_490, %get3A_571, %get3A_572] : memref<6x8x1664xf32, #tpu.memory_space<vmem>> -> memref<1x8x1664xf32, #tpu.memory_space<vmem>>
        %get3A_574 = tpu.memref_squeeze %get3A_573 : memref<1x8x1664xf32, #tpu.memory_space<vmem>> -> memref<8x1664xf32, #tpu.memory_space<vmem>>
        %get3A_575 = arith.index_cast %get3A_570 : i32 to index
        %get3A_576 = arith.index_cast %mul3A_522 : i32 to index
        %get3A_577 = tpu.vector_load %get3A_574[%get3A_575, %get3A_576] {strides = array<i32>} : memref<8x1664xf32, #tpu.memory_space<vmem>>, vector<1x16xf32>,
        %get3A_578 = vector.shape_cast %get3A_577 : vector<1x16xf32> to vector<16xf32>
        %gt3A_579 = arith.cmpf ogt, %get3A_578, %scan3A_509 : vector<16xf32>
        %select_n3A_580 = arith.select %gt3A_579, %get3A_578, %scan3A_509 : vector<16xi1>, vector<16xf32>
        %select_n3A_581 = arith.select %gt3A_579, %broadcast_in_dim3A_524, %scan3A_517 : vector<16xi1>, vector<16xi32>
        %get3A_582 = arith.constant 5 : i32
        %get3A_583 = arith.constant 0 : i32
        %get3A_584 = arith.constant 0 : i32
        %get3A_585 = tpu.memref_slice %arg4[%scan3A_490, %get3A_583, %get3A_584] : memref<6x8x1664xf32, #tpu.memory_space<vmem>> -> memref<1x8x1664xf32, #tpu.memory_space<vmem>>
        %get3A_586 = tpu.memref_squeeze %get3A_585 : memref<1x8x1664xf32, #tpu.memory_space<vmem>> -> memref<8x1664xf32, #tpu.memory_space<vmem>>
        %get3A_587 = arith.index_cast %get3A_582 : i32 to index
        %get3A_588 = arith.index_cast %mul3A_522 : i32 to index
        %get3A_589 = tpu.vector_load %get3A_586[%get3A_587, %get3A_588] {strides = array<i32>} : memref<8x1664xf32, #tpu.memory_space<vmem>>, vector<1x16xf32>,
        %get3A_590 = vector.shape_cast %get3A_589 : vector<1x16xf32> to vector<16xf32>
        %gt3A_591 = arith.cmpf ogt, %get3A_590, %scan3A_510 : vector<16xf32>
        %select_n3A_592 = arith.select %gt3A_591, %get3A_590, %scan3A_510 : vector<16xi1>, vector<16xf32>
        %select_n3A_593 = arith.select %gt3A_591, %broadcast_in_dim3A_524, %scan3A_518 : vector<16xi1>, vector<16xi32>
        %get3A_594 = arith.constant 6 : i32
        %get3A_595 = arith.constant 0 : i32
        %get3A_596 = arith.constant 0 : i32
        %get3A_597 = tpu.memref_slice %arg4[%scan3A_490, %get3A_595, %get3A_596] : memref<6x8x1664xf32, #tpu.memory_space<vmem>> -> memref<1x8x1664xf32, #tpu.memory_space<vmem>>
        %get3A_598 = tpu.memref_squeeze %get3A_597 : memref<1x8x1664xf32, #tpu.memory_space<vmem>> -> memref<8x1664xf32, #tpu.memory_space<vmem>>
        %get3A_599 = arith.index_cast %get3A_594 : i32 to index
        %get3A_600 = arith.index_cast %mul3A_522 : i32 to index
        %get3A_601 = tpu.vector_load %get3A_598[%get3A_599, %get3A_600] {strides = array<i32>} : memref<8x1664xf32, #tpu.memory_space<vmem>>, vector<1x16xf32>,
        %get3A_602 = vector.shape_cast %get3A_601 : vector<1x16xf32> to vector<16xf32>
        %gt3A_603 = arith.cmpf ogt, %get3A_602, %scan3A_511 : vector<16xf32>
        %select_n3A_604 = arith.select %gt3A_603, %get3A_602, %scan3A_511 : vector<16xi1>, vector<16xf32>
        %select_n3A_605 = arith.select %gt3A_603, %broadcast_in_dim3A_524, %scan3A_519 : vector<16xi1>, vector<16xi32>
        %get3A_606 = arith.constant 7 : i32
        %get3A_607 = arith.constant 0 : i32
        %get3A_608 = arith.constant 0 : i32
        %get3A_609 = tpu.memref_slice %arg4[%scan3A_490, %get3A_607, %get3A_608] : memref<6x8x1664xf32, #tpu.memory_space<vmem>> -> memref<1x8x1664xf32, #tpu.memory_space<vmem>>
        %get3A_610 = tpu.memref_squeeze %get3A_609 : memref<1x8x1664xf32, #tpu.memory_space<vmem>> -> memref<8x1664xf32, #tpu.memory_space<vmem>>
        %get3A_611 = arith.index_cast %get3A_606 : i32 to index
        %get3A_612 = arith.index_cast %mul3A_522 : i32 to index
        %get3A_613 = tpu.vector_load %get3A_610[%get3A_611, %get3A_612] {strides = array<i32>} : memref<8x1664xf32, #tpu.memory_space<vmem>>, vector<1x16xf32>,
        %get3A_614 = vector.shape_cast %get3A_613 : vector<1x16xf32> to vector<16xf32>
        %gt3A_615 = arith.cmpf ogt, %get3A_614, %scan3A_512 : vector<16xf32>
        %select_n3A_616 = arith.select %gt3A_615, %get3A_614, %scan3A_512 : vector<16xi1>, vector<16xf32>
        %select_n3A_617 = arith.select %gt3A_615, %broadcast_in_dim3A_524, %scan3A_520 : vector<16xi1>, vector<16xi32>
        scf.yield %select_n3A, %select_n3A_544, %select_n3A_556, %select_n3A_568, %select_n3A_580, %select_n3A_592, %select_n3A_604, %select_n3A_616, %select_n3A_533, %select_n3A_545, %select_n3A_557, %select_n3A_569, %select_n3A_581, %select_n3A_593, %select_n3A_605, %select_n3A_617 : vector<16xf32>, vector<16xf32>, vector<16xf32>, vector<16xf32>, vector<16xf32>, vector<16xf32>, vector<16xf32>, vector<16xf32>, vector<16xi32>, vector<16xi32>, vector<16xi32>, vector<16xi32>, vector<16xi32>, vector<16xi32>, vector<16xi32>, vector<16xi32>
      }
      %scan3A_496 = arith.constant 104 : i32
      %add3A_497 = arith.constant 6 : i32
      %add3A_498 = arith.addi %add3A_470, %add3A_497 : i32
      %lt3A_499 = arith.constant 60 : i32
      %lt3A_500 = arith.cmpi slt, %add3A_498, %lt3A_499 : i32
      %convert_element_type3A_501 = arith.extui %lt3A_500 : i1 to i32
      %cond3A_502 = arith.constant 0 : i32
      %cond3A_503 = arith.cmpi ne, %convert_element_type3A_501, %cond3A_502 : i32
      scf.if %cond3A_503 {
        %add3A_504 = arith.constant 6 : i32
        %add3A_505 = arith.addi %add3A_470, %add3A_504 : i32
        %mul3A_506 = arith.constant 1664 : i32
        %mul3A_507 = arith.muli %add3A_505, %mul3A_506 : i32
        %dma_start3A_508 = arith.constant 5 : i32
        %dma_start3A_509 = arith.constant 0 : i32
        %dma_start3A_510 = arith.constant 0 : i32
        %dma_start3A_511 = tpu.memref_slice %arg4[%dma_start3A_508, %dma_start3A_509, %dma_start3A_510] : memref<6x8x1664xf32, #tpu.memory_space<vmem>> -> memref<1x8x1664xf32, #tpu.memory_space<vmem>>
        %dma_start3A_512 = tpu.memref_squeeze %dma_start3A_511 : memref<1x8x1664xf32, #tpu.memory_space<vmem>> -> memref<8x1664xf32, #tpu.memory_space<vmem>>
        %dma_start3A_513 = arith.constant 0 : i32
        %dma_start3A_514 = tpu.memref_slice %arg2[%add3A, %dma_start3A_513, %mul3A_507] : memref<32x8x100000xf32, #tpu.memory_space<hbm>> -> memref<1x8x1664xf32, #tpu.memory_space<hbm>>
        %dma_start3A_515 = tpu.memref_squeeze %dma_start3A_514 : memref<1x8x1664xf32, #tpu.memory_space<hbm>> -> memref<8x1664xf32, #tpu.memory_space<hbm>>
        %dma_start3A_516 = arith.constant 0 : i32
        %dma_start3A_517 = arith.constant 0 : i32
        %dma_start3A_518 = tpu.memref_slice %arg4[%dma_start3A_508, %dma_start3A_516, %dma_start3A_517] : memref<6x8x1664xf32, #tpu.memory_space<vmem>> -> memref<1x8x1664xf32, #tpu.memory_space<vmem>>
        %dma_start3A_519 = tpu.memref_squeeze %dma_start3A_518 : memref<1x8x1664xf32, #tpu.memory_space<vmem>> -> memref<8x1664xf32, #tpu.memory_space<vmem>>
        %dma_start3A_520 = arith.constant 0 : i32
        %dma_start3A_521 = tpu.memref_slice %arg2[%add3A, %dma_start3A_520, %mul3A_507] : memref<32x8x100000xf32, #tpu.memory_space<hbm>> -> memref<1x8x1664xf32, #tpu.memory_space<hbm>>
        %dma_start3A_522 = tpu.memref_squeeze %dma_start3A_521 : memref<1x8x1664xf32, #tpu.memory_space<hbm>> -> memref<8x1664xf32, #tpu.memory_space<hbm>>
        tpu.enqueue_dma source(%dma_start3A_522 : memref<8x1664xf32, #tpu.memory_space<hbm>>) target(%dma_start3A_519 : memref<8x1664xf32, #tpu.memory_space<vmem>>) target_semaphore(%arg14 : memref<!tpu.dma_semaphore, #tpu.memory_space<semaphore_mem>>)
      } else {
      }
      scf.yield %scan3A_495#0, %scan3A_495#1, %scan3A_495#2, %scan3A_495#3, %scan3A_495#4, %scan3A_495#5, %scan3A_495#6, %scan3A_495#7, %scan3A_495#8, %scan3A_495#9, %scan3A_495#10, %scan3A_495#11, %scan3A_495#12, %scan3A_495#13, %scan3A_495#14, %scan3A_495#15 : vector<16xf32>, vector<16xf32>, vector<16xf32>, vector<16xf32>, vector<16xf32>, vector<16xf32>, vector<16xf32>, vector<16xf32>, vector<16xi32>, vector<16xi32>, vector<16xi32>, vector<16xi32>, vector<16xi32>, vector<16xi32>, vector<16xi32>, vector<16xi32>
    }
    %scan3A_145 = arith.constant 10 : i32
    %dma_wait3A = arith.constant 0 : i32
    %dma_wait3A_146 = arith.constant 99840 : i32
    %dma_wait3A_147 = tpu.memref_slice %arg2[%add3A, %dma_wait3A, %dma_wait3A_146] : memref<32x8x100000xf32, #tpu.memory_space<hbm>> -> memref<1x8x160xf32, #tpu.memory_space<hbm>>
    %dma_wait3A_148 = tpu.memref_squeeze %dma_wait3A_147 : memref<1x8x160xf32, #tpu.memory_space<hbm>> -> memref<8x160xf32, #tpu.memory_space<hbm>>
    %dma_wait3A_149 = arith.constant 0 : i32
    %dma_wait3A_150 = arith.constant 99840 : i32
    %dma_wait3A_151 = tpu.memref_slice %arg2[%add3A, %dma_wait3A_149, %dma_wait3A_150] : memref<32x8x100000xf32, #tpu.memory_space<hbm>> -> memref<1x8x160xf32, #tpu.memory_space<hbm>>
    %dma_wait3A_152 = tpu.memref_squeeze %dma_wait3A_151 : memref<1x8x160xf32, #tpu.memory_space<hbm>> -> memref<8x160xf32, #tpu.memory_space<hbm>>
    tpu.wait_dma2 semaphore(%arg15 : memref<!tpu.dma_semaphore, #tpu.memory_space<semaphore_mem>>) src(%dma_wait3A_152 : memref<8x160xf32, #tpu.memory_space<hbm>>) dst(%arg5 : memref<8x160xf32, #tpu.memory_space<vmem>>)
    %scan3A_153 = arith.constant 0 : i32
    %scan3A_154 = arith.constant 10 : i32
    %scan3A_155 = arith.addi %scan3A_153, %scan3A_154 : i32
    %scan3A_156 = arith.constant 1 : i32
    %scan3A_157:16 = scf.for %scan3A_268 = %scan3A_153 to %scan3A_155 step %scan3A_156 iter_args(%scan3A_269 = %scan3A_144#0, %scan3A_270 = %scan3A_144#1, %scan3A_271 = %scan3A_144#2, %scan3A_272 = %scan3A_144#3, %scan3A_273 = %scan3A_144#4, %scan3A_274 = %scan3A_144#5, %scan3A_275 = %scan3A_144#6, %scan3A_276 = %scan3A_144#7, %scan3A_277 = %scan3A_144#8, %scan3A_278 = %scan3A_144#9, %scan3A_279 = %scan3A_144#10, %scan3A_280 = %scan3A_144#11, %scan3A_281 = %scan3A_144#12, %scan3A_282 = %scan3A_144#13, %scan3A_283 = %scan3A_144#14, %scan3A_284 = %scan3A_144#15) -> (vector<16xf32>, vector<16xf32>, vector<16xf32>, vector<16xf32>, vector<16xf32>, vector<16xf32>, vector<16xf32>, vector<16xf32>, vector<16xi32>, vector<16xi32>, vector<16xi32>, vector<16xi32>, vector<16xi32>, vector<16xi32>, vector<16xi32>, vector<16xi32>)  : i32 {
      %mul3A_285 = arith.constant 16 : i32
      %mul3A_286 = arith.muli %scan3A_268, %mul3A_285 : i32
      %add3A_287 = arith.constant 6240 : i32
      %add3A_288 = arith.addi %add3A_287, %scan3A_268 : i32
      %broadcast_in_dim3A_289 = vector.broadcast %add3A_288 : i32 to vector<16xi32>
      %get3A = arith.constant 0 : i32
      %get3A_290 = arith.index_cast %get3A : i32 to index
      %get3A_291 = arith.index_cast %mul3A_286 : i32 to index
      %get3A_292 = tpu.vector_load %arg5[%get3A_290, %get3A_291] {strides = array<i32>} : memref<8x160xf32, #tpu.memory_space<vmem>>, vector<1x16xf32>,
      %get3A_293 = vector.shape_cast %get3A_292 : vector<1x16xf32> to vector<16xf32>
      %gt3A = arith.cmpf ogt, %get3A_293, %scan3A_269 : vector<16xf32>
      %select_n3A = arith.select %gt3A, %get3A_293, %scan3A_269 : vector<16xi1>, vector<16xf32>
      %select_n3A_294 = arith.select %gt3A, %broadcast_in_dim3A_289, %scan3A_277 : vector<16xi1>, vector<16xi32>
      %get3A_295 = arith.constant 1 : i32
      %get3A_296 = arith.index_cast %get3A_295 : i32 to index
      %get3A_297 = arith.index_cast %mul3A_286 : i32 to index
      %get3A_298 = tpu.vector_load %arg5[%get3A_296, %get3A_297] {strides = array<i32>} : memref<8x160xf32, #tpu.memory_space<vmem>>, vector<1x16xf32>,
      %get3A_299 = vector.shape_cast %get3A_298 : vector<1x16xf32> to vector<16xf32>
      %gt3A_300 = arith.cmpf ogt, %get3A_299, %scan3A_270 : vector<16xf32>
      %select_n3A_301 = arith.select %gt3A_300, %get3A_299, %scan3A_270 : vector<16xi1>, vector<16xf32>
      %select_n3A_302 = arith.select %gt3A_300, %broadcast_in_dim3A_289, %scan3A_278 : vector<16xi1>, vector<16xi32>
      %get3A_303 = arith.constant 2 : i32
      %get3A_304 = arith.index_cast %get3A_303 : i32 to index
      %get3A_305 = arith.index_cast %mul3A_286 : i32 to index
      %get3A_306 = tpu.vector_load %arg5[%get3A_304, %get3A_305] {strides = array<i32>} : memref<8x160xf32, #tpu.memory_space<vmem>>, vector<1x16xf32>,
      %get3A_307 = vector.shape_cast %get3A_306 : vector<1x16xf32> to vector<16xf32>
      %gt3A_308 = arith.cmpf ogt, %get3A_307, %scan3A_271 : vector<16xf32>
      %select_n3A_309 = arith.select %gt3A_308, %get3A_307, %scan3A_271 : vector<16xi1>, vector<16xf32>
      %select_n3A_310 = arith.select %gt3A_308, %broadcast_in_dim3A_289, %scan3A_279 : vector<16xi1>, vector<16xi32>
      %get3A_311 = arith.constant 3 : i32
      %get3A_312 = arith.index_cast %get3A_311 : i32 to index
      %get3A_313 = arith.index_cast %mul3A_286 : i32 to index
      %get3A_314 = tpu.vector_load %arg5[%get3A_312, %get3A_313] {strides = array<i32>} : memref<8x160xf32, #tpu.memory_space<vmem>>, vector<1x16xf32>,
      %get3A_315 = vector.shape_cast %get3A_314 : vector<1x16xf32> to vector<16xf32>
      %gt3A_316 = arith.cmpf ogt, %get3A_315, %scan3A_272 : vector<16xf32>
      %select_n3A_317 = arith.select %gt3A_316, %get3A_315, %scan3A_272 : vector<16xi1>, vector<16xf32>
      %select_n3A_318 = arith.select %gt3A_316, %broadcast_in_dim3A_289, %scan3A_280 : vector<16xi1>, vector<16xi32>
      %get3A_319 = arith.constant 4 : i32
      %get3A_320 = arith.index_cast %get3A_319 : i32 to index
      %get3A_321 = arith.index_cast %mul3A_286 : i32 to index
      %get3A_322 = tpu.vector_load %arg5[%get3A_320, %get3A_321] {strides = array<i32>} : memref<8x160xf32, #tpu.memory_space<vmem>>, vector<1x16xf32>,
      %get3A_323 = vector.shape_cast %get3A_322 : vector<1x16xf32> to vector<16xf32>
      %gt3A_324 = arith.cmpf ogt, %get3A_323, %scan3A_273 : vector<16xf32>
      %select_n3A_325 = arith.select %gt3A_324, %get3A_323, %scan3A_273 : vector<16xi1>, vector<16xf32>
      %select_n3A_326 = arith.select %gt3A_324, %broadcast_in_dim3A_289, %scan3A_281 : vector<16xi1>, vector<16xi32>
      %get3A_327 = arith.constant 5 : i32
      %get3A_328 = arith.index_cast %get3A_327 : i32 to index
      %get3A_329 = arith.index_cast %mul3A_286 : i32 to index
      %get3A_330 = tpu.vector_load %arg5[%get3A_328, %get3A_329] {strides = array<i32>} : memref<8x160xf32, #tpu.memory_space<vmem>>, vector<1x16xf32>,
      %get3A_331 = vector.shape_cast %get3A_330 : vector<1x16xf32> to vector<16xf32>
      %gt3A_332 = arith.cmpf ogt, %get3A_331, %scan3A_274 : vector<16xf32>
      %select_n3A_333 = arith.select %gt3A_332, %get3A_331, %scan3A_274 : vector<16xi1>, vector<16xf32>
      %select_n3A_334 = arith.select %gt3A_332, %broadcast_in_dim3A_289, %scan3A_282 : vector<16xi1>, vector<16xi32>
      %get3A_335 = arith.constant 6 : i32
      %get3A_336 = arith.index_cast %get3A_335 : i32 to index
      %get3A_337 = arith.index_cast %mul3A_286 : i32 to index
      %get3A_338 = tpu.vector_load %arg5[%get3A_336, %get3A_337] {strides = array<i32>} : memref<8x160xf32, #tpu.memory_space<vmem>>, vector<1x16xf32>,
      %get3A_339 = vector.shape_cast %get3A_338 : vector<1x16xf32> to vector<16xf32>
      %gt3A_340 = arith.cmpf ogt, %get3A_339, %scan3A_275 : vector<16xf32>
      %select_n3A_341 = arith.select %gt3A_340, %get3A_339, %scan3A_275 : vector<16xi1>, vector<16xf32>
      %select_n3A_342 = arith.select %gt3A_340, %broadcast_in_dim3A_289, %scan3A_283 : vector<16xi1>, vector<16xi32>
      %get3A_343 = arith.constant 7 : i32
      %get3A_344 = arith.index_cast %get3A_343 : i32 to index
      %get3A_345 = arith.index_cast %mul3A_286 : i32 to index
      %get3A_346 = tpu.vector_load %arg5[%get3A_344, %get3A_345] {strides = array<i32>} : memref<8x160xf32, #tpu.memory_space<vmem>>, vector<1x16xf32>,
      %get3A_347 = vector.shape_cast %get3A_346 : vector<1x16xf32> to vector<16xf32>
      %gt3A_348 = arith.cmpf ogt, %get3A_347, %scan3A_276 : vector<16xf32>
      %select_n3A_349 = arith.select %gt3A_348, %get3A_347, %scan3A_276 : vector<16xi1>, vector<16xf32>
      %select_n3A_350 = arith.select %gt3A_348, %broadcast_in_dim3A_289, %scan3A_284 : vector<16xi1>, vector<16xi32>
      scf.yield %select_n3A, %select_n3A_301, %select_n3A_309, %select_n3A_317, %select_n3A_325, %select_n3A_333, %select_n3A_341, %select_n3A_349, %select_n3A_294, %select_n3A_302, %select_n3A_310, %select_n3A_318, %select_n3A_326, %select_n3A_334, %select_n3A_342, %select_n3A_350 : vector<16xf32>, vector<16xf32>, vector<16xf32>, vector<16xf32>, vector<16xf32>, vector<16xf32>, vector<16xf32>, vector<16xf32>, vector<16xi32>, vector<16xi32>, vector<16xi32>, vector<16xi32>, vector<16xi32>, vector<16xi32>, vector<16xi32>, vector<16xi32>
    }
    %scan3A_158 = arith.constant 10 : i32
    %swap3A = arith.constant 0 : i32
    %swap3A_159 = arith.index_cast %swap3A : i32 to index
    %swap3A_160 = arith.constant 0 : index
    %swap3A_161 = tpu.vector_load %arg6[%swap3A_159, %swap3A_160] {strides = array<i32>} : memref<8x16xf32, #tpu.memory_space<vmem>>, vector<1x16xf32>,
    %swap3A_162 = vector.shape_cast %swap3A_161 : vector<1x16xf32> to vector<16xf32>
    %swap3A_163 = vector.shape_cast %scan3A_157#0 : vector<16xf32> to vector<1x16xf32>
    tpu.vector_store %arg6[%swap3A_159, %swap3A_160], %swap3A_163 {strides = array<i32>} : memref<8x16xf32, #tpu.memory_space<vmem>>, vector<1x16xf32>,
    %swap3A_164 = arith.constant 0 : i32
    %swap3A_165 = arith.index_cast %swap3A_164 : i32 to index
    %swap3A_166 = arith.constant 0 : index
    %swap3A_167 = tpu.vector_load %arg7[%swap3A_165, %swap3A_166] {strides = array<i32>} : memref<8x16xi32, #tpu.memory_space<vmem>>, vector<1x16xi32>,
    %swap3A_168 = vector.shape_cast %swap3A_167 : vector<1x16xi32> to vector<16xi32>
    %swap3A_169 = vector.shape_cast %scan3A_157#8 : vector<16xi32> to vector<1x16xi32>
    tpu.vector_store %arg7[%swap3A_165, %swap3A_166], %swap3A_169 {strides = array<i32>} : memref<8x16xi32, #tpu.memory_space<vmem>>, vector<1x16xi32>,
    %swap3A_170 = arith.constant 1 : i32
    %swap3A_171 = arith.index_cast %swap3A_170 : i32 to index
    %swap3A_172 = arith.constant 0 : index
    %swap3A_173 = tpu.vector_load %arg6[%swap3A_171, %swap3A_172] {strides = array<i32>} : memref<8x16xf32, #tpu.memory_space<vmem>>, vector<1x16xf32>,
    %swap3A_174 = vector.shape_cast %swap3A_173 : vector<1x16xf32> to vector<16xf32>
    %swap3A_175 = vector.shape_cast %scan3A_157#1 : vector<16xf32> to vector<1x16xf32>
    tpu.vector_store %arg6[%swap3A_171, %swap3A_172], %swap3A_175 {strides = array<i32>} : memref<8x16xf32, #tpu.memory_space<vmem>>, vector<1x16xf32>,
    %swap3A_176 = arith.constant 1 : i32
    %swap3A_177 = arith.index_cast %swap3A_176 : i32 to index
    %swap3A_178 = arith.constant 0 : index
    %swap3A_179 = tpu.vector_load %arg7[%swap3A_177, %swap3A_178] {strides = array<i32>} : memref<8x16xi32, #tpu.memory_space<vmem>>, vector<1x16xi32>,
    %swap3A_180 = vector.shape_cast %swap3A_179 : vector<1x16xi32> to vector<16xi32>
    %swap3A_181 = vector.shape_cast %scan3A_157#9 : vector<16xi32> to vector<1x16xi32>
    tpu.vector_store %arg7[%swap3A_177, %swap3A_178], %swap3A_181 {strides = array<i32>} : memref<8x16xi32, #tpu.memory_space<vmem>>, vector<1x16xi32>,
    %swap3A_182 = arith.constant 2 : i32
    %swap3A_183 = arith.index_cast %swap3A_182 : i32 to index
    %swap3A_184 = arith.constant 0 : index
    %swap3A_185 = tpu.vector_load %arg6[%swap3A_183, %swap3A_184] {strides = array<i32>} : memref<8x16xf32, #tpu.memory_space<vmem>>, vector<1x16xf32>,
    %swap3A_186 = vector.shape_cast %swap3A_185 : vector<1x16xf32> to vector<16xf32>
    %swap3A_187 = vector.shape_cast %scan3A_157#2 : vector<16xf32> to vector<1x16xf32>
    tpu.vector_store %arg6[%swap3A_183, %swap3A_184], %swap3A_187 {strides = array<i32>} : memref<8x16xf32, #tpu.memory_space<vmem>>, vector<1x16xf32>,
    %swap3A_188 = arith.constant 2 : i32
    %swap3A_189 = arith.index_cast %swap3A_188 : i32 to index
    %swap3A_190 = arith.constant 0 : index
    %swap3A_191 = tpu.vector_load %arg7[%swap3A_189, %swap3A_190] {strides = array<i32>} : memref<8x16xi32, #tpu.memory_space<vmem>>, vector<1x16xi32>,
    %swap3A_192 = vector.shape_cast %swap3A_191 : vector<1x16xi32> to vector<16xi32>
    %swap3A_193 = vector.shape_cast %scan3A_157#10 : vector<16xi32> to vector<1x16xi32>
    tpu.vector_store %arg7[%swap3A_189, %swap3A_190], %swap3A_193 {strides = array<i32>} : memref<8x16xi32, #tpu.memory_space<vmem>>, vector<1x16xi32>,
    %swap3A_194 = arith.constant 3 : i32
    %swap3A_195 = arith.index_cast %swap3A_194 : i32 to index
    %swap3A_196 = arith.constant 0 : index
    %swap3A_197 = tpu.vector_load %arg6[%swap3A_195, %swap3A_196] {strides = array<i32>} : memref<8x16xf32, #tpu.memory_space<vmem>>, vector<1x16xf32>,
    %swap3A_198 = vector.shape_cast %swap3A_197 : vector<1x16xf32> to vector<16xf32>
    %swap3A_199 = vector.shape_cast %scan3A_157#3 : vector<16xf32> to vector<1x16xf32>
    tpu.vector_store %arg6[%swap3A_195, %swap3A_196], %swap3A_199 {strides = array<i32>} : memref<8x16xf32, #tpu.memory_space<vmem>>, vector<1x16xf32>,
    %swap3A_200 = arith.constant 3 : i32
    %swap3A_201 = arith.index_cast %swap3A_200 : i32 to index
    %swap3A_202 = arith.constant 0 : index
    %swap3A_203 = tpu.vector_load %arg7[%swap3A_201, %swap3A_202] {strides = array<i32>} : memref<8x16xi32, #tpu.memory_space<vmem>>, vector<1x16xi32>,
    %swap3A_204 = vector.shape_cast %swap3A_203 : vector<1x16xi32> to vector<16xi32>
    %swap3A_205 = vector.shape_cast %scan3A_157#11 : vector<16xi32> to vector<1x16xi32>
    tpu.vector_store %arg7[%swap3A_201, %swap3A_202], %swap3A_205 {strides = array<i32>} : memref<8x16xi32, #tpu.memory_space<vmem>>, vector<1x16xi32>,
    %swap3A_206 = arith.constant 4 : i32
    %swap3A_207 = arith.index_cast %swap3A_206 : i32 to index
    %swap3A_208 = arith.constant 0 : index
    %swap3A_209 = tpu.vector_load %arg6[%swap3A_207, %swap3A_208] {strides = array<i32>} : memref<8x16xf32, #tpu.memory_space<vmem>>, vector<1x16xf32>,
    %swap3A_210 = vector.shape_cast %swap3A_209 : vector<1x16xf32> to vector<16xf32>
    %swap3A_211 = vector.shape_cast %scan3A_157#4 : vector<16xf32> to vector<1x16xf32>
    tpu.vector_store %arg6[%swap3A_207, %swap3A_208], %swap3A_211 {strides = array<i32>} : memref<8x16xf32, #tpu.memory_space<vmem>>, vector<1x16xf32>,
    %swap3A_212 = arith.constant 4 : i32
    %swap3A_213 = arith.index_cast %swap3A_212 : i32 to index
    %swap3A_214 = arith.constant 0 : index
    %swap3A_215 = tpu.vector_load %arg7[%swap3A_213, %swap3A_214] {strides = array<i32>} : memref<8x16xi32, #tpu.memory_space<vmem>>, vector<1x16xi32>,
    %swap3A_216 = vector.shape_cast %swap3A_215 : vector<1x16xi32> to vector<16xi32>
    %swap3A_217 = vector.shape_cast %scan3A_157#12 : vector<16xi32> to vector<1x16xi32>
    tpu.vector_store %arg7[%swap3A_213, %swap3A_214], %swap3A_217 {strides = array<i32>} : memref<8x16xi32, #tpu.memory_space<vmem>>, vector<1x16xi32>,
    %swap3A_218 = arith.constant 5 : i32
    %swap3A_219 = arith.index_cast %swap3A_218 : i32 to index
    %swap3A_220 = arith.constant 0 : index
    %swap3A_221 = tpu.vector_load %arg6[%swap3A_219, %swap3A_220] {strides = array<i32>} : memref<8x16xf32, #tpu.memory_space<vmem>>, vector<1x16xf32>,
    %swap3A_222 = vector.shape_cast %swap3A_221 : vector<1x16xf32> to vector<16xf32>
    %swap3A_223 = vector.shape_cast %scan3A_157#5 : vector<16xf32> to vector<1x16xf32>
    tpu.vector_store %arg6[%swap3A_219, %swap3A_220], %swap3A_223 {strides = array<i32>} : memref<8x16xf32, #tpu.memory_space<vmem>>, vector<1x16xf32>,
    %swap3A_224 = arith.constant 5 : i32
    %swap3A_225 = arith.index_cast %swap3A_224 : i32 to index
    %swap3A_226 = arith.constant 0 : index
    %swap3A_227 = tpu.vector_load %arg7[%swap3A_225, %swap3A_226] {strides = array<i32>} : memref<8x16xi32, #tpu.memory_space<vmem>>, vector<1x16xi32>,
    %swap3A_228 = vector.shape_cast %swap3A_227 : vector<1x16xi32> to vector<16xi32>
    %swap3A_229 = vector.shape_cast %scan3A_157#13 : vector<16xi32> to vector<1x16xi32>
    tpu.vector_store %arg7[%swap3A_225, %swap3A_226], %swap3A_229 {strides = array<i32>} : memref<8x16xi32, #tpu.memory_space<vmem>>, vector<1x16xi32>,
    %swap3A_230 = arith.constant 6 : i32
    %swap3A_231 = arith.index_cast %swap3A_230 : i32 to index
    %swap3A_232 = arith.constant 0 : index
    %swap3A_233 = tpu.vector_load %arg6[%swap3A_231, %swap3A_232] {strides = array<i32>} : memref<8x16xf32, #tpu.memory_space<vmem>>, vector<1x16xf32>,
    %swap3A_234 = vector.shape_cast %swap3A_233 : vector<1x16xf32> to vector<16xf32>
    %swap3A_235 = vector.shape_cast %scan3A_157#6 : vector<16xf32> to vector<1x16xf32>
    tpu.vector_store %arg6[%swap3A_231, %swap3A_232], %swap3A_235 {strides = array<i32>} : memref<8x16xf32, #tpu.memory_space<vmem>>, vector<1x16xf32>,
    %swap3A_236 = arith.constant 6 : i32
    %swap3A_237 = arith.index_cast %swap3A_236 : i32 to index
    %swap3A_238 = arith.constant 0 : index
    %swap3A_239 = tpu.vector_load %arg7[%swap3A_237, %swap3A_238] {strides = array<i32>} : memref<8x16xi32, #tpu.memory_space<vmem>>, vector<1x16xi32>,
    %swap3A_240 = vector.shape_cast %swap3A_239 : vector<1x16xi32> to vector<16xi32>
    %swap3A_241 = vector.shape_cast %scan3A_157#14 : vector<16xi32> to vector<1x16xi32>
    tpu.vector_store %arg7[%swap3A_237, %swap3A_238], %swap3A_241 {strides = array<i32>} : memref<8x16xi32, #tpu.memory_space<vmem>>, vector<1x16xi32>,
    %swap3A_242 = arith.constant 7 : i32
    %swap3A_243 = arith.index_cast %swap3A_242 : i32 to index
    %swap3A_244 = arith.constant 0 : index
    %swap3A_245 = tpu.vector_load %arg6[%swap3A_243, %swap3A_244] {strides = array<i32>} : memref<8x16xf32, #tpu.memory_space<vmem>>, vector<1x16xf32>,
    %swap3A_246 = vector.shape_cast %swap3A_245 : vector<1x16xf32> to vector<16xf32>
    %swap3A_247 = vector.shape_cast %scan3A_157#7 : vector<16xf32> to vector<1x16xf32>
    tpu.vector_store %arg6[%swap3A_243, %swap3A_244], %swap3A_247 {strides = array<i32>} : memref<8x16xf32, #tpu.memory_space<vmem>>, vector<1x16xf32>,
    %swap3A_248 = arith.constant 7 : i32
    %swap3A_249 = arith.index_cast %swap3A_248 : i32 to index
    %swap3A_250 = arith.constant 0 : index
    %swap3A_251 = tpu.vector_load %arg7[%swap3A_249, %swap3A_250] {strides = array<i32>} : memref<8x16xi32, #tpu.memory_space<vmem>>, vector<1x16xi32>,
    %swap3A_252 = vector.shape_cast %swap3A_251 : vector<1x16xi32> to vector<16xi32>
    %swap3A_253 = vector.shape_cast %scan3A_157#15 : vector<16xi32> to vector<1x16xi32>
    tpu.vector_store %arg7[%swap3A_249, %swap3A_250], %swap3A_253 {strides = array<i32>} : memref<8x16xi32, #tpu.memory_space<vmem>>, vector<1x16xi32>,
    %broadcast_in_dim3A_254 = arith.constant 0.000000e+00 : f32
    %broadcast_in_dim3A_255 = vector.broadcast %broadcast_in_dim3A_254 : f32 to vector<16xf32>
    %scan3A_256 = arith.constant 0 : i32
    %scan3A_257 = arith.constant 8 : i32
    %scan3A_258 = arith.addi %scan3A_256, %scan3A_257 : i32
    %scan3A_259 = arith.constant 1 : i32
    %scan3A_260 = scf.for %scan3A_268 = %scan3A_256 to %scan3A_258 step %scan3A_259 iter_args(%scan3A_269 = %broadcast_in_dim3A_255) -> (vector<16xf32>)  : i32 {
      %get3A = arith.index_cast %scan3A_268 : i32 to index
      %get3A_270 = arith.constant 0 : index
      %get3A_271 = tpu.vector_load %arg6[%get3A, %get3A_270] {strides = array<i32>} : memref<8x16xf32, #tpu.memory_space<vmem>>, vector<1x16xf32>,
      %get3A_272 = vector.shape_cast %get3A_271 : vector<1x16xf32> to vector<16xf32>
      %get3A_273 = arith.index_cast %scan3A_268 : i32 to index
      %get3A_274 = arith.constant 0 : index
      %get3A_275 = tpu.vector_load %arg7[%get3A_273, %get3A_274] {strides = array<i32>} : memref<8x16xi32, #tpu.memory_space<vmem>>, vector<1x16xi32>,
      %get3A_276 = vector.shape_cast %get3A_275 : vector<1x16xi32> to vector<16xi32>
      %shift_left3A = arith.constant 4 : i32
      %shift_left3A_277 = vector.broadcast %shift_left3A : i32 to vector<16xi32>
      %shift_left3A_278 = arith.shli %get3A_276, %shift_left3A_277 : vector<16xi32>
      %add3A_279 = arith.addi %shift_left3A_278, %iota3A : vector<16xi32>
      %xor3A = arith.constant 8 : i32
      %xor3A_280 = vector.broadcast %xor3A : i32 to vector<16xi32>
      %xor3A_281 = arith.xori %iota3A, %xor3A_280 : vector<16xi32>
      %lt3A = arith.constant 0 : i32
      %lt3A_282 = vector.broadcast %lt3A : i32 to vector<16xi32>
      %lt3A_283 = arith.cmpi slt, %xor3A_281, %lt3A_282 : vector<16xi32>
      %add3A_284 = arith.constant 16 : i32
      %add3A_285 = vector.broadcast %add3A_284 : i32 to vector<16xi32>
      %add3A_286 = arith.addi %xor3A_281, %add3A_285 : vector<16xi32>
      %select_n3A = arith.select %lt3A_283, %add3A_286, %xor3A_281 : vector<16xi1>, vector<16xi32>
      %broadcast_in_dim3A_287 = vector.shape_cast %select_n3A : vector<16xi32> to vector<16x1xi32>
      %gather3A = vector.shape_cast %broadcast_in_dim3A_287 : vector<16x1xi32> to vector<16xi32>
      %gather3A_288 = tpu.dynamic_gather %get3A_272[%gather3A] in [0] : vector<16xf32>, vector<16xi32> -> vector<16xf32>
      %lt3A_289 = arith.constant 0 : i32
      %lt3A_290 = vector.broadcast %lt3A_289 : i32 to vector<16xi32>
      %lt3A_291 = arith.cmpi slt, %xor3A_281, %lt3A_290 : vector<16xi32>
      %add3A_292 = arith.constant 16 : i32
      %add3A_293 = vector.broadcast %add3A_292 : i32 to vector<16xi32>
      %add3A_294 = arith.addi %xor3A_281, %add3A_293 : vector<16xi32>
      %select_n3A_295 = arith.select %lt3A_291, %add3A_294, %xor3A_281 : vector<16xi1>, vector<16xi32>
      %broadcast_in_dim3A_296 = vector.shape_cast %select_n3A_295 : vector<16xi32> to vector<16x1xi32>
      %gather3A_297 = vector.shape_cast %broadcast_in_dim3A_296 : vector<16x1xi32> to vector<16xi32>
      %gather3A_298 = tpu.dynamic_gather %add3A_279[%gather3A_297] in [0] : vector<16xi32>, vector<16xi32> -> vector<16xi32>
      %gt3A = arith.cmpf ogt, %gather3A_288, %get3A_272 : vector<16xf32>
      %eq3A = arith.cmpf oeq, %gather3A_288, %get3A_272 : vector<16xf32>
      %lt3A_299 = arith.cmpi slt, %gather3A_298, %add3A_279 : vector<16xi32>
      %and3A = arith.andi %eq3A, %lt3A_299 : vector<16xi1>
      %or3A = arith.ori %gt3A, %and3A : vector<16xi1>
      %select_n3A_300 = arith.select %or3A, %gather3A_288, %get3A_272 : vector<16xi1>, vector<16xf32>
      %select_n3A_301 = arith.select %or3A, %gather3A_298, %add3A_279 : vector<16xi1>, vector<16xi32>
      %xor3A_302 = arith.constant 4 : i32
      %xor3A_303 = vector.broadcast %xor3A_302 : i32 to vector<16xi32>
      %xor3A_304 = arith.xori %iota3A, %xor3A_303 : vector<16xi32>
      %lt3A_305 = arith.constant 0 : i32
      %lt3A_306 = vector.broadcast %lt3A_305 : i32 to vector<16xi32>
      %lt3A_307 = arith.cmpi slt, %xor3A_304, %lt3A_306 : vector<16xi32>
      %add3A_308 = arith.constant 16 : i32
      %add3A_309 = vector.broadcast %add3A_308 : i32 to vector<16xi32>
      %add3A_310 = arith.addi %xor3A_304, %add3A_309 : vector<16xi32>
      %select_n3A_311 = arith.select %lt3A_307, %add3A_310, %xor3A_304 : vector<16xi1>, vector<16xi32>
      %broadcast_in_dim3A_312 = vector.shape_cast %select_n3A_311 : vector<16xi32> to vector<16x1xi32>
      %gather3A_313 = vector.shape_cast %broadcast_in_dim3A_312 : vector<16x1xi32> to vector<16xi32>
      %gather3A_314 = tpu.dynamic_gather %select_n3A_300[%gather3A_313] in [0] : vector<16xf32>, vector<16xi32> -> vector<16xf32>
      %lt3A_315 = arith.constant 0 : i32
      %lt3A_316 = vector.broadcast %lt3A_315 : i32 to vector<16xi32>
      %lt3A_317 = arith.cmpi slt, %xor3A_304, %lt3A_316 : vector<16xi32>
      %add3A_318 = arith.constant 16 : i32
      %add3A_319 = vector.broadcast %add3A_318 : i32 to vector<16xi32>
      %add3A_320 = arith.addi %xor3A_304, %add3A_319 : vector<16xi32>
      %select_n3A_321 = arith.select %lt3A_317, %add3A_320, %xor3A_304 : vector<16xi1>, vector<16xi32>
      %broadcast_in_dim3A_322 = vector.shape_cast %select_n3A_321 : vector<16xi32> to vector<16x1xi32>
      %gather3A_323 = vector.shape_cast %broadcast_in_dim3A_322 : vector<16x1xi32> to vector<16xi32>
      %gather3A_324 = tpu.dynamic_gather %select_n3A_301[%gather3A_323] in [0] : vector<16xi32>, vector<16xi32> -> vector<16xi32>
      %gt3A_325 = arith.cmpf ogt, %gather3A_314, %select_n3A_300 : vector<16xf32>
      %eq3A_326 = arith.cmpf oeq, %gather3A_314, %select_n3A_300 : vector<16xf32>
      %lt3A_327 = arith.cmpi slt, %gather3A_324, %select_n3A_301 : vector<16xi32>
      %and3A_328 = arith.andi %eq3A_326, %lt3A_327 : vector<16xi1>
      %or3A_329 = arith.ori %gt3A_325, %and3A_328 : vector<16xi1>
      %select_n3A_330 = arith.select %or3A_329, %gather3A_314, %select_n3A_300 : vector<16xi1>, vector<16xf32>
      %select_n3A_331 = arith.select %or3A_329, %gather3A_324, %select_n3A_301 : vector<16xi1>, vector<16xi32>
      %xor3A_332 = arith.constant 2 : i32
      %xor3A_333 = vector.broadcast %xor3A_332 : i32 to vector<16xi32>
      %xor3A_334 = arith.xori %iota3A, %xor3A_333 : vector<16xi32>
      %lt3A_335 = arith.constant 0 : i32
      %lt3A_336 = vector.broadcast %lt3A_335 : i32 to vector<16xi32>
      %lt3A_337 = arith.cmpi slt, %xor3A_334, %lt3A_336 : vector<16xi32>
      %add3A_338 = arith.constant 16 : i32
      %add3A_339 = vector.broadcast %add3A_338 : i32 to vector<16xi32>
      %add3A_340 = arith.addi %xor3A_334, %add3A_339 : vector<16xi32>
      %select_n3A_341 = arith.select %lt3A_337, %add3A_340, %xor3A_334 : vector<16xi1>, vector<16xi32>
      %broadcast_in_dim3A_342 = vector.shape_cast %select_n3A_341 : vector<16xi32> to vector<16x1xi32>
      %gather3A_343 = vector.shape_cast %broadcast_in_dim3A_342 : vector<16x1xi32> to vector<16xi32>
      %gather3A_344 = tpu.dynamic_gather %select_n3A_330[%gather3A_343] in [0] : vector<16xf32>, vector<16xi32> -> vector<16xf32>
      %lt3A_345 = arith.constant 0 : i32
      %lt3A_346 = vector.broadcast %lt3A_345 : i32 to vector<16xi32>
      %lt3A_347 = arith.cmpi slt, %xor3A_334, %lt3A_346 : vector<16xi32>
      %add3A_348 = arith.constant 16 : i32
      %add3A_349 = vector.broadcast %add3A_348 : i32 to vector<16xi32>
      %add3A_350 = arith.addi %xor3A_334, %add3A_349 : vector<16xi32>
      %select_n3A_351 = arith.select %lt3A_347, %add3A_350, %xor3A_334 : vector<16xi1>, vector<16xi32>
      %broadcast_in_dim3A_352 = vector.shape_cast %select_n3A_351 : vector<16xi32> to vector<16x1xi32>
      %gather3A_353 = vector.shape_cast %broadcast_in_dim3A_352 : vector<16x1xi32> to vector<16xi32>
      %gather3A_354 = tpu.dynamic_gather %select_n3A_331[%gather3A_353] in [0] : vector<16xi32>, vector<16xi32> -> vector<16xi32>
      %gt3A_355 = arith.cmpf ogt, %gather3A_344, %select_n3A_330 : vector<16xf32>
      %eq3A_356 = arith.cmpf oeq, %gather3A_344, %select_n3A_330 : vector<16xf32>
      %lt3A_357 = arith.cmpi slt, %gather3A_354, %select_n3A_331 : vector<16xi32>
      %and3A_358 = arith.andi %eq3A_356, %lt3A_357 : vector<16xi1>
      %or3A_359 = arith.ori %gt3A_355, %and3A_358 : vector<16xi1>
      %select_n3A_360 = arith.select %or3A_359, %gather3A_344, %select_n3A_330 : vector<16xi1>, vector<16xf32>
      %select_n3A_361 = arith.select %or3A_359, %gather3A_354, %select_n3A_331 : vector<16xi1>, vector<16xi32>
      %xor3A_362 = arith.constant 1 : i32
      %xor3A_363 = vector.broadcast %xor3A_362 : i32 to vector<16xi32>
      %xor3A_364 = arith.xori %iota3A, %xor3A_363 : vector<16xi32>
      %lt3A_365 = arith.constant 0 : i32
      %lt3A_366 = vector.broadcast %lt3A_365 : i32 to vector<16xi32>
      %lt3A_367 = arith.cmpi slt, %xor3A_364, %lt3A_366 : vector<16xi32>
      %add3A_368 = arith.constant 16 : i32
      %add3A_369 = vector.broadcast %add3A_368 : i32 to vector<16xi32>
      %add3A_370 = arith.addi %xor3A_364, %add3A_369 : vector<16xi32>
      %select_n3A_371 = arith.select %lt3A_367, %add3A_370, %xor3A_364 : vector<16xi1>, vector<16xi32>
      %broadcast_in_dim3A_372 = vector.shape_cast %select_n3A_371 : vector<16xi32> to vector<16x1xi32>
      %gather3A_373 = vector.shape_cast %broadcast_in_dim3A_372 : vector<16x1xi32> to vector<16xi32>
      %gather3A_374 = tpu.dynamic_gather %select_n3A_360[%gather3A_373] in [0] : vector<16xf32>, vector<16xi32> -> vector<16xf32>
      %lt3A_375 = arith.constant 0 : i32
      %lt3A_376 = vector.broadcast %lt3A_375 : i32 to vector<16xi32>
      %lt3A_377 = arith.cmpi slt, %xor3A_364, %lt3A_376 : vector<16xi32>
      %add3A_378 = arith.constant 16 : i32
      %add3A_379 = vector.broadcast %add3A_378 : i32 to vector<16xi32>
      %add3A_380 = arith.addi %xor3A_364, %add3A_379 : vector<16xi32>
      %select_n3A_381 = arith.select %lt3A_377, %add3A_380, %xor3A_364 : vector<16xi1>, vector<16xi32>
      %broadcast_in_dim3A_382 = vector.shape_cast %select_n3A_381 : vector<16xi32> to vector<16x1xi32>
      %gather3A_383 = vector.shape_cast %broadcast_in_dim3A_382 : vector<16x1xi32> to vector<16xi32>
      %gather3A_384 = tpu.dynamic_gather %select_n3A_361[%gather3A_383] in [0] : vector<16xi32>, vector<16xi32> -> vector<16xi32>
      %gt3A_385 = arith.cmpf ogt, %gather3A_374, %select_n3A_360 : vector<16xf32>
      %eq3A_386 = arith.cmpf oeq, %gather3A_374, %select_n3A_360 : vector<16xf32>
      %lt3A_387 = arith.cmpi slt, %gather3A_384, %select_n3A_361 : vector<16xi32>
      %and3A_388 = arith.andi %eq3A_386, %lt3A_387 : vector<16xi1>
      %or3A_389 = arith.ori %gt3A_385, %and3A_388 : vector<16xi1>
      %select_n3A_390 = arith.select %or3A_389, %gather3A_374, %select_n3A_360 : vector<16xi1>, vector<16xf32>
      %select_n3A_391 = arith.select %or3A_389, %gather3A_384, %select_n3A_361 : vector<16xi1>, vector<16xi32>
      %convert_element_type3A = arith.sitofp %select_n3A_391 : vector<16xi32> to vector<16xf32>
      %div3A = arith.constant 1.000000e+05 : f32
      %div3A_392 = vector.broadcast %div3A : f32 to vector<16xf32>
      %div3A_393 = arith.divf %convert_element_type3A, %div3A_392 : vector<16xf32>
      %eq3A_394 = vector.broadcast %scan3A_268 : i32 to vector<16xi32>
      %eq3A_395 = arith.cmpi eq, %iota3A, %eq3A_394 : vector<16xi32>
      %select_n3A_396 = arith.select %eq3A_395, %div3A_393, %scan3A_269 : vector<16xi1>, vector<16xf32>
      scf.yield %select_n3A_396 : vector<16xf32>
    }
    %scan3A_261 = arith.constant 8 : i32
    %swap3A_262 = arith.constant 0 : index
    %swap3A_263 = tpu.vector_load %arg8[%swap3A_262] {strides = array<i32>} : memref<16xf32, #tpu.memory_space<vmem>>, vector<16xf32>,
    %swap3A_264 = vector.shape_cast %swap3A_263 : vector<16xf32> to vector<16xf32>
    %swap3A_265 = vector.shape_cast %scan3A_260 : vector<16xf32> to vector<16xf32>
    tpu.vector_store %arg8[%swap3A_262], %swap3A_265 {strides = array<i32>} : memref<16xf32, #tpu.memory_space<vmem>>, vector<16xf32>,
    %mul3A_266 = arith.constant 16 : i32
    %mul3A_267 = arith.muli %add3A, %mul3A_266 : i32
    %multiple_of3A = tpu.assume_multiple %mul3A_267, 8 : i32
    "tpu.region"() ({
      %run_scoped3A = tpu.sem_alloc : memref<!tpu.dma_semaphore, #tpu.memory_space<semaphore_mem>>
      %dma_start3A_268 = tpu.memref_slice %arg3[%multiple_of3A] : memref<512xf32, #tpu.memory_space<hbm>> -> memref<16xf32, #tpu.memory_space<hbm>>
      %dma_start3A_269 = tpu.memref_slice %arg3[%multiple_of3A] : memref<512xf32, #tpu.memory_space<hbm>> -> memref<16xf32, #tpu.memory_space<hbm>>
      tpu.enqueue_dma source(%arg8 : memref<16xf32, #tpu.memory_space<vmem>>) target(%dma_start3A_269 : memref<16xf32, #tpu.memory_space<hbm>>) target_semaphore(%run_scoped3A : memref<!tpu.dma_semaphore, #tpu.memory_space<semaphore_mem>>)
      %dma_wait3A_270 = tpu.memref_slice %arg3[%multiple_of3A] : memref<512xf32, #tpu.memory_space<hbm>> -> memref<16xf32, #tpu.memory_space<hbm>>
      %dma_wait3A_271 = tpu.memref_slice %arg3[%multiple_of3A] : memref<512xf32, #tpu.memory_space<hbm>> -> memref<16xf32, #tpu.memory_space<hbm>>
      tpu.wait_dma2 semaphore(%run_scoped3A : memref<!tpu.dma_semaphore, #tpu.memory_space<semaphore_mem>>) src(%arg8 : memref<16xf32, #tpu.memory_space<vmem>>) dst(%dma_wait3A_271 : memref<16xf32, #tpu.memory_space<hbm>>)
      tpu.yield
    }) : () -> ()
    return
  }
}

</mosaic_0001>

<sc_bundles>
// kernel: kernel.3.cloned.1.call-start
scs
__scs_entry_jumppad:
0x0: {  	(pc) =	sbr.rel $0x88, $3  }
0x1: {  	(tag) =	ssettag $0x0;
	lr =	simm.s32 $0x1  }
0x2: {  	[smem:$0x3FA0] =	sst lr;
	_ =	strace $0xD0000000  }
0x3: {  	_ = 	snop  }
0x4: {  	_ = 	snop  }
0x5: {  	_ = 	snop  }
0x6: {  	_ = 	snop  }
0x7: {  	_ = 	snop  }
__scs_overlays_trampoline_lowered:
0x8: {  	[smem:$0x3FAF] =	sst s0  }
0x9: {  	[smem:$0x3FB0] =	sst s1  }
0xa: {  	[smem:$0x3FB1] =	sst s2  }
0xb: {  	[smem:$0x3FB2] =	sst s3  }
0xc: {  	[smem:$0x3FB3] =	sst s4  }
0xd: {  	[smem:$0x3FB4] =	sst s5  }
0xe: {  	[smem:$0x3FB5] =	sst s6  }
0xf: {  	[smem:$0x3FB6] =	sst s7  }
0x10: {  	[smem:$0x3FB7] =	sst s8  }
0x11: {  	[smem:$0x3FB8] =	sst s9;
	s0 =	simm.s32 @!p0 $0x0  }
0x12: {  	s1 =	sld [smem:$0x3F9E];
	s0 =	simm.s32 @p0 $0x1  }
0x13: {  	[smem:$0x3FB9] =	sst s0;
	s0 =	simm.s32 @!p1 $0x0  }
0x14: {  	s2 =	sld [smem:$0x3F9D];
	s0 =	simm.s32 @p1 $0x1  }
0x15: {  	[smem:$0x3FBA] =	sst s0;
	s0 =	simm.s32 @!p2 $0x0  }
0x16: {  	s3 =	sld [smem:$0x3FDB];
	s0 =	simm.s32 @p2 $0x1  }
0x17: {  	s4 =	simm.s32 $0x1BF5;
	[smem:$0x3FBC] =	sst s0  }
0x18: {  	s0 =	sld [smem:$0x3F9F];
	_ =	swait.ge [sflag:s4], $0x0  }
0x19: {  	s7 =	sld [smem:$0x3FA0]  }
0x1a: {  	s8 =	sadd.s32 $0xFFFFE003, lr  }
0x1b: {  	s9 =	sadd.s32 $0xFFFFFEF7, lr;
	s5 =	simm.s32 $0xFFFFFFFF;
	p2 =	slt.u32 s8, $0xFFFFF086  }
0x1c: {  	p1 =	slt.u32 s9, $0xF7A;
	s5 =	simm.s32 @!p2 $0x0  }
0x1d: {  	s5 =	simm.s32 @p1 $0x1;
	p0 =	seq.s32 s7, s2  }
0x1e: {  	s7 =	smul.u32 @!p0 $0xF7A, s2;
	p2 =	seq.s32 @!p0 s5, $0x0  }
0x1f: {  	s9 =	smul.u32 $0xF7A, s1;
	s8 =	simm.s32 @!p0 $0x1BF5;
	p2 =	por !p2, p0  }
0x20: {  	[sflag:s8] =	ssyncset.s32 @!p0 $0xFFFFF086;
	s6 =	sadd.s32 @!p0 s3, s7;
	s7 =	simm.s32 @!p0 $0x108  }
0x21: {  	s3 =	sadd.s32 s3, s9;
	s6 =	sadd.s32 @!p0 $0x88, s6;
	s7 =	simm.s32 @p2 $0x1082  }
0x22: {  	[simem:s7], [sflag:s8] =	dma.local @!p0 [hbm:s6], $0xF7A  }
0x23: {  	s9 =	sor.u32 $0xD0000000, s2;
	s6 =	simm.s32 $0x108;
	_ =	swait.ge @!p0 [sflag:s8], $0x0  }
0x24: {  	s3 =	sadd.s32 $0x88, s3;
	s6 =	simm.s32 @!p1 $0x1082;
	[sflag:s4] =	ssyncset.s32 $0xFFFFF086  }
0x25: {  	[simem:s6], [sflag:s4] =	dma.local [hbm:s3], $0xF7A  }
0x26: {  	[smem:$0x3FA0] =	sst s1;
	(tag) =	ssettag s2;
	_ =	strace s9  }
0x27: {  	s1 =	sld [smem:$0x3FB0]  }
0x28: {  	s2 =	sld [smem:$0x3FB1]  }
0x29: {  	s4 =	sld [smem:$0x3FB3]  }
0x2a: {  	p0 =	seq.s32 s5, $0x0;
	s5 =	sld [smem:$0x3FB4]  }
0x2b: {  	s6 =	sld [smem:$0x3FB5]  }
0x2c: {  	s7 =	sld [smem:$0x3FB6]  }
0x2d: {  	s3 =	simm.s32 $0x108;
	s8 =	sld [smem:$0x3FB7]  }
0x2e: {  	s3 =	simm.s32 @!p0 $0x1082;
	s9 =	sld [smem:$0x3FB8]  }
0x2f: {  	lr =	sadd.s32 s0, s3;
	s0 =	sld [smem:$0x3FAF]  }
0x30: {  	s3 =	sld [smem:$0x3FB2]  }
0x31: {  	[smem:$0x3FBB] =	sst s10  }
0x32: {  	s10 =	sld [smem:$0x3FB9];
	_ =	sdelay $0x3  }
0x33: {  	p0 =	seq.s32 s10, $0x1;
	s10 =	sld [smem:$0x3FBB];
	_ =	sdelay $0x3  }
0x34: {  	[smem:$0x3FBB] =	sst s10  }
0x35: {  	s10 =	sld [smem:$0x3FBA];
	_ =	sdelay $0x3  }
0x36: {  	p1 =	seq.s32 s10, $0x1;
	s10 =	sld [smem:$0x3FBB];
	_ =	sdelay $0x3  }
0x37: {  	[smem:$0x3FBB] =	sst s10  }
0x38: {  	s10 =	sld [smem:$0x3FBC]  }
0x39: {  	_ = 	snop;
	(pc) =	sbr.ind lr, $3  }
0x3a: {  	_ = 	snop  }
0x3b: {  	_ = 	snop  }
0x3c: {  	p2 =	seq.s32 s10, $0x1;
	s10 =	sld [smem:$0x3FBB]  }
0x3d: {  	_ =	shalt  }
0x3e: {  	_ =	shalt  }
0x3f: {  	_ =	shalt  }
0x40: {  	_ =	shalt  }
0x41: {  	_ =	shalt  }
0x42: {  	_ =	shalt  }
0x43: {  	_ =	shalt  }
0x44: {  	_ =	shalt  }
0x45: {  	_ =	shalt  }
0x46: {  	_ =	shalt  }
0x47: {  	_ =	shalt  }
0x48: {  	_ =	shalt  }
0x49: {  	_ =	shalt  }
0x4a: {  	_ =	shalt  }
0x4b: {  	_ =	shalt  }
0x4c: {  	_ =	shalt  }
0x4d: {  	_ =	shalt  }
0x4e: {  	_ =	shalt  }
0x4f: {  	_ =	shalt  }
0x50: {  	_ =	shalt  }
0x51: {  	_ =	shalt  }
0x52: {  	_ =	shalt  }
0x53: {  	_ =	shalt  }
0x54: {  	_ =	shalt  }
0x55: {  	_ =	shalt  }
0x56: {  	_ =	shalt  }
0x57: {  	_ =	shalt  }
0x58: {  	_ =	shalt  }
0x59: {  	_ =	shalt  }
0x5a: {  	_ =	shalt  }
0x5b: {  	_ =	shalt  }
0x5c: {  	_ =	shalt  }
0x5d: {  	_ =	shalt  }
0x5e: {  	_ =	shalt  }
0x5f: {  	_ =	shalt  }
0x60: {  	_ =	shalt  }
0x61: {  	_ =	shalt  }
0x62: {  	_ =	shalt  }
0x63: {  	_ =	shalt  }
0x64: {  	_ =	shalt  }
0x65: {  	_ =	shalt  }
0x66: {  	_ =	shalt  }
0x67: {  	_ =	shalt  }
0x68: {  	_ =	shalt  }
0x69: {  	_ =	shalt  }
0x6a: {  	_ =	shalt  }
0x6b: {  	_ =	shalt  }
0x6c: {  	_ =	shalt  }
0x6d: {  	_ =	shalt  }
0x6e: {  	_ =	shalt  }
0x6f: {  	_ =	shalt  }
0x70: {  	_ =	shalt  }
0x71: {  	_ =	shalt  }
0x72: {  	_ =	shalt  }
0x73: {  	_ =	shalt  }
0x74: {  	_ =	shalt  }
0x75: {  	_ =	shalt  }
0x76: {  	_ =	shalt  }
0x77: {  	_ =	shalt  }
0x78: {  	_ =	shalt  }
0x79: {  	_ =	shalt  }
0x7a: {  	_ =	shalt  }
0x7b: {  	_ =	shalt  }
0x7c: {  	_ =	shalt  }
0x7d: {  	_ =	shalt  }
0x7e: {  	_ =	shalt  }
0x7f: {  	_ =	shalt  }
0x80: {  	_ =	shalt  }
0x81: {  	_ =	shalt  }
0x82: {  	_ =	shalt  }
0x83: {  	_ =	shalt  }
0x84: {  	_ =	shalt  }
0x85: {  	_ =	shalt  }
0x86: {  	_ =	shalt  }
0x87: {  	_ =	shalt  }
.Lfunc_end0:
.L_simem_size_0:
called_computation_lowered:
.L_overlay_start_0:
0x88: {  	s2 =	sld [smem:$0x3FD9]  }
0x89: {  	s3 =	sld [smem:$0x3FFE];
	_ =	sdelay $0x1  }
0x8a: {  	s1 =	srdreg.scid  }
0x8b: {  	s0 =	sand.u32 $0x1, s1  }
0x8c: {  	s18 =	sshll.u32 s0, $0xA;
	s2 =	sadd.s32 s3, s2  }
0x8d: {  	s2 =	sadd.s32 s2, s18  }
0x8e: {  	[smem:$0x3FC7] =	sst s2  }
0x8f: {  	_ = 	snop  }
0x90: {  	s2 =	sld [smem:$0x3FC9]  }
0x91: {  	s19 =	sld [smem:$0x3FD0];
	(tm) =	ssettm $0x1  }
0x92: {  	s4 =	sld [smem:$0x3FFB];
	_ =	sdelay $0x3  }
0x93: {  	_ =	strace s4  }
0x94: {  	s4 =	sld [smem:$0x3FFC];
	_ =	sdelay $0x3  }
0x95: {  	_ =	strace s4  }
0x96: {  	s4 =	sld [smem:$0x3FFD];
	_ =	sdelay $0x3  }
0x97: {  	_ =	strace s4  }
0x98: {  	_ =	strace $0x8FFFFFFF  }
0x99: {  	s20 =	sld [smem:$0x3FDB];
	_ =	sdelay $0x1  }
0x9a: {  	s5 =	simm.s32 $_scs_section_size  }
0x9b: {  	s6 =	simm.s32 $_size__tile_overlayer_lowered;
	s7 =	simm.s32 $_tile_overlayer_lowered  }
0x9c: {  	s23 =	simm.s32 $0x1BFF;
	s22 =	sshll.u32 s7, $0x1;
	s4 =	sadd.s32 s5, s20  }
0x9d: {  	s8 =	simm.s32 $0x0;
	s21 =	sshll.u32 s6, $0x1;
	s6 =	sadd.s32 s22, s4  }
0x9e: {  	[timem:s8], [sflag:s23] =	dma.local [hbm:s6], s21  }
0x9f: {  	_ =	swait.ge [sflag:s23], s21  }
0xa0: {  	s5 =	ssub.s32 $0x0, s21;
	[sflag:s23] =	ssyncset.done $0x0  }
0xa1: {  	[sflag:s23] =	ssyncadd.s32 s5;
	_ =	sdelay $0x1  }
0xa2: {  	s24 =	simm.s32 $0x1B8B  }
0xa3: {  	_ =	swait.ge [sflag:s24], $0x1  }
0xa4: {  	[sflag:s24] =	ssyncset.done $0x0  }
0xa5: {  	s25 =	simm.s32 $0x1B8E;
	[sflag:s24] =	ssyncadd.s32 $0xFFFFFFFF  }
0xa6: {  	s26 =	simm.s32 $execute0_lowered;
	[smem:$0x3FD2] =	sst s25  }
0xa7: {  	s5 =	sshll.u32 s26, $0x1;
	_ =	strace $0x80000046;
	[dreg:$0x1] =	wrdreg $0xFFFFFFFF  }
0xa8: {  	s28 =	simm.s32 $_size_execute0_lowered;
	s4 =	sadd.s32 s4, s5;
	[dreg:$0x0] =	wrdreg $0x0  }
0xa9: {  	s5 =	sshll.u32 s28, $0x1;
	[dreg:$0x2] =	wrdreg s4  }
0xaa: {  	[dreg:$0x3] =	wrdreg s5  }
0xab: {  	[dreg:$0x4] =	wrdreg $0xC0  }
0xac: {  	_ =	task [dreg:s8], $0x5FFFF  }
0xad: {  	[dreg:$0x1] =	wrdreg $0xFFFFFFFF  }
0xae: {  	[dreg:$0x0] =	wrdreg $0x60  }
0xaf: {  	[dreg:$0x2] =	wrdreg s2  }
0xb0: {  	[dreg:$0x3] =	wrdreg s19  }
0xb1: {  	[dreg:$0x4] =	wrdreg $0x9  }
0xb2: {  	_ =	task.clear_ibuf [dreg:s8], $0x5FFFF;
	_ =	strace $0x90000046  }
0xb3: {  	s29 =	simm.s32 $0x9;
	_ =	strace $0x80000048  }
0xb4: {  	_ =	swait.ge [sflag:s29], $0x1  }
0xb5: {  	[sflag:s29] =	ssyncadd.s32 $0xFFFFFFFF  }
0xb6: {  	_ =	strace $0x90000048  }
0xb7: {  	_ =	sfence  }
0xb8: {  	s30 =	sld [smem:$0x0];
	_ =	sdelay $0x2  }
0xb9: {  	s31 =	sshll.u32 s1, $0xD;
	s1 =	sshrl.u32 s1, $0x2  }
0xba: {  	s3 =	sand.u32 $0x4000, s31;
	s1 =	sadd.s32 s1, s30  }
0xbb: {  	s0 =	sor.u32 s3, s0;
	s1 =	sshll.u32 s1, $0x11  }
0xbc: {  	s0 =	sor.u32 s1, s0  }
0xbd: {  	s0 =	sadd.s32 $0x8F2B, s0  }
0xbe: {  	[sflag:s0] =	ssyncadd.remote.s32 $0x1  }
0xbf: {  	_ =	sfence.sel $0xFFFF  }
0xc0: {  	[dreg:$0x0] =	wrdreg $0xFFFFFFFF;
	(pc) =	sbr.abs _section_cstart, $3  }
0xc1: {  	[dreg:$0x1] =	wrdreg $0xFFFFFFFF  }
0xc2: {  	_ =	task.clear_ibuf [dreg:s8], $0x2FFFF;
	_ =	strace $0x9FFFFFFF  }
0xc3: {  	(tm) =	ssettm $0x7FFFFFFF  }
tec
execute0_lowered:
.L_overlay_start_1:
0x0: {  	(tag) =	ssettag $0x1  }
0x1: {  	s0 =	srdreg.scid  }
0x2: {  	s1 =	stileid.u32;
	s2 =	rddreg [dreg:$0x0]  }
0x3: {  	s5 =	rddreg [dreg:$0x1];
	s3 =	simm.s32 $0x0;
	s28 =	simm.s32 $0x3  }
0x4: {  	v0 =	vimm.s32 $0xFEDCBA98;
	v2 =	vimm.s32 $0x76543210;
	s29 =	simm.s32 $0x4;
	s30 =	simm.s32 $0x5;
	s31 =	simm.s32 $0x6  }
0x5: {  	v1 =	vimm.f32 $1.000000000e+05;
	v3 =	vimm.s32 $0x32107654;
	v4 =	vimm.s32 $0xDCFE98BA;
	s0 =	sand.u32 $0x1, s0;
	s1 =	sshll.u32 s1, $0x1;
	[smem:$0x7FF] =	sst s3  }
0x6: {  	v5 =	vimm.s32 $0x54761032;
	v6 =	vimm.s32 $0xEFCDAB89;
	s1 =	sor.u32 s0, s1;
	_ =	strace $0x80000047;
	s0 =	ssub.s32 $0x2, s0  }
0x7: {  	v7 =	vimm.s32 $0x67452301;
	v0 =	vunpack.c.l.s4.s8 v0;
	v3 =	vunpack.c.l.s4.s8 v3;
	s4 =	smul.u32 $0xC3800, s1;
	s26 =	sshrl.u32 s0, $0x1;
	s1 =	sshll.u32 s1, $0x1  }
0x8: {  	v4 =	vunpack.c.l.s4.s8 v4;
	v5 =	vunpack.c.l.s4.s8 v5;
	(erf) = vrcp.f32 v1;
	s0 =	ssub.s32 s0, s26;
	s1 =	sadd.s32 s5, s1;
	s26 =	simm.s32 $0x2  }
0x9: {  	v6 =	vunpack.c.l.s4.s8 v6;
	v1 =	vunpack.c.l.s4.s8 v2;
	v2 =	vimm.s32 $0xBA98FEDC;
	s6 =	sshrl.u32 s4, $0x3;
	[dreg:$0xa] =	wrdreg s1;
	s0 =	smax.u32 s0, $0x1  }
0xa: {  	v7 =	vunpack.c.l.s4.s8 v7;
	v0 =	vunpack.c.0.s8.s32 v0;
	v2 =	vunpack.c.l.s4.s8 v2;
	s11 =	sadd.s32 $0x13800, s4;
	s6 =	sadd.s32 s2, s6;
	[dreg:$0xb] =	wrdreg s0  }
0xb: {  	v3 =	vunpack.c.0.s8.s32 v3;
	v4 =	vunpack.c.0.s8.s32 v4;
	v5 =	vunpack.c.0.s8.s32 v5;
	s12 =	sadd.s32 $0x16C00, s4;
	s7 =	sadd.s32 $0x680, s6;
	[dreg:$0x3] =	wrdreg s6  }
0xc: {  	v6 =	vunpack.c.0.s8.s32 v6;
	v7 =	vunpack.c.0.s8.s32 v7;
	s13 =	sadd.s32 $0x1A000, s4;
	v2 =	vunpack.c.0.s8.s32 v2;
	s22 =	sadd.s32 $0xD00, s6;
	[dreg:$0x4] =	wrdreg s7  }
0xd: {  	s14 =	sadd.s32 $0x1D400, s4;
	v4 =	vcombine.low v5, v4;
	s23 =	sadd.s32 $0x1380, s6;
	[dreg:$0x5] =	wrdreg s22  }
0xe: {  	s15 =	sadd.s32 $0x20800, s4;
	v5 =	vcombine.low v7, v6;
	s24 =	sadd.s32 $0x1A00, s6;
	[dreg:$0x6] =	wrdreg s23;
	v3 =	vcombine.low v3, v2;
	v2 =	vand.u32 $0xF, v0  }
0xf: {  	s16 =	sadd.s32 $0x23C00, s4;
	v1 =	vunpack.c.0.s8.s32 v1;
	s25 =	sadd.s32 $0x2080, s6;
	[dreg:$0x7] =	wrdreg s24  }
0x10: {  	s4 =	simm.s32 $0x0;
	s6 =	sadd.s32 $0x18600, s6;
	v4 =	vand.u32 $0xF, v4;
	v5 =	vand.u32 $0xF, v5;
	[dreg:$0x8] =	wrdreg s25  }
0x11: {  	[dreg:$0x9] =	wrdreg s6;
	s23 =	simm.s32 $0x10400;
	s25 =	simm.s32 $0x1;
	v0 =	vlaneseq.u32;
	v1 =	vcombine.low v2, v1;
	v3 =	vand.u32 $0xF, v3;
	v2 =	vpop (erf)  }
.LBB2_1:
0x12: {  	[dreg:$0xc] =	wrdreg s4  }
0x13: {  	s0 =	rddreg [dreg:$0x3]  }
0x14: {  	s8 =	rddreg [dreg:$0x4]  }
0x15: {  	[tilespmem:s3], [sflag:$0x1] =	stream.linear.gather [hbm4b:s0+s3], $0x3400, $0x38;
	[tilespmem:$0x14880] =	vst v63  }
0x16: {  	s1 =	simm.s32 $0x3400;
	s9 =	rddreg [dreg:$0x5]  }
0x17: {  	[tilespmem:s1], [sflag:$0x2] =	stream.linear.gather [hbm4b:s8+s3], $0x3400, $0x38;
	[tilespmem:$0x14880] =	vst v63  }
0x18: {  	s10 =	simm.s32 $0x6800;
	s17 =	rddreg [dreg:$0x6]  }
0x19: {  	[tilespmem:s10], [sflag:$0x3] =	stream.linear.gather [hbm4b:s9+s3], $0x3400, $0x38;
	[tilespmem:$0x14880] =	vst v63  }
0x1a: {  	s18 =	simm.s32 $0x9C00;
	s19 =	rddreg [dreg:$0x7]  }
0x1b: {  	[tilespmem:s18], [sflag:$0x4] =	stream.linear.gather [hbm4b:s17+s3], $0x3400, $0x38;
	[tilespmem:$0x14880] =	vst v63  }
0x1c: {  	s20 =	simm.s32 $0xD000;
	s21 =	rddreg [dreg:$0x8]  }
0x1d: {  	v6 =	vimm.f32 $-Inf;
	[tilespmem:s20], [sflag:$0x5] =	stream.linear.gather [hbm4b:s19+s3], $0x3400, $0x38;
	[tilespmem:$0x14880] =	vst v63  }
0x1e: {  	v16 =	vimm.s32 $0x0;
	v7 =	vimm.s32 $0x0;
	v8 =	vimm.s32 $0x0;
	s22 =	rddreg [dreg:$0x9];
	s24 =	simm.s32 $0x13800;
	s5 =	simm.s32 $0x208  }
0x1f: {  	v10 =	vimm.s32 $0x0;
	v11 =	vimm.s32 $0x0;
	v12 =	vimm.s32 $0x0;
	[tilespmem:s23], [sflag:$0x6] =	stream.linear.gather [hbm4b:s21+s3], $0x3400, $0x38;
	[tilespmem:$0x14880] =	vst v63  }
0x20: {  	v15 =	vimm.s32 $0x0;
	v14 =	vimm.s32 $0x0;
	v9 =	vimm.f32 $-Inf;
	s7 =	simm.s32 $0x0;
	s0 =	simm.s32 $0x1A0;
	s9 =	simm.s32 $0x0  }
0x21: {  	v13 =	vimm.f32 $-Inf;
	v17 =	vimm.f32 $-Inf;
	v18 =	vimm.f32 $-Inf;
	[tilespmem:s24], [sflag:$0x7] =	stream.linear.gather [hbm4b:s22+s3], $0x800, $0x38;
	[tilespmem:$0x14880] =	vst v63  }
0x22: {  	v23 =	vimm.f32 $-Inf;
	v22 =	vimm.f32 $-Inf;
	v20 =	vimm.f32 $-Inf;
	s21 =	simm.s32 $0x68;
	s22 =	simm.s32 $0xD0;
	s24 =	simm.s32 $0x138  }
.LBB2_2:
0x23: {  	_ =	swait.ge [sflag:s25], $0x3400;
	s1 =	simm.s32 $0x0  }
0x24: {  	[sflag:s25] =	ssyncset.done $0x0;
	s4 =	sand.u32 $0x70, s1;
	s6 =	sand.u32 $0x3C00, s1  }
0x25: {  	[sflag:s25] =	ssyncadd.s32 $0xFFFFCC00;
	s4 =	sor.u32 s4, s6  }
0x26: {  	v21 =	vld [tilespmem:s4+$0x0]  }
0x27: {  	v24 =	vld [tilespmem:s4+$0x80]  }
0x28: {  	v29 =	vld [tilespmem:s4+$0x100]  }
0x29: {  	s1 =	sand.u32 $0x7, s1;
	v30 =	vld [tilespmem:s4+$0x180]  }
0x2a: {  	s1 =	sshll.u32 s1, $0x4;
	v31 =	vld [tilespmem:s4+$0x200]  }
0x2b: {  	s20 =	simm.s32 $0x10;
	s10 =	simm.s32 $0x80;
	s1 =	sadd.s32 $0x0, s1;
	v25 =	vld [tilespmem:s4+$0x280]  }
0x2c: {  	s8 =	sand.u32 $0x3C00, s10;
	s6 =	sand.u32 $0x70, s20;
	v27 =	vld [tilespmem:s4+$0x300];
	s1 =	sor.u32 $0x380, s1  }
0x2d: {  	s17 =	sor.u32 s6, s8;
	v28 =	vld [tilespmem:s1+$0x0]  }
0x2e: {  	v26 =	vld [tilespmem:s17+$0x0];
	vm1 =	vgt.f32 v21, v20;
	vm0 =	vgt.f32 v24, v22  }
0x2f: {  	v19 =	vld [tilespmem:s17+$0x80];
	vm3 =	vgt.f32 v29, v23;
	vm2 =	vgt.f32 v31, v17;
	v20 =	vsel vm1, v21, v20  }
0x30: {  	s8 =	simm.s32 $0x1;
	v21 =	vsel vm1, s9, v16;
	v16 =	vsel vm0, v24, v22;
	v24 =	vld [tilespmem:s17+$0x100];
	vm1 =	vgt.f32 v30, v18  }
0x31: {  	s18 =	simm.s32 $0x20;
	s6 =	smov.u32 s9;
	s4 =	sand.u32 $0x7, s8;
	v22 =	vld [tilespmem:s17+$0x180];
	v23 =	vsel vm3, v29, v23;
	v17 =	vsel vm2, v31, v17;
	v18 =	vsel vm1, v30, v18  }
.LBB2_3:
0x32: {  	p0 =	sne.s32 s18, $0x670;
	s1 =	sshll.u32 s4, $0x4;
	v29 =	vld [tilespmem:s17+$0x200];
	vm4 =	vgt.f32 v25, v6;
	vm5 =	vgt.f32 v27, v13;
	vm6 =	vgt.f32 v28, v9  }
0x33: {  	s1 =	sadd.s32 s1, s10;
	s10 =	sadd.s32 $0x80, s10;
	v6 =	vsel vm4, v25, v6;
	v25 =	vld [tilespmem:s17+$0x280];
	v13 =	vsel vm5, v27, v13;
	v9 =	vsel vm6, v28, v9;
	v30 =	vmovc v26  }
0x34: {  	s4 =	sand.u32 $0x70, s18;
	v14 =	vsel vm0, s6, v14;
	v15 =	vsel vm3, s6, v15;
	v7 =	vsel vm6, s6, v7;
	s19 =	sand.u32 $0x3C00, s10;
	v27 =	vld [tilespmem:s17+$0x300];
	s1 =	sor.u32 $0x380, s1  }
.Ltmp0:
0x35: {  	v12 =	vsel vm1, s6, v12;
	v11 =	vsel vm2, s6, v11;
	v10 =	vsel vm4, s6, v10;
	s17 =	sor.u32 s4, s19;
	v28 =	vld [tilespmem:s1+$0x0];
	v31 =	vmovc v24;
	(pc) =	sbr.rel @p0 .LBB2_3-.Ltmp0, $4  }
0x36: {  	v8 =	vsel vm5, s6, v8;
	s6 =	sadd.s32 $0x1, s6;
	vm1 =	vgt.f32 v30, v20;
	vm0 =	vgt.f32 v19, v16;
	v26 =	vld [tilespmem:s17+$0x0]  }
0x37: {  	v20 =	vsel vm1, v30, v20;
	v21 =	vsel vm1, s6, v21;
	v16 =	vsel vm0, v19, v16;
	v19 =	vld [tilespmem:s17+$0x80]  }
0x38: {  	s8 =	sadd.s32 $0x1, s8;
	vm3 =	vgt.f32 v31, v23;
	vm1 =	vgt.f32 v22, v18;
	vm2 =	vgt.f32 v29, v17;
	v24 =	vld [tilespmem:s17+$0x100]  }
0x39: {  	s18 =	sadd.s32 $0x10, s18;
	s4 =	sand.u32 $0x7, s8;
	v23 =	vsel vm3, v31, v23;
	v18 =	vsel vm1, v22, v18;
	v17 =	vsel vm2, v29, v17;
	v22 =	vld [tilespmem:s17+$0x180]  }
0x3a: {  	p0 =	seq.s32 s7, $0x9  }
0x3b: {  	s8 =	smul.u32 @!p0 $0x13800, s7  }
0x3c: {  	s1 =	sshll.u32 s4, $0x4  }
0x3d: {  	v29 =	vld [tilespmem:s17+$0x200];
	s1 =	sadd.s32 s1, s10;
	s4 =	sadd.s32 @!p0 s8, s11  }
0x3e: {  	v30 =	vld [tilespmem:s17+$0x280];
	s1 =	sor.u32 $0x380, s1;
	s4 =	sshrl.u32 @!p0 s4, $0x3  }
0x3f: {  	v32 =	vld [tilespmem:s1+$0x0];
	s1 =	sadd.s32 @!p0 s2, s4;
	s4 =	simm.s32 @!p0 $0x0  }
0x40: {  	v31 =	vld [tilespmem:s17+$0x300];
	vm4 =	vgt.f32 v25, v6;
	vm5 =	vgt.f32 v27, v13;
	vm6 =	vgt.f32 v28, v9;
	[tilespmem:s4], [sflag:$0x1] =	stream.linear.gather @!p0 [hbm4b:s1+s4], $0x3400, $0x38  }
0x41: {  	s20 =	simm.s32 $0x0;
	v14 =	vsel vm0, s6, v14;
	v15 =	vsel vm3, s6, v15;
	v33 =	vsel vm2, s6, v11;
	_ =	swait.ge [sflag:s26], $0x3400  }
0x42: {  	v6 =	vsel vm4, v25, v6;
	v13 =	vsel vm5, v27, v13;
	v9 =	vsel vm6, v28, v9;
	s17 =	sand.u32 $0x70, s20;
	s18 =	sand.u32 $0x3C00, s20;
	[sflag:s26] =	ssyncset.done $0x0  }
0x43: {  	v25 =	vsel vm6, s6, v7;
	v28 =	vsel vm1, s6, v12;
	v10 =	vsel vm4, s6, v10;
	s4 =	sor.u32 s17, s18;
	[sflag:s26] =	ssyncadd.s32 $0xFFFFCC00  }
0x44: {  	s19 =	sadd.s32 $0x1, s6;
	vm0 =	vgt.f32 v26, v20;
	v34 =	vsel vm5, s6, v8;
	vm1 =	vgt.f32 v19, v16;
	v35 =	vld [tilespmem:s4+$0x3400]  }
0x45: {  	v20 =	vsel vm0, v26, v20;
	v36 =	vsel vm0, s19, v21;
	v37 =	vsel vm1, v19, v16;
	v38 =	vld [tilespmem:s4+$0x3480]  }
0x46: {  	vm0 =	vgt.f32 v24, v23;
	v11 =	vsel vm1, s19, v14;
	vm2 =	vgt.f32 v22, v18;
	v39 =	vld [tilespmem:s4+$0x3500]  }
0x47: {  	v23 =	vsel vm0, v24, v23;
	v12 =	vsel vm0, s19, v15;
	vm3 =	vgt.f32 v29, v17;
	s1 =	sand.u32 $0x7, s20;
	v40 =	vld [tilespmem:s4+$0x3580]  }
0x48: {  	v24 =	vsel vm2, v22, v18;
	vm4 =	vgt.f32 v30, v6;
	vm5 =	vgt.f32 v31, v13;
	s1 =	sshll.u32 s1, $0x4;
	v41 =	vld [tilespmem:s4+$0x3600]  }
0x49: {  	s10 =	simm.s32 $0x80;
	v14 =	vsel vm2, s19, v28;
	v29 =	vsel vm3, v29, v17;
	v6 =	vsel vm4, v30, v6;
	s20 =	simm.s32 $0x10;
	s1 =	sadd.s32 $0x0, s1;
	v21 =	vld [tilespmem:s4+$0x3680]  }
0x4a: {  	v7 =	vsel vm5, v31, v13;
	s18 =	sand.u32 $0x3C00, s10;
	v15 =	vsel vm3, s19, v33;
	s17 =	sand.u32 $0x70, s20;
	vm15 =	vgt.f32 v32, v9;
	s1 =	sor.u32 $0x380, s1;
	v27 =	vld [tilespmem:s4+$0x3700]  }
0x4b: {  	v16 =	vsel vm4, s19, v10;
	v10 =	vsel vm5, s19, v34;
	s17 =	sor.u32 s17, s18;
	v8 =	vsel vm15, v32, v9;
	v28 =	vld [tilespmem:s1+$0x3400]  }
0x4c: {  	v13 =	vsel vm15, s19, v25;
	v26 =	vld [tilespmem:s17+$0x3400];
	vm1 =	vgt.f32 v35, v20;
	vm0 =	vgt.f32 v38, v37  }
0x4d: {  	v9 =	vld [tilespmem:s17+$0x3480];
	vm3 =	vgt.f32 v39, v23;
	vm2 =	vgt.f32 v41, v29;
	v17 =	vsel vm1, v35, v20  }
0x4e: {  	s18 =	simm.s32 $0x1;
	v25 =	vld [tilespmem:s17+$0x3500];
	v19 =	vsel vm1, s21, v36;
	v18 =	vsel vm0, v38, v37;
	vm1 =	vgt.f32 v40, v24  }
0x4f: {  	s6 =	smov.u32 s21;
	s1 =	sand.u32 $0x7, s18;
	s4 =	simm.s32 $0x20;
	v20 =	vld [tilespmem:s17+$0x3580];
	v22 =	vsel vm3, v39, v23;
	v23 =	vsel vm1, v40, v24;
	v24 =	vsel vm2, v41, v29  }
.LBB2_5:
0x50: {  	p1 =	sne.s32 s4, $0x670;
	s1 =	sshll.u32 s1, $0x4;
	v29 =	vld [tilespmem:s17+$0x3600];
	vm4 =	vgt.f32 v21, v6;
	vm5 =	vgt.f32 v27, v7;
	vm6 =	vgt.f32 v28, v8  }
0x51: {  	s1 =	sadd.s32 s1, s10;
	s10 =	sadd.s32 $0x80, s10;
	v6 =	vsel vm4, v21, v6;
	v21 =	vld [tilespmem:s17+$0x3680];
	v7 =	vsel vm5, v27, v7;
	v8 =	vsel vm6, v28, v8;
	v30 =	vmovc v26  }
0x52: {  	s19 =	sand.u32 $0x70, s4;
	v11 =	vsel vm0, s6, v11;
	v12 =	vsel vm3, s6, v12;
	v13 =	vsel vm6, s6, v13;
	s20 =	sand.u32 $0x3C00, s10;
	v27 =	vld [tilespmem:s17+$0x3700];
	s1 =	sor.u32 $0x380, s1  }
.Ltmp1:
0x53: {  	v14 =	vsel vm1, s6, v14;
	v15 =	vsel vm2, s6, v15;
	v16 =	vsel vm4, s6, v16;
	s17 =	sor.u32 s19, s20;
	v28 =	vld [tilespmem:s1+$0x3400];
	v31 =	vmovc v25;
	(pc) =	sbr.rel @p1 .LBB2_5-.Ltmp1, $4  }
0x54: {  	v10 =	vsel vm5, s6, v10;
	s6 =	sadd.s32 $0x1, s6;
	vm1 =	vgt.f32 v30, v17;
	vm0 =	vgt.f32 v9, v18;
	v26 =	vld [tilespmem:s17+$0x3400]  }
0x55: {  	v17 =	vsel vm1, v30, v17;
	v19 =	vsel vm1, s6, v19;
	v18 =	vsel vm0, v9, v18;
	v9 =	vld [tilespmem:s17+$0x3480]  }
0x56: {  	s18 =	sadd.s32 $0x1, s18;
	vm3 =	vgt.f32 v31, v22;
	vm1 =	vgt.f32 v20, v23;
	vm2 =	vgt.f32 v29, v24;
	v25 =	vld [tilespmem:s17+$0x3500]  }
0x57: {  	s4 =	sadd.s32 $0x10, s4;
	s1 =	sand.u32 $0x7, s18;
	v22 =	vsel vm3, v31, v22;
	v23 =	vsel vm1, v20, v23;
	v24 =	vsel vm2, v29, v24;
	v20 =	vld [tilespmem:s17+$0x3580]  }
0x58: {  	s1 =	sshll.u32 s1, $0x4  }
0x59: {  	v29 =	vld [tilespmem:s17+$0x3600];
	s4 =	sadd.s32 @!p0 s8, s12;
	s1 =	sadd.s32 s1, s10  }
0x5a: {  	v30 =	vld [tilespmem:s17+$0x3680];
	s4 =	sshrl.u32 @!p0 s4, $0x3;
	s1 =	sor.u32 $0x380, s1  }
0x5b: {  	s10 =	simm.s32 @!p0 $0x3400;
	v32 =	vld [tilespmem:s1+$0x3400];
	s1 =	sadd.s32 @!p0 s2, s4;
	s4 =	simm.s32 @!p0 $0x0  }
0x5c: {  	v31 =	vld [tilespmem:s17+$0x3700];
	vm4 =	vgt.f32 v21, v6;
	vm5 =	vgt.f32 v27, v7;
	vm6 =	vgt.f32 v28, v8;
	[tilespmem:s10], [sflag:$0x2] =	stream.linear.gather @!p0 [hbm4b:s1+s4], $0x3400, $0x38  }
0x5d: {  	s20 =	simm.s32 $0x0;
	v11 =	vsel vm0, s6, v11;
	v12 =	vsel vm3, s6, v12;
	v14 =	vsel vm1, s6, v14;
	_ =	swait.ge [sflag:s28], $0x3400  }
0x5e: {  	v15 =	vsel vm2, s6, v15;
	v6 =	vsel vm4, v21, v6;
	v7 =	vsel vm5, v27, v7;
	s17 =	sand.u32 $0x70, s20;
	s18 =	sand.u32 $0x3C00, s20;
	[sflag:s28] =	ssyncset.done $0x0  }
0x5f: {  	v8 =	vsel vm6, v28, v8;
	v13 =	vsel vm6, s6, v13;
	v16 =	vsel vm4, s6, v16;
	s4 =	sor.u32 s17, s18;
	[sflag:s28] =	ssyncadd.s32 $0xFFFFCC00  }
0x60: {  	s19 =	sadd.s32 $0x1, s6;
	vm0 =	vgt.f32 v26, v17;
	v10 =	vsel vm5, s6, v10;
	vm1 =	vgt.f32 v9, v18;
	v33 =	vld [tilespmem:s4+$0x6800]  }
0x61: {  	v17 =	vsel vm0, v26, v17;
	v19 =	vsel vm0, s19, v19;
	v18 =	vsel vm1, v9, v18;
	v34 =	vld [tilespmem:s4+$0x6880]  }
0x62: {  	vm0 =	vgt.f32 v25, v22;
	v11 =	vsel vm1, s19, v11;
	vm3 =	vgt.f32 v29, v24;
	v35 =	vld [tilespmem:s4+$0x6900]  }
0x63: {  	vm2 =	vgt.f32 v20, v23;
	v22 =	vsel vm0, v25, v22;
	s1 =	sand.u32 $0x7, s20;
	v24 =	vsel vm3, v29, v24;
	v29 =	vld [tilespmem:s4+$0x6980]  }
0x64: {  	v12 =	vsel vm0, s19, v12;
	v23 =	vsel vm2, v20, v23;
	vm4 =	vgt.f32 v30, v6;
	s1 =	sshll.u32 s1, $0x4;
	v36 =	vld [tilespmem:s4+$0x6A00]  }
0x65: {  	s20 =	simm.s32 $0x10;
	s10 =	simm.s32 $0x80;
	vm5 =	vgt.f32 v31, v7;
	v14 =	vsel vm2, s19, v14;
	v6 =	vsel vm4, v30, v6;
	s1 =	sadd.s32 $0x0, s1;
	v21 =	vld [tilespmem:s4+$0x6A80]  }
0x66: {  	s17 =	sand.u32 $0x70, s20;
	s18 =	sand.u32 $0x3C00, s10;
	v7 =	vsel vm5, v31, v7;
	v15 =	vsel vm3, s19, v15;
	s1 =	sor.u32 $0x380, s1;
	vm15 =	vgt.f32 v32, v8;
	v27 =	vld [tilespmem:s4+$0x6B00]  }
0x67: {  	v16 =	vsel vm4, s19, v16;
	s17 =	sor.u32 s17, s18;
	v10 =	vsel vm5, s19, v10;
	v28 =	vld [tilespmem:s1+$0x6800];
	v8 =	vsel vm15, v32, v8  }
0x68: {  	v26 =	vld [tilespmem:s17+$0x6800];
	v13 =	vsel vm15, s19, v13;
	vm1 =	vgt.f32 v33, v17;
	vm0 =	vgt.f32 v34, v18  }
0x69: {  	v9 =	vld [tilespmem:s17+$0x6880];
	vm3 =	vgt.f32 v35, v22;
	vm2 =	vgt.f32 v36, v24;
	v17 =	vsel vm1, v33, v17  }
0x6a: {  	s18 =	simm.s32 $0x1;
	v25 =	vld [tilespmem:s17+$0x6900];
	v19 =	vsel vm1, s22, v19;
	v18 =	vsel vm0, v34, v18;
	vm1 =	vgt.f32 v29, v23  }
0x6b: {  	s6 =	smov.u32 s22;
	s1 =	sand.u32 $0x7, s18;
	v20 =	vld [tilespmem:s17+$0x6980];
	s4 =	simm.s32 $0x20;
	v22 =	vsel vm3, v35, v22;
	v24 =	vsel vm2, v36, v24;
	v23 =	vsel vm1, v29, v23  }
.LBB2_7:
0x6c: {  	p1 =	sne.s32 s4, $0x670;
	s1 =	sshll.u32 s1, $0x4;
	v29 =	vld [tilespmem:s17+$0x6A00];
	vm4 =	vgt.f32 v21, v6;
	vm5 =	vgt.f32 v27, v7;
	vm6 =	vgt.f32 v28, v8  }
0x6d: {  	s1 =	sadd.s32 s1, s10;
	s10 =	sadd.s32 $0x80, s10;
	v6 =	vsel vm4, v21, v6;
	v21 =	vld [tilespmem:s17+$0x6A80];
	v7 =	vsel vm5, v27, v7;
	v8 =	vsel vm6, v28, v8;
	v30 =	vmovc v26  }
0x6e: {  	s19 =	sand.u32 $0x70, s4;
	v11 =	vsel vm0, s6, v11;
	v12 =	vsel vm3, s6, v12;
	v13 =	vsel vm6, s6, v13;
	s20 =	sand.u32 $0x3C00, s10;
	v27 =	vld [tilespmem:s17+$0x6B00];
	s1 =	sor.u32 $0x380, s1  }
.Ltmp2:
0x6f: {  	v14 =	vsel vm1, s6, v14;
	v15 =	vsel vm2, s6, v15;
	v16 =	vsel vm4, s6, v16;
	s17 =	sor.u32 s19, s20;
	v28 =	vld [tilespmem:s1+$0x6800];
	v31 =	vmovc v25;
	(pc) =	sbr.rel @p1 .LBB2_7-.Ltmp2, $4  }
0x70: {  	v10 =	vsel vm5, s6, v10;
	s6 =	sadd.s32 $0x1, s6;
	vm1 =	vgt.f32 v30, v17;
	vm0 =	vgt.f32 v9, v18;
	v26 =	vld [tilespmem:s17+$0x6800]  }
0x71: {  	v17 =	vsel vm1, v30, v17;
	v19 =	vsel vm1, s6, v19;
	v18 =	vsel vm0, v9, v18;
	v9 =	vld [tilespmem:s17+$0x6880]  }
0x72: {  	s18 =	sadd.s32 $0x1, s18;
	vm3 =	vgt.f32 v31, v22;
	vm1 =	vgt.f32 v20, v23;
	vm2 =	vgt.f32 v29, v24;
	v25 =	vld [tilespmem:s17+$0x6900]  }
0x73: {  	s4 =	sadd.s32 $0x10, s4;
	s1 =	sand.u32 $0x7, s18;
	v22 =	vsel vm3, v31, v22;
	v23 =	vsel vm1, v20, v23;
	v24 =	vsel vm2, v29, v24;
	v20 =	vld [tilespmem:s17+$0x6980]  }
0x74: {  	s1 =	sshll.u32 s1, $0x4  }
0x75: {  	v29 =	vld [tilespmem:s17+$0x6A00];
	s4 =	sadd.s32 @!p0 s8, s13;
	s1 =	sadd.s32 s1, s10  }
0x76: {  	v30 =	vld [tilespmem:s17+$0x6A80];
	s4 =	sshrl.u32 @!p0 s4, $0x3;
	s1 =	sor.u32 $0x380, s1  }
0x77: {  	s10 =	simm.s32 @!p0 $0x6800;
	v32 =	vld [tilespmem:s1+$0x6800];
	s1 =	sadd.s32 @!p0 s2, s4;
	s4 =	simm.s32 @!p0 $0x0  }
0x78: {  	v31 =	vld [tilespmem:s17+$0x6B00];
	vm4 =	vgt.f32 v21, v6;
	vm5 =	vgt.f32 v27, v7;
	vm6 =	vgt.f32 v28, v8;
	[tilespmem:s10], [sflag:$0x3] =	stream.linear.gather @!p0 [hbm4b:s1+s4], $0x3400, $0x38  }
0x79: {  	s20 =	simm.s32 $0x0;
	v11 =	vsel vm0, s6, v11;
	v12 =	vsel vm3, s6, v12;
	v14 =	vsel vm1, s6, v14;
	_ =	swait.ge [sflag:s29], $0x3400  }
0x7a: {  	v15 =	vsel vm2, s6, v15;
	v6 =	vsel vm4, v21, v6;
	v7 =	vsel vm5, v27, v7;
	s17 =	sand.u32 $0x70, s20;
	s18 =	sand.u32 $0x3C00, s20;
	[sflag:s29] =	ssyncset.done $0x0  }
0x7b: {  	v8 =	vsel vm6, v28, v8;
	v13 =	vsel vm6, s6, v13;
	v16 =	vsel vm4, s6, v16;
	s4 =	sor.u32 s17, s18;
	[sflag:s29] =	ssyncadd.s32 $0xFFFFCC00  }
0x7c: {  	s19 =	sadd.s32 $0x1, s6;
	vm0 =	vgt.f32 v26, v17;
	v10 =	vsel vm5, s6, v10;
	vm1 =	vgt.f32 v9, v18;
	v33 =	vld [tilespmem:s4+$0x9C00]  }
0x7d: {  	v17 =	vsel vm0, v26, v17;
	v19 =	vsel vm0, s19, v19;
	v18 =	vsel vm1, v9, v18;
	v34 =	vld [tilespmem:s4+$0x9C80]  }
0x7e: {  	vm0 =	vgt.f32 v25, v22;
	v11 =	vsel vm1, s19, v11;
	vm3 =	vgt.f32 v29, v24;
	v35 =	vld [tilespmem:s4+$0x9D00]  }
0x7f: {  	vm2 =	vgt.f32 v20, v23;
	v22 =	vsel vm0, v25, v22;
	s1 =	sand.u32 $0x7, s20;
	v24 =	vsel vm3, v29, v24;
	v29 =	vld [tilespmem:s4+$0x9D80]  }
0x80: {  	v12 =	vsel vm0, s19, v12;
	v23 =	vsel vm2, v20, v23;
	vm4 =	vgt.f32 v30, v6;
	s1 =	sshll.u32 s1, $0x4;
	v36 =	vld [tilespmem:s4+$0x9E00]  }
0x81: {  	s20 =	simm.s32 $0x10;
	s10 =	simm.s32 $0x80;
	vm5 =	vgt.f32 v31, v7;
	v14 =	vsel vm2, s19, v14;
	v6 =	vsel vm4, v30, v6;
	s1 =	sadd.s32 $0x0, s1;
	v21 =	vld [tilespmem:s4+$0x9E80]  }
0x82: {  	s17 =	sand.u32 $0x70, s20;
	s18 =	sand.u32 $0x3C00, s10;
	v7 =	vsel vm5, v31, v7;
	v15 =	vsel vm3, s19, v15;
	s1 =	sor.u32 $0x380, s1;
	vm15 =	vgt.f32 v32, v8;
	v27 =	vld [tilespmem:s4+$0x9F00]  }
0x83: {  	v16 =	vsel vm4, s19, v16;
	s17 =	sor.u32 s17, s18;
	v10 =	vsel vm5, s19, v10;
	v28 =	vld [tilespmem:s1+$0x9C00];
	v8 =	vsel vm15, v32, v8  }
0x84: {  	v26 =	vld [tilespmem:s17+$0x9C00];
	v13 =	vsel vm15, s19, v13;
	vm1 =	vgt.f32 v33, v17;
	vm0 =	vgt.f32 v34, v18  }
0x85: {  	v9 =	vld [tilespmem:s17+$0x9C80];
	vm3 =	vgt.f32 v35, v22;
	vm2 =	vgt.f32 v36, v24;
	v17 =	vsel vm1, v33, v17  }
0x86: {  	s18 =	simm.s32 $0x1;
	v25 =	vld [tilespmem:s17+$0x9D00];
	v19 =	vsel vm1, s24, v19;
	v18 =	vsel vm0, v34, v18;
	vm1 =	vgt.f32 v29, v23  }
0x87: {  	s6 =	smov.u32 s24;
	s1 =	sand.u32 $0x7, s18;
	v20 =	vld [tilespmem:s17+$0x9D80];
	s4 =	simm.s32 $0x20;
	v22 =	vsel vm3, v35, v22;
	v24 =	vsel vm2, v36, v24;
	v23 =	vsel vm1, v29, v23  }
.LBB2_9:
0x88: {  	p1 =	sne.s32 s4, $0x670;
	s1 =	sshll.u32 s1, $0x4;
	v29 =	vld [tilespmem:s17+$0x9E00];
	vm4 =	vgt.f32 v21, v6;
	vm5 =	vgt.f32 v27, v7;
	vm6 =	vgt.f32 v28, v8  }
0x89: {  	s1 =	sadd.s32 s1, s10;
	s10 =	sadd.s32 $0x80, s10;
	v6 =	vsel vm4, v21, v6;
	v21 =	vld [tilespmem:s17+$0x9E80];
	v7 =	vsel vm5, v27, v7;
	v8 =	vsel vm6, v28, v8;
	v30 =	vmovc v26  }
0x8a: {  	s19 =	sand.u32 $0x70, s4;
	v11 =	vsel vm0, s6, v11;
	v12 =	vsel vm3, s6, v12;
	v13 =	vsel vm6, s6, v13;
	s20 =	sand.u32 $0x3C00, s10;
	v27 =	vld [tilespmem:s17+$0x9F00];
	s1 =	sor.u32 $0x380, s1  }
.Ltmp3:
0x8b: {  	v14 =	vsel vm1, s6, v14;
	v15 =	vsel vm2, s6, v15;
	v16 =	vsel vm4, s6, v16;
	s17 =	sor.u32 s19, s20;
	v28 =	vld [tilespmem:s1+$0x9C00];
	v31 =	vmovc v25;
	(pc) =	sbr.rel @p1 .LBB2_9-.Ltmp3, $4  }
0x8c: {  	v10 =	vsel vm5, s6, v10;
	s6 =	sadd.s32 $0x1, s6;
	vm1 =	vgt.f32 v30, v17;
	vm0 =	vgt.f32 v9, v18;
	v26 =	vld [tilespmem:s17+$0x9C00]  }
0x8d: {  	v17 =	vsel vm1, v30, v17;
	v19 =	vsel vm1, s6, v19;
	v18 =	vsel vm0, v9, v18;
	v9 =	vld [tilespmem:s17+$0x9C80]  }
0x8e: {  	s18 =	sadd.s32 $0x1, s18;
	vm3 =	vgt.f32 v31, v22;
	vm1 =	vgt.f32 v20, v23;
	vm2 =	vgt.f32 v29, v24;
	v25 =	vld [tilespmem:s17+$0x9D00]  }
0x8f: {  	s4 =	sadd.s32 $0x10, s4;
	s1 =	sand.u32 $0x7, s18;
	v22 =	vsel vm3, v31, v22;
	v23 =	vsel vm1, v20, v23;
	v24 =	vsel vm2, v29, v24;
	v20 =	vld [tilespmem:s17+$0x9D80]  }
0x90: {  	s1 =	sshll.u32 s1, $0x4  }
0x91: {  	v29 =	vld [tilespmem:s17+$0x9E00];
	s4 =	sadd.s32 @!p0 s8, s14;
	s1 =	sadd.s32 s1, s10  }
0x92: {  	v30 =	vld [tilespmem:s17+$0x9E80];
	s4 =	sshrl.u32 @!p0 s4, $0x3;
	s1 =	sor.u32 $0x380, s1  }
0x93: {  	s10 =	simm.s32 @!p0 $0x9C00;
	v32 =	vld [tilespmem:s1+$0x9C00];
	s1 =	sadd.s32 @!p0 s2, s4;
	s4 =	simm.s32 @!p0 $0x0  }
0x94: {  	v31 =	vld [tilespmem:s17+$0x9F00];
	vm4 =	vgt.f32 v21, v6;
	vm5 =	vgt.f32 v27, v7;
	vm6 =	vgt.f32 v28, v8;
	[tilespmem:s10], [sflag:$0x4] =	stream.linear.gather @!p0 [hbm4b:s1+s4], $0x3400, $0x38  }
0x95: {  	s20 =	simm.s32 $0x0;
	v11 =	vsel vm0, s6, v11;
	v12 =	vsel vm3, s6, v12;
	v14 =	vsel vm1, s6, v14;
	_ =	swait.ge [sflag:s30], $0x3400  }
0x96: {  	v15 =	vsel vm2, s6, v15;
	v6 =	vsel vm4, v21, v6;
	v7 =	vsel vm5, v27, v7;
	s17 =	sand.u32 $0x70, s20;
	s18 =	sand.u32 $0x3C00, s20;
	[sflag:s30] =	ssyncset.done $0x0  }
0x97: {  	v8 =	vsel vm6, v28, v8;
	v13 =	vsel vm6, s6, v13;
	v16 =	vsel vm4, s6, v16;
	s4 =	sor.u32 s17, s18;
	[sflag:s30] =	ssyncadd.s32 $0xFFFFCC00  }
0x98: {  	s19 =	sadd.s32 $0x1, s6;
	vm0 =	vgt.f32 v26, v17;
	v10 =	vsel vm5, s6, v10;
	vm1 =	vgt.f32 v9, v18;
	v21 =	vld [tilespmem:s4+$0xD000]  }
0x99: {  	v33 =	vsel vm0, v26, v17;
	v34 =	vsel vm0, s19, v19;
	v35 =	vsel vm1, v9, v18;
	v36 =	vld [tilespmem:s4+$0xD080]  }
0x9a: {  	vm0 =	vgt.f32 v25, v22;
	v11 =	vsel vm1, s19, v11;
	vm2 =	vgt.f32 v20, v23;
	v37 =	vld [tilespmem:s4+$0xD100]  }
0x9b: {  	v22 =	vsel vm0, v25, v22;
	s1 =	sand.u32 $0x7, s20;
	v12 =	vsel vm0, s19, v12;
	vm3 =	vgt.f32 v29, v24;
	v38 =	vld [tilespmem:s4+$0xD180]  }
0x9c: {  	v23 =	vsel vm2, v20, v23;
	vm4 =	vgt.f32 v30, v6;
	vm5 =	vgt.f32 v31, v7;
	s1 =	sshll.u32 s1, $0x4;
	v39 =	vld [tilespmem:s4+$0xD200]  }
0x9d: {  	s20 =	simm.s32 $0x10;
	s10 =	simm.s32 $0x80;
	v17 =	vsel vm2, s19, v14;
	v29 =	vsel vm3, v29, v24;
	v6 =	vsel vm4, v30, v6;
	s1 =	sadd.s32 $0x0, s1;
	v24 =	vld [tilespmem:s4+$0xD280]  }
0x9e: {  	s17 =	sand.u32 $0x70, s20;
	s18 =	sand.u32 $0x3C00, s10;
	v7 =	vsel vm5, v31, v7;
	v18 =	vsel vm3, s19, v15;
	s1 =	sor.u32 $0x380, s1;
	vm15 =	vgt.f32 v32, v8;
	v27 =	vld [tilespmem:s4+$0xD300]  }
0x9f: {  	v19 =	vsel vm4, s19, v16;
	s17 =	sor.u32 s17, s18;
	v10 =	vsel vm5, s19, v10;
	v28 =	vld [tilespmem:s1+$0xD000];
	v8 =	vsel vm15, v32, v8  }
0xa0: {  	v26 =	vld [tilespmem:s17+$0xD000];
	v13 =	vsel vm15, s19, v13;
	vm1 =	vgt.f32 v21, v33;
	vm0 =	vgt.f32 v36, v35  }
0xa1: {  	v9 =	vld [tilespmem:s17+$0xD080];
	vm3 =	vgt.f32 v37, v22;
	vm2 =	vgt.f32 v39, v29;
	v14 =	vsel vm1, v21, v33  }
0xa2: {  	s18 =	simm.s32 $0x1;
	v25 =	vld [tilespmem:s17+$0xD100];
	v16 =	vsel vm1, s0, v34;
	v15 =	vsel vm0, v36, v35;
	vm1 =	vgt.f32 v38, v23  }
0xa3: {  	s6 =	smov.u32 s0;
	s1 =	sand.u32 $0x7, s18;
	v20 =	vld [tilespmem:s17+$0xD180];
	s4 =	simm.s32 $0x20;
	v21 =	vsel vm3, v37, v22;
	v22 =	vsel vm1, v38, v23;
	v23 =	vsel vm2, v39, v29  }
.LBB2_11:
0xa4: {  	p1 =	sne.s32 s4, $0x670;
	s1 =	sshll.u32 s1, $0x4;
	v29 =	vld [tilespmem:s17+$0xD200];
	vm4 =	vgt.f32 v24, v6;
	vm5 =	vgt.f32 v27, v7;
	vm6 =	vgt.f32 v28, v8  }
0xa5: {  	s1 =	sadd.s32 s1, s10;
	s10 =	sadd.s32 $0x80, s10;
	v6 =	vsel vm4, v24, v6;
	v24 =	vld [tilespmem:s17+$0xD280];
	v7 =	vsel vm5, v27, v7;
	v8 =	vsel vm6, v28, v8;
	v30 =	vmovc v26  }
0xa6: {  	s19 =	sand.u32 $0x70, s4;
	v11 =	vsel vm0, s6, v11;
	v12 =	vsel vm3, s6, v12;
	v13 =	vsel vm6, s6, v13;
	s20 =	sand.u32 $0x3C00, s10;
	v27 =	vld [tilespmem:s17+$0xD300];
	s1 =	sor.u32 $0x380, s1  }
.Ltmp4:
0xa7: {  	v17 =	vsel vm1, s6, v17;
	v18 =	vsel vm2, s6, v18;
	v19 =	vsel vm4, s6, v19;
	s17 =	sor.u32 s19, s20;
	v28 =	vld [tilespmem:s1+$0xD000];
	v31 =	vmovc v25;
	(pc) =	sbr.rel @p1 .LBB2_11-.Ltmp4, $4  }
0xa8: {  	v10 =	vsel vm5, s6, v10;
	s6 =	sadd.s32 $0x1, s6;
	vm1 =	vgt.f32 v30, v14;
	vm0 =	vgt.f32 v9, v15;
	v26 =	vld [tilespmem:s17+$0xD000]  }
0xa9: {  	v14 =	vsel vm1, v30, v14;
	v16 =	vsel vm1, s6, v16;
	v15 =	vsel vm0, v9, v15;
	v9 =	vld [tilespmem:s17+$0xD080]  }
0xaa: {  	s18 =	sadd.s32 $0x1, s18;
	vm3 =	vgt.f32 v31, v21;
	vm1 =	vgt.f32 v20, v22;
	vm2 =	vgt.f32 v29, v23;
	v25 =	vld [tilespmem:s17+$0xD100]  }
0xab: {  	s4 =	sadd.s32 $0x10, s4;
	s1 =	sand.u32 $0x7, s18;
	v21 =	vsel vm3, v31, v21;
	v22 =	vsel vm1, v20, v22;
	v23 =	vsel vm2, v29, v23;
	v20 =	vld [tilespmem:s17+$0xD180]  }
0xac: {  	s1 =	sshll.u32 s1, $0x4  }
0xad: {  	v29 =	vld [tilespmem:s17+$0xD200];
	s4 =	sadd.s32 @!p0 s8, s15;
	s1 =	sadd.s32 s1, s10  }
0xae: {  	v30 =	vld [tilespmem:s17+$0xD280];
	s4 =	sshrl.u32 @!p0 s4, $0x3;
	s1 =	sor.u32 $0x380, s1  }
0xaf: {  	s8 =	simm.s32 @!p0 $0xD000;
	v32 =	vld [tilespmem:s1+$0xD000];
	s1 =	sadd.s32 @!p0 s2, s4;
	s4 =	simm.s32 @!p0 $0x0  }
0xb0: {  	v31 =	vld [tilespmem:s17+$0xD300];
	vm4 =	vgt.f32 v24, v6;
	vm5 =	vgt.f32 v27, v7;
	vm6 =	vgt.f32 v28, v8;
	[tilespmem:s8], [sflag:$0x5] =	stream.linear.gather @!p0 [hbm4b:s1+s4], $0x3400, $0x38  }
0xb1: {  	s20 =	simm.s32 $0x0;
	v11 =	vsel vm0, s6, v11;
	v12 =	vsel vm3, s6, v12;
	v17 =	vsel vm1, s6, v17;
	_ =	swait.ge [sflag:s31], $0x3400  }
0xb2: {  	v18 =	vsel vm2, s6, v18;
	v24 =	vsel vm4, v24, v6;
	v7 =	vsel vm5, v27, v7;
	s10 =	sand.u32 $0x70, s20;
	s17 =	sand.u32 $0x3C00, s20;
	[sflag:s31] =	ssyncset.done $0x0  }
0xb3: {  	v8 =	vsel vm6, v28, v8;
	v13 =	vsel vm6, s6, v13;
	v19 =	vsel vm4, s6, v19;
	s4 =	sor.u32 s10, s17;
	[sflag:s31] =	ssyncadd.s32 $0xFFFFCC00  }
0xb4: {  	vm0 =	vgt.f32 v26, v14;
	v27 =	vsel vm5, s6, v10;
	s6 =	sadd.s32 $0x1, s6;
	vm1 =	vgt.f32 v9, v15;
	s18 =	sadd.s32 $0x10400, s4;
	v33 =	vld [tilespmem:s4+$0x10400]  }
0xb5: {  	v26 =	vsel vm0, v26, v14;
	v6 =	vsel vm0, s6, v16;
	vm0 =	vgt.f32 v25, v21;
	v35 =	vld [tilespmem:s18+$0x80]  }
0xb6: {  	v34 =	vsel vm1, v9, v15;
	vm2 =	vgt.f32 v20, v22;
	v25 =	vsel vm0, v25, v21;
	v36 =	vld [tilespmem:s18+$0x100]  }
0xb7: {  	s1 =	sand.u32 $0x7, s20;
	v21 =	vsel vm1, s6, v11;
	v11 =	vsel vm0, s6, v12;
	vm3 =	vgt.f32 v29, v23;
	v38 =	vld [tilespmem:s18+$0x180]  }
0xb8: {  	v37 =	vsel vm2, v20, v22;
	vm4 =	vgt.f32 v30, v24;
	vm5 =	vgt.f32 v31, v7;
	s1 =	sshll.u32 s1, $0x4;
	v39 =	vld [tilespmem:s18+$0x200]  }
0xb9: {  	s19 =	simm.s32 $0x10;
	s8 =	simm.s32 $0x80;
	v15 =	vsel vm2, s6, v17;
	v29 =	vsel vm3, v29, v23;
	v9 =	vsel vm4, v30, v24;
	s1 =	sadd.s32 $0x0, s1;
	v14 =	vld [tilespmem:s18+$0x280]  }
0xba: {  	s20 =	sand.u32 $0x3C00, s8;
	v7 =	vsel vm5, v31, v7;
	v12 =	vsel vm4, s6, v19;
	s1 =	sor.u32 $0x380, s1;
	vm15 =	vgt.f32 v32, v8;
	s4 =	sand.u32 $0x70, s19;
	v20 =	vld [tilespmem:s18+$0x300]  }
0xbb: {  	v16 =	vsel vm5, s6, v27;
	v28 =	vld [tilespmem:s1+$0x10400];
	v8 =	vsel vm15, v32, v8;
	v10 =	vsel vm15, s6, v13;
	s4 =	sor.u32 s4, s20  }
0xbc: {  	v13 =	vsel vm3, s6, v18;
	s10 =	sadd.s32 $0x10400, s4;
	v22 =	vld [tilespmem:s4+$0x10400];
	vm0 =	vgt.f32 v33, v26;
	vm1 =	vgt.f32 v35, v34  }
0xbd: {  	v17 =	vld [tilespmem:s10+$0x80];
	vm3 =	vgt.f32 v36, v25;
	vm2 =	vgt.f32 v38, v37;
	v18 =	vsel vm0, v33, v26  }
0xbe: {  	s17 =	simm.s32 $0x1;
	v27 =	vld [tilespmem:s10+$0x100];
	v19 =	vsel vm1, v35, v34;
	v21 =	vsel vm1, s5, v21;
	vm1 =	vgt.f32 v39, v29  }
0xbf: {  	s18 =	simm.s32 $0x20;
	s6 =	smov.u32 s5;
	s4 =	sand.u32 $0x7, s17;
	v24 =	vld [tilespmem:s10+$0x180];
	v23 =	vsel vm3, v36, v25;
	v25 =	vsel vm2, v38, v37;
	v26 =	vsel vm1, v39, v29  }
.LBB2_13:
0xc0: {  	p1 =	sne.s32 s18, $0x670;
	s1 =	sshll.u32 s4, $0x4;
	v29 =	vld [tilespmem:s10+$0x200];
	vm4 =	vgt.f32 v14, v9;
	vm5 =	vgt.f32 v20, v7;
	vm6 =	vgt.f32 v28, v8  }
0xc1: {  	s1 =	sadd.s32 s1, s8;
	s8 =	sadd.s32 $0x80, s8;
	v9 =	vsel vm4, v14, v9;
	v14 =	vld [tilespmem:s10+$0x280];
	v7 =	vsel vm5, v20, v7;
	v8 =	vsel vm6, v28, v8;
	v30 =	vmovc v22  }
0xc2: {  	s4 =	sand.u32 $0x70, s18;
	v11 =	vsel vm3, s6, v11;
	v15 =	vsel vm2, s6, v15;
	v10 =	vsel vm6, s6, v10;
	s19 =	sand.u32 $0x3C00, s8;
	v20 =	vld [tilespmem:s10+$0x300];
	s1 =	sor.u32 $0x380, s1  }
.Ltmp5:
0xc3: {  	v13 =	vsel vm1, s6, v13;
	v12 =	vsel vm4, s6, v12;
	v16 =	vsel vm5, s6, v16;
	s4 =	sor.u32 s4, s19;
	v28 =	vld [tilespmem:s1+$0x10400];
	v31 =	vmovc v27;
	(pc) =	sbr.rel @p1 .LBB2_13-.Ltmp5, $4  }
0xc4: {  	v6 =	vsel vm0, s6, v6;
	s6 =	sadd.s32 $0x1, s6;
	vm1 =	vgt.f32 v17, v19;
	vm0 =	vgt.f32 v30, v18;
	s10 =	sadd.s32 $0x10400, s4;
	v22 =	vld [tilespmem:s4+$0x10400]  }
0xc5: {  	v18 =	vsel vm0, v30, v18;
	v19 =	vsel vm1, v17, v19;
	v21 =	vsel vm1, s6, v21;
	v17 =	vld [tilespmem:s10+$0x80]  }
0xc6: {  	s17 =	sadd.s32 $0x1, s17;
	vm3 =	vgt.f32 v31, v23;
	vm2 =	vgt.f32 v24, v25;
	vm1 =	vgt.f32 v29, v26;
	v27 =	vld [tilespmem:s10+$0x100]  }
0xc7: {  	s18 =	sadd.s32 $0x10, s18;
	s4 =	sand.u32 $0x7, s17;
	v23 =	vsel vm3, v31, v23;
	v25 =	vsel vm2, v24, v25;
	v26 =	vsel vm1, v29, v26;
	v24 =	vld [tilespmem:s10+$0x180]  }
0xc8: {  	vm4 =	vgt.f32 v14, v9  }
0xc9: {  	s1 =	sshll.u32 s4, $0x4;
	v29 =	vld [tilespmem:s10+$0x200];
	vm5 =	vgt.f32 v20, v7;
	vm6 =	vgt.f32 v28, v8;
	v11 =	vsel vm3, s6, v11  }
0xca: {  	v30 =	vld [tilespmem:s10+$0x280];
	v31 =	vsel vm2, s6, v15;
	v32 =	vsel vm1, s6, v13;
	v34 =	vsel vm0, s6, v6;
	s1 =	sadd.s32 s1, s8  }
0xcb: {  	v63 =	vld [tilespmem:s10+$0x300];
	v9 =	vsel vm4, v14, v9;
	v7 =	vsel vm5, v20, v7;
	v8 =	vsel vm6, v28, v8;
	s1 =	sor.u32 $0x380, s1  }
0xcc: {  	v10 =	vsel vm6, s6, v10;
	v33 =	vsel vm4, s6, v12;
	vm1 =	vgt.f32 v22, v18;
	v15 =	vld [tilespmem:s1+$0x10400]  }
0xcd: {  	s20 =	sadd.s32 $0x1, s6;
	v16 =	vsel vm5, s6, v16;
	vm9 =	vgt.f32 v17, v19;
	v20 =	vsel vm1, v22, v18  }
0xce: {  	v22 =	vsel vm9, v17, v19;
	v14 =	vsel vm9, s20, v21;
	vm10 =	vgt.f32 v27, v23  }
0xcf: {  	vm11 =	vgt.f32 v24, v25;
	v23 =	vsel vm10, v27, v23;
	vm12 =	vgt.f32 v29, v26  }
.Ltmp6:
0xd0: {  	v18 =	vsel vm11, v24, v25;
	vm13 =	vgt.f32 v30, v9;
	vm14 =	vgt.f32 v63, v7;
	(pc) =	sbr.rel @p0 .LBB2_16-.Ltmp6, $4  }
0xd1: {  	v12 =	vsel vm11, s20, v31;
	v17 =	vsel vm12, v29, v26;
	vm15 =	vgt.f32 v15, v8  }
0xd2: {  	v6 =	vsel vm13, v30, v9;
	v13 =	vsel vm14, v63, v7;
	v9 =	vsel vm15, v15, v8  }
0xd3: {  	v15 =	vsel vm10, s20, v11;
	v7 =	vsel vm15, s20, v10;
	v11 =	vsel vm12, s20, v32  }
0xd4: {  	v10 =	vsel vm13, s20, v33;
	v8 =	vsel vm14, s20, v16;
	v16 =	vsel vm1, s20, v34  }
0xd5: {  	s1 =	smul.u32 $0x13800, s7  }
.Ltmp7:
0xd6: {  	s7 =	sadd.s32 $0x1, s7;
	(pc) =	sbr.rel .LBB2_2-.Ltmp7, $4  }
0xd7: {  	s9 =	sadd.s32 $0x270, s9;
	s21 =	sadd.s32 $0x270, s21;
	s1 =	sadd.s32 s1, s16  }
0xd8: {  	s22 =	sadd.s32 $0x270, s22;
	s24 =	sadd.s32 $0x270, s24;
	s1 =	sshrl.u32 s1, $0x3  }
0xd9: {  	s0 =	sadd.s32 $0x270, s0;
	s5 =	sadd.s32 $0x270, s5;
	s1 =	sadd.s32 s2, s1  }
0xda: {  	[tilespmem:s23], [sflag:$0x6] =	stream.linear.gather [hbm4b:s1+s3], $0x3400, $0x38;
	[tilespmem:$0x14880] =	vst v63  }
.LBB2_16:
0xdb: {  	s5 =	simm.s32 $0x7  }
0xdc: {  	s0 =	simm.s32 $0x0;
	_ =	swait.ge [sflag:s5], $0x800  }
0xdd: {  	s1 =	sand.u32 $0x70, s0;
	s4 =	sand.u32 $0x400, s0;
	[sflag:s5] =	ssyncset.done $0x0  }
0xde: {  	s1 =	sor.u32 s1, s4;
	[sflag:s5] =	ssyncadd.s32 $0xFFFFF800  }
0xdf: {  	v26 =	vld [tilespmem:s1+$0x13800]  }
0xe0: {  	s0 =	sor.u32 s0, s0;
	v19 =	vld [tilespmem:s1+$0x13880]  }
0xe1: {  	s0 =	sor.u32 $0x380, s0;
	v30 =	vld [tilespmem:s1+$0x13B00]  }
0xe2: {  	v31 =	vld [tilespmem:s0+$0x13800]  }
0xe3: {  	v25 =	vld [tilespmem:s1+$0x13900]  }
0xe4: {  	v27 =	vld [tilespmem:s1+$0x13980]  }
0xe5: {  	s24 =	simm.s32 $0x80;
	s8 =	simm.s32 $0x10  }
0xe6: {  	s6 =	sand.u32 $0x70, s8;
	s7 =	sand.u32 $0x400, s24;
	v29 =	vld [tilespmem:s1+$0x13A00];
	vm0 =	vgt.f32 v26, v20;
	vm1 =	vgt.f32 v19, v22;
	vm2 =	vgt.f32 v30, v13  }
0xe7: {  	s6 =	sor.u32 s6, s7;
	s5 =	simm.s32 $0x1860;
	v24 =	vld [tilespmem:s1+$0x13A80];
	vm3 =	vgt.f32 v31, v9;
	vm0 =	vmmov vm0;
	v21 =	vsel vm1, v19, v22  }
0xe8: {  	v28 =	vld [tilespmem:s6+$0x13800];
	v19 =	vsel vm1, s5, v14;
	vm1 =	vgt.f32 v25, v23;
	v13 =	vsel vm2, v30, v13  }
0xe9: {  	v22 =	vsel vm1, v25, v23;
	v15 =	vsel vm1, s5, v15;
	vm1 =	vgt.f32 v27, v18;
	v25 =	vld [tilespmem:s6+$0x13880]  }
0xea: {  	v8 =	vsel vm2, s5, v8;
	v9 =	vsel vm3, v31, v9;
	v23 =	vld [tilespmem:s6+$0x13900];
	v18 =	vsel vm1, v27, v18  }
0xeb: {  	v14 =	vsel vm1, s5, v12;
	vm1 =	vgt.f32 v29, v17;
	v27 =	vsel vm0, v26, v20;
	v20 =	vld [tilespmem:s6+$0x13A00]  }
0xec: {  	s9 =	sor.u32 s24, s8;
	s8 =	simm.s32 $0x20;
	v12 =	vsel vm1, v29, v17;
	v11 =	vsel vm1, s5, v11;
	vm1 =	vgt.f32 v24, v6;
	v17 =	vld [tilespmem:s6+$0x13980]  }
0xed: {  	s7 =	simm.s32 $0x1862;
	s4 =	simm.s32 $0x100;
	s0 =	simm.s32 $0x1861;
	v7 =	vsel vm3, s5, v7;
	v26 =	vld [tilespmem:s6+$0x13A80];
	vm2 =	vgt.f32 v28, v27;
	v10 =	vsel vm1, s5, v10  }
.LBB2_17:
0xee: {  	s1 =	sand.u32 $0x70, s8;
	s10 =	sand.u32 $0x400, s4;
	vm3 =	vgt.f32 v25, v21  }
0xef: {  	v29 =	vld [tilespmem:s6+$0x13B00];
	s9 =	sor.u32 $0x380, s9;
	v16 =	vsel vm0, s5, v16;
	v6 =	vsel vm1, v24, v6;
	vm0 =	vmmov vm2;
	s5 =	smov.u32 s0;
	s0 =	smov.u32 s7  }
0xf0: {  	p0 =	sne.s32 s7, $0x1869;
	s7 =	sadd.s32 $0x1, s7;
	s6 =	sor.u32 s1, s10;
	v21 =	vsel vm3, v25, v21;
	v19 =	vsel vm3, s5, v19;
	vm1 =	vgt.f32 v23, v22;
	v30 =	vld [tilespmem:s9+$0x13800]  }
0xf1: {  	v31 =	vld [tilespmem:s6+$0x13800];
	v22 =	vsel vm1, v23, v22;
	v15 =	vsel vm1, s5, v15;
	vm1 =	vgt.f32 v17, v18  }
.Ltmp8:
0xf2: {  	v25 =	vld [tilespmem:s6+$0x13880];
	v18 =	vsel vm1, v17, v18;
	v14 =	vsel vm1, s5, v14;
	vm1 =	vgt.f32 v20, v12;
	(pc) =	sbr.rel @p0 .LBB2_17-.Ltmp8, $4  }
0xf3: {  	v23 =	vld [tilespmem:s6+$0x13900];
	v12 =	vsel vm1, v20, v12;
	v11 =	vsel vm1, s5, v11;
	vm1 =	vgt.f32 v26, v6;
	v24 =	vmovc v26  }
0xf4: {  	v27 =	vsel vm0, v28, v27;
	v17 =	vld [tilespmem:s6+$0x13980];
	v10 =	vsel vm1, s5, v10;
	vm2 =	vgt.f32 v29, v13  }
0xf5: {  	v20 =	vld [tilespmem:s6+$0x13A00];
	v13 =	vsel vm2, v29, v13;
	v8 =	vsel vm2, s5, v8;
	vm3 =	vgt.f32 v30, v9  }
0xf6: {  	s9 =	sor.u32 s4, s8;
	s4 =	sadd.s32 $0x80, s4;
	s8 =	sadd.s32 $0x10, s8;
	vm2 =	vgt.f32 v31, v27;
	v26 =	vld [tilespmem:s6+$0x13A80];
	v9 =	vsel vm3, v30, v9;
	v7 =	vsel vm3, s5, v7;
	v28 =	vmovc v31  }
0xf7: {  	vm2 =	vmmov vm2  }
0xf8: {  	v29 =	vld [tilespmem:s6+$0x13B00];
	s1 =	sor.u32 $0x380, s9;
	v16 =	vsel vm0, s5, v16;
	v27 =	vsel vm2, v28, v27  }
0xf9: {  	vm0 =	vgt.f32 v25, v21;
	v63 =	vld [tilespmem:s1+$0x13800];
	v16 =	vsel vm2, s0, v16;
	[tilespmem:$0x14000] =	vst v27  }
0xfa: {  	v21 =	vsel vm0, v25, v21;
	[tilespmem:$0x14400] =	vst v16  }
0xfb: {  	v16 =	vsel vm0, s0, v19;
	vm0 =	vgt.f32 v23, v22;
	[tilespmem:$0x14080] =	vst v21  }
0xfc: {  	v19 =	vsel vm0, v23, v22;
	[tilespmem:$0x14480] =	vst v16  }
0xfd: {  	v15 =	vsel vm0, s0, v15;
	vm0 =	vgt.f32 v17, v18;
	[tilespmem:$0x14100] =	vst v19  }
0xfe: {  	v16 =	vsel vm0, v17, v18;
	[tilespmem:$0x14500] =	vst v15  }
0xff: {  	v14 =	vsel vm0, s0, v14;
	vm0 =	vgt.f32 v20, v12;
	[tilespmem:$0x14180] =	vst v16  }
0x100: {  	v6 =	vsel vm1, v24, v6;
	v12 =	vsel vm0, v20, v12;
	[tilespmem:$0x14580] =	vst v14  }
0x101: {  	v11 =	vsel vm0, s0, v11;
	vm0 =	vgt.f32 v26, v6;
	[tilespmem:$0x14200] =	vst v12  }
0x102: {  	v6 =	vsel vm0, v26, v6;
	[tilespmem:$0x14600] =	vst v11  }
0x103: {  	v10 =	vsel vm0, s0, v10;
	vm0 =	vgt.f32 v29, v13;
	[tilespmem:$0x14280] =	vst v6  }
0x104: {  	v6 =	vsel vm0, v29, v13;
	[tilespmem:$0x14680] =	vst v10  }
0x105: {  	v8 =	vsel vm0, s0, v8;
	vm0 =	vgt.f32 v63, v9;
	[tilespmem:$0x14300] =	vst v6  }
0x106: {  	v6 =	vsel vm0, v63, v9;
	[tilespmem:$0x14700] =	vst v8  }
0x107: {  	v7 =	vsel vm0, s0, v7;
	[tilespmem:$0x14380] =	vst v6  }
0x108: {  	s19 =	simm.s32 $0x14400;
	[tilespmem:$0x14780] =	vst v7  }
0x109: {  	v6 =	vld [tilespmem:s19+$0x0]  }
0x10a: {  	s20 =	simm.s32 $0x14000  }
0x10b: {  	v7 =	vld [tilespmem:s20+$0x0];
	_ =	sdelay $0x2  }
0x10c: {  	v6 =	vshll.u32 v6, $0x4  }
0x10d: {  	v6 =	vor.u32 v0, v6  }
0x10e: {  	v8 =	vperm.xlane v7, v1;
	v9 =	vperm.xlane v6, v1;
	_ =	sdelay $0x1  }
0x10f: {  	s21 =	simm.s32 $0x14480;
	vm0 =	veq.f32 v8, v7;
	vm1 =	vlt.s32 v9, v6  }
0x110: {  	v10 =	vld [tilespmem:s21+$0x0];
	vm2 =	vgt.f32 v8, v7;
	vm0 =	vmand vm0, vm1  }
0x111: {  	vm0 =	vmor vm2, vm0  }
0x112: {  	s22 =	simm.s32 $0x14080;
	v7 =	vsel vm0, v8, v7;
	v6 =	vsel vm0, v9, v6  }
0x113: {  	v11 =	vld [tilespmem:s22+$0x0];
	v8 =	vperm.xlane v7, v3;
	v9 =	vperm.xlane v6, v3;
	_ =	sdelay $0x1  }
0x114: {  	v10 =	vshll.u32 v10, $0x4;
	vm0 =	veq.f32 v8, v7;
	vm1 =	vlt.s32 v9, v6  }
0x115: {  	v10 =	vor.u32 v0, v10;
	vm2 =	vgt.f32 v8, v7;
	vm0 =	vmand vm0, vm1  }
0x116: {  	v13 =	vperm.xlane v10, v1;
	vm0 =	vmor vm2, vm0  }
0x117: {  	v12 =	vperm.xlane v11, v1;
	v14 =	vsel vm0, v8, v7;
	v15 =	vsel vm0, v9, v6  }
0x118: {  	s7 =	simm.s32 $0x14500;
	vm1 =	vlt.s32 v13, v10;
	v16 =	vperm.xlane v14, v4;
	v17 =	vperm.xlane v15, v4  }
0x119: {  	s6 =	simm.s32 $0x14100;
	v18 =	vld [tilespmem:s7+$0x0];
	vm2 =	vgt.f32 v12, v11;
	v6 =	vimm.f32 $0.0e+00;
	vm0 =	veq.f32 v12, v11  }
0x11a: {  	v8 =	vld [tilespmem:s6+$0x0];
	vm0 =	vmand vm0, vm1;
	vm1 =	veq.f32 v16, v14;
	vm3 =	vlt.s32 v17, v15  }
0x11b: {  	s24 =	simm.s32 $0x0;
	vm0 =	vmor vm2, vm0;
	vm2 =	vgt.f32 v16, v14;
	vm1 =	vmand vm1, vm3  }
0x11c: {  	v7 =	vmov s24;
	v9 =	vsel vm0, v12, v11;
	vm1 =	vmor vm2, vm1  }
0x11d: {  	v12 =	vperm.xlane v9, v3;
	v19 =	vsel vm1, v16, v14;
	v11 =	vsel vm1, v17, v15  }
0x11e: {  	v13 =	vsel vm0, v13, v10;
	v17 =	vperm.xlane v19, v5;
	v14 =	vperm.xlane v11, v5  }
0x11f: {  	v10 =	vperm.xlane v8, v1;
	v16 =	vshll.u32 v18, $0x4;
	v15 =	vperm.xlane v13, v3  }
0x120: {  	vm0 =	veq.f32 v12, v9;
	vm2 =	veq.f32 v17, v19;
	vm4 =	vlt.s32 v14, v11  }
0x121: {  	s5 =	simm.s32 $0x1;
	s8 =	simm.s32 $0x3;
	s0 =	simm.s32 $0x2;
	vm3 =	vlt.s32 v15, v13;
	vm1 =	vgt.f32 v17, v19;
	vm2 =	vmand vm2, vm4  }
.LBB2_19:
0x122: {  	p0 =	sne.s32 s8, $0x7;
	vm4 =	vgt.f32 v12, v9;
	vm0 =	vmand vm0, vm3;
	vm1 =	vmor vm1, vm2  }
0x123: {  	v16 =	vor.u32 v0, v16;
	vm0 =	vmor vm4, vm0;
	v11 =	vsel vm1, v14, v11  }
0x124: {  	v14 =	vperm.xlane v16, v1;
	v17 =	vsel vm0, v12, v9;
	v9 =	vcvt.s32.f32 v11  }
0x125: {  	vm1 =	veq.f32 v10, v8;
	v11 =	vsel vm0, v15, v13;
	v13 =	vperm.xlane v17, v4  }
0x126: {  	s6 =	sadd.s32 $0x80, s6;
	vm0 =	vlt.s32 v14, v16;
	v15 =	vperm.xlane v11, v4;
	v9 =	vmul.f32 v9, v2  }
0x127: {  	vm2 =	vgt.f32 v10, v8;
	s7 =	sadd.s32 $0x80, s7;
	vm0 =	vmand vm1, vm0;
	vm1 =	veq.s32 v7, v0;
	v18 =	vld [tilespmem:s6+$0x0]  }
0x128: {  	vm3 =	veq.f32 v13, v17;
	vm4 =	vlt.s32 v15, v11;
	v19 =	vld [tilespmem:s7+$0x0];
	v6 =	vsel vm1, v9, v6  }
0x129: {  	vm0 =	vmor vm2, vm0;
	vm1 =	vgt.f32 v13, v17;
	vm2 =	vmand vm3, vm4  }
0x12a: {  	v7 =	vmov s5;
	s5 =	smov.u32 s0;
	s0 =	smov.u32 s8;
	v9 =	vsel vm0, v10, v8;
	vm1 =	vmor vm1, vm2  }
.Ltmp9:
0x12b: {  	v12 =	vperm.xlane v9, v3;
	v17 =	vsel vm1, v13, v17;
	v11 =	vsel vm1, v15, v11;
	(pc) =	sbr.rel @p0 .LBB2_19-.Ltmp9, $4  }
0x12c: {  	v13 =	vsel vm0, v14, v16;
	v20 =	vperm.xlane v17, v5;
	v14 =	vperm.xlane v11, v5;
	v8 =	vmovc v18  }
0x12d: {  	v15 =	vperm.xlane v13, v3;
	v16 =	vshll.u32 v19, $0x4;
	v10 =	vperm.xlane v8, v1  }
0x12e: {  	vm0 =	veq.f32 v12, v9;
	vm2 =	veq.f32 v20, v17;
	vm4 =	vlt.s32 v14, v11  }
0x12f: {  	s8 =	sadd.s32 $0x1, s8;
	vm3 =	vlt.s32 v15, v13;
	vm1 =	vgt.f32 v20, v17;
	vm2 =	vmand vm2, vm4  }
0x130: {  	v16 =	vor.u32 v0, v16  }
0x131: {  	v17 =	vperm.xlane v16, v1;
	_ =	sdelay $0x1  }
0x132: {  	vm4 =	veq.f32 v10, v8;
	vm5 =	vlt.s32 v17, v16  }
0x133: {  	vm13 =	vgt.f32 v10, v8;
	vm4 =	vmand vm4, vm5  }
0x134: {  	vm0 =	vmand vm0, vm3;
	vm14 =	vmor vm13, vm4  }
0x135: {  	vm15 =	vgt.f32 v12, v9;
	v51 =	vsel vm14, v10, v8;
	v52 =	vsel vm14, v17, v16  }
0x136: {  	vm0 =	vmor vm15, vm0;
	v53 =	vperm.xlane v51, v3;
	v17 =	vperm.xlane v52, v3  }
0x137: {  	v54 =	vsel vm0, v12, v9  }
0x138: {  	v55 =	vsel vm0, v15, v13;
	vm7 =	veq.f32 v53, v51;
	vm8 =	vlt.s32 v17, v52  }
0x139: {  	v56 =	vperm.xlane v54, v4;
	vm9 =	vgt.f32 v53, v51;
	vm0 =	vmand vm7, vm8  }
0x13a: {  	vm1 =	vmor vm1, vm2;
	v57 =	vperm.xlane v55, v4;
	vm0 =	vmor vm9, vm0  }
0x13b: {  	vm10 =	veq.f32 v56, v54;
	v8 =	vsel vm0, v53, v51;
	v10 =	vsel vm0, v17, v52  }
0x13c: {  	vm11 =	vlt.s32 v57, v55;
	v58 =	vperm.xlane v8, v4;
	v59 =	vperm.xlane v10, v4  }
0x13d: {  	v11 =	vsel vm1, v14, v11;
	vm12 =	vgt.f32 v56, v54;
	vm0 =	vmand vm10, vm11  }
0x13e: {  	vm0 =	vmor vm12, vm0;
	vm13 =	veq.f32 v58, v8;
	vm14 =	vlt.s32 v59, v10  }
0x13f: {  	v9 =	vsel vm0, v56, v54;
	vm15 =	vgt.f32 v58, v8;
	vm1 =	vmand vm13, vm14  }
0x140: {  	v12 =	vsel vm0, v57, v55;
	v13 =	vperm.xlane v9, v5;
	vm5 =	vmor vm15, vm1  }
0x141: {  	v14 =	vperm.xlane v12, v5;
	v8 =	vsel vm5, v58, v8;
	v10 =	vsel vm5, v59, v10  }
0x142: {  	v15 =	vperm.xlane v8, v5;
	v16 =	vperm.xlane v10, v5  }
0x143: {  	vm6 =	veq.f32 v13, v9;
	vm7 =	vlt.s32 v14, v12;
	vm8 =	vgt.f32 v13, v9  }
0x144: {  	vm0 =	vmand vm6, vm7;
	vm9 =	veq.f32 v15, v8;
	vm10 =	vlt.s32 v16, v10  }
0x145: {  	vm0 =	vmor vm8, vm0;
	vm11 =	vgt.f32 v15, v8;
	vm1 =	vmand vm9, vm10  }
0x146: {  	v11 =	vcvt.s32.f32 v11;
	v60 =	vsel vm0, v14, v12;
	vm12 =	vmor vm11, vm1  }
0x147: {  	v8 =	vcvt.s32.f32 v60;
	v10 =	vsel vm12, v16, v10  }
0x148: {  	v61 =	vmul.f32 v11, v2;
	vm13 =	veq.s32 v7, v0;
	v7 =	vcvt.s32.f32 v10  }
0x149: {  	v62 =	vmov s5;
	v63 =	vmov s0;
	v8 =	vmul.f32 v8, v2  }
0x14a: {  	vm14 =	veq.s32 v62, v0;
	v6 =	vsel vm13, v61, v6;
	v7 =	vmul.f32 v7, v2  }
0x14b: {  	vm15 =	veq.s32 v63, v0;
	v6 =	vsel vm14, v8, v6  }
0x14c: {  	v6 =	vsel vm15, v7, v6  }
0x14d: {  	s21 =	rddreg [dreg:$0xa];
	s1 =	simm.s32 $0x14800;
	s22 =	simm.s32 $0x8;
	[tilespmem:$0x14800] =	vst v6  }
0x14e: {  	[hbm4b:s21+s3] =	stream.linear.scatter [tilespmem:s1], [sflag:$0x8], $0x10, $0x38;
	[tilespmem:$0x14880] =	vst v63  }
0x14f: {  	_ =	swait.ge [sflag:s22], $0x10  }
0x150: {  	s4 =	rddreg [dreg:$0xc]  }
0x151: {  	s24 =	rddreg [dreg:$0xb];
	s4 =	sadd.s32 $0x1, s4  }
0x152: {  	p0 =	sne.s32 s4, s24  }
.Ltmp10:
0x153: {  	_ = 	snop;
	(pc) =	sbr.rel @p0 .LBB2_1-.Ltmp10, $3  }
0x154: {  	_ =	sdelay $0x1  }
0x155: {  	[sflag:s22] =	ssyncset.done $0x0  }
0x156: {  	[sflag:s22] =	ssyncadd.s32 $0xFFFFFFF0  }
0x157: {  	_ =	sfence.sel $0x180000  }
0x158: {  	[bflag:$0x0] =	sbarrier.arrive $0xFFFF  }
0x159: {  	_ =	strace $0x90000047  }
0x15a: {  	s0 =	stileid.u32;
	[bflag:$0x2] =	sbarrier.arrive $0xFFFF  }
0x15b: {  	p0 =	sne.s32 s0, $0x0;
	s0 =	rddreg [dreg:$0x2]  }
0x15c: {  	s0 =	sadd.s32 @!p0 $0x100000, s0  }
0x15d: {  	[sflag:s0] =	ssyncadd.tile.s32 @!p0 $0x1;
	_ =	shalt  }
.Lfunc_end2:
_tile_overlayer_lowered:
.L_overlay_start_2:
0x15e: {  	(tag) =	ssettag $0x2  }
0x15f: {  	s0 =	rddreg [dreg:$0x0];
	s2 =	stileid.u32  }
0x160: {  	s1 =	rddreg [dreg:$0x1];
	p0 =	sne.s32 s2, $0x0  }
0x161: {  	s3 =	rddreg [dreg:$0x2];
	[bflag:$0x3] =	sbarrier.arrive $0xFFFF;
	s2 =	simm.s32 @!p0 $0x1C08  }
0x162: {  	[timem:s3], [sflag:s2] =	dma.local @!p0 [hbm:s0], s1  }
0x163: {  	s0 =	simm.s32 @!p0 $0x8  }
0x164: {  	_ =	swait.ge @!p0 [sflag:s0], s1  }
0x165: {  	s1 =	ssub.s32 @!p0 $0x0, s1;
	[sflag:s0] =	ssyncset.done @!p0 $0x0  }
0x166: {  	[sflag:s0] =	ssyncadd.s32 @!p0 s1  }
0x167: {  	[bflag:$0x3] =	sbarrier.arrive $0xFFFF  }
0x168: {  	_ =	shalt  }

</sc_bundles>
